<compile_context>
chip_gen: v7x
topology: tpu7x:2x2x1
jax: 0.10.2.dev20260603
libtpu: 0.0.44.dev20260713+nightly
codegen_flags: <defaults>
</compile_context>

<pallas_src>
import functools

import numpy as np
import jax
import jax.numpy as jnp
from jax import lax
from jax.experimental import pallas as pl
from jax.experimental.pallas import tpu as pltpu
from jax.experimental.pallas import tpu_sc as plsc

NS = 16
NV = 4
SH_DIM = 9
EF = 3 * NS
WN = NS * NS + NS * NV
EPS = 1e-5
N_NODES = 10000
N_EDGES = 320000
TP_W = 32

NCORES = 2
NSUB = 16
NW = NCORES * NSUB
PER_W = N_EDGES // NW
CHUNK = 80
NCHUNK = PER_W // CHUNK
ROWS_PER_TILE = N_NODES // NSUB

_R0 = np.repeat(np.eye(NS, dtype=np.float32), NS, axis=1)
_S0 = np.tile(np.eye(NS, dtype=np.float32), (NS, 1))
_R1 = np.repeat(np.eye(NS, dtype=np.float32), NV, axis=1)
_S1 = np.tile(np.eye(NV, dtype=np.float32), (NS, 1))
_E4 = np.repeat(np.eye(NV, dtype=np.float32), 3, axis=1)
_E3 = np.tile(np.eye(3, dtype=np.float32), (1, NV))
_M3 = np.kron(np.eye(NV, dtype=np.float32), np.ones((3, 3), np.float32) / 3.0)

_SC_MESH = dict(core_axis_name="c", subcore_axis_name="s",
                num_cores=NCORES, num_subcores=NSUB)


G_SUPER = 25
G_ROWS = G_SUPER * CHUNK
G_NSUP = PER_W // G_ROWS


def _sc_gather_body(node_hbm, dst_hbm, out_hbm, idx_v, buf, gsem, ssem):
    wid = lax.axis_index("s") * NCORES + lax.axis_index("c")
    base = wid * PER_W
    pltpu.sync_copy(dst_hbm.at[pl.ds(base, PER_W)], idx_v)

    def super_body(s, carry):
        k = s % 2

        @pl.when(s >= 2)
        def _():
            pltpu.make_async_copy(
                buf.at[k], out_hbm.at[pl.ds(base, G_ROWS)], ssem).wait()

        descs = []
        for j in range(G_SUPER):
            off = s * G_ROWS + j * CHUNK
            descs.append(pltpu.async_copy(
                node_hbm.at[idx_v.at[pl.ds(off, CHUNK)]],
                buf.at[k, pl.ds(j * CHUNK, CHUNK)], gsem))
        for d in descs:
            d.wait()
        pltpu.async_copy(buf.at[k],
                         out_hbm.at[pl.ds(base + s * G_ROWS, G_ROWS)], ssem)
        return carry

    lax.fori_loop(0, G_NSUP, super_body, 0)
    for _ in range(min(2, G_NSUP)):
        pltpu.make_async_copy(
            buf.at[0], out_hbm.at[pl.ds(base, G_ROWS)], ssem).wait()


S_CHUNK = 125
S_NCHUNK = PER_W // S_CHUNK
S_SUPER = 8
S_ROWS = S_SUPER * S_CHUNK
S_NSUP = S_NCHUNK // S_SUPER


def _sc_scatter_body(tp_hbm, idx2_hbm, z_hbm, out_hbm, idx_v, buf, lsem,
                     scsem, acc_sh):
    cid = lax.axis_index("c")
    sid = lax.axis_index("s")
    wid = sid * NCORES + cid
    base = wid * PER_W
    r0 = sid * ROWS_PER_TILE

    pltpu.sync_copy(z_hbm.at[pl.ds(r0, ROWS_PER_TILE)],
                    acc_sh.at[pl.ds(r0, ROWS_PER_TILE)])
    pltpu.sync_copy(idx2_hbm.at[pl.ds(wid * S_NCHUNK, S_NCHUNK)], idx_v)
    plsc.subcore_barrier()
    pltpu.async_copy(tp_hbm.at[pl.ds(base, S_ROWS)], buf.at[0], lsem)

    def super_body(s, carry):
        k = s % 2
        pltpu.make_async_copy(
            tp_hbm.at[pl.ds(base, S_ROWS)], buf.at[k], lsem).wait()

        @pl.when(s + 1 < S_NSUP)
        def _():
            pltpu.async_copy(
                tp_hbm.at[pl.ds(base + (s + 1) * S_ROWS, S_ROWS)],
                buf.at[1 - k], lsem)

        descs = []
        for j in range(S_SUPER):
            descs.append(pltpu.async_copy(
                buf.at[k, pl.ds(j * S_CHUNK, S_CHUNK)],
                acc_sh.at[idx_v.at[s * S_SUPER + j]], scsem, add=True))
        for d in descs:
            d.wait()
        return carry

    lax.fori_loop(0, S_NSUP, super_body, 0)
    plsc.subcore_barrier()

    pltpu.sync_copy(acc_sh.at[pl.ds(r0, ROWS_PER_TILE)],
                    buf.at[0, pl.ds(0, ROWS_PER_TILE)])
    pltpu.sync_copy(buf.at[0, pl.ds(0, ROWS_PER_TILE)],
                    out_hbm.at[cid, pl.ds(r0, ROWS_PER_TILE)])


@functools.cache
def _get_sc_gather():
    return pl.kernel(
        _sc_gather_body,
        out_type=jax.ShapeDtypeStruct((N_EDGES, NS), jnp.float32),
        mesh=plsc.VectorSubcoreMesh(**_SC_MESH),
        compiler_params=pltpu.CompilerParams(use_tc_tiling_on_sc=False),
        scratch_types=[
            pltpu.VMEM((PER_W,), jnp.int32),
            pltpu.VMEM((2, G_ROWS, NS), jnp.float32),
            pltpu.SemaphoreType.DMA,
            pltpu.SemaphoreType.DMA,
        ],
    )


@functools.cache
def _get_sc_scatter():
    return pl.kernel(
        _sc_scatter_body,
        out_type=jax.ShapeDtypeStruct((NCORES, N_NODES, TP_W), jnp.float32),
        mesh=plsc.VectorSubcoreMesh(**_SC_MESH),
        compiler_params=pltpu.CompilerParams(use_tc_tiling_on_sc=False),
        scratch_types=[
            pltpu.VMEM((S_NCHUNK, S_CHUNK), jnp.int32),
            pltpu.VMEM((2, S_ROWS, TP_W), jnp.float32),
            pltpu.SemaphoreType.DMA,
            pltpu.SemaphoreType.DMA,
            pltpu.VMEM_SHARED((N_NODES, TP_W), jnp.float32),
        ],
    )

B_EDGE = 12800
_GRID = N_EDGES // B_EDGE


def _tc_main_body(ea_ref, x_ref, sh_ref, w1_ref, w2_ref,
                  r0_ref, s0_ref, r1_ref, s1_ref, e4_ref, e3_ref, out_ref):
    f32 = jnp.float32
    ones = jnp.ones((1, B_EDGE), f32)
    ea = jnp.concatenate([ea_ref[...], ones], axis=0)
    h = jnp.maximum(jnp.dot(w1_ref[...], ea, preferred_element_type=f32), 0.0)
    h1 = jnp.concatenate([h, ones], axis=0)
    w = jnp.dot(w2_ref[...], h1, preferred_element_type=f32)
    xp = x_ref[...]
    x_t = jnp.concatenate(
        [jnp.transpose(xp[:, NS * s:NS * (s + 1)]) for s in range(8)],
        axis=1)
    p0 = jnp.dot(r0_ref[...], x_t, preferred_element_type=f32) * w[: NS * NS]
    pre0 = jnp.dot(s0_ref[...], p0, preferred_element_type=f32)
    p1 = jnp.dot(r1_ref[...], x_t, preferred_element_type=f32) * w[NS * NS :]
    pre1 = jnp.dot(s1_ref[...], p1, preferred_element_type=f32)
    sh = sh_ref[...]
    out0 = pre0 * sh[0:1] * 0.25
    out1 = (jnp.dot(e4_ref[...], pre1, preferred_element_type=f32)
            * jnp.dot(e3_ref[...], sh[1:4], preferred_element_type=f32)) * 0.25
    zeros = jnp.zeros((3, B_EDGE), f32)
    tp_t = jnp.concatenate([out0, out1, ones, zeros], axis=0)
    q = B_EDGE // 4
    out_ref[...] = jnp.concatenate(
        [jnp.transpose(tp_t[:, q * e:q * (e + 1)]) for e in range(4)],
        axis=1)


_tc_main = pl.pallas_call(
    _tc_main_body,
    grid=(_GRID,),
    in_specs=[
        pl.BlockSpec((EF, B_EDGE), lambda i: (0, i)),
        pl.BlockSpec((B_EDGE // 8, 128), lambda i: (i, 0)),
        pl.BlockSpec((SH_DIM, B_EDGE), lambda i: (0, i)),
        pl.BlockSpec((EF, EF + 1), lambda i: (0, 0)),
        pl.BlockSpec((WN, EF + 1), lambda i: (0, 0)),
        pl.BlockSpec((NS * NS, NS), lambda i: (0, 0)),
        pl.BlockSpec((NS, NS * NS), lambda i: (0, 0)),
        pl.BlockSpec((NS * NV, NS), lambda i: (0, 0)),
        pl.BlockSpec((NV, NS * NV), lambda i: (0, 0)),
        pl.BlockSpec((12, NV), lambda i: (0, 0)),
        pl.BlockSpec((12, 3), lambda i: (0, 0)),
    ],
    out_specs=pl.BlockSpec((B_EDGE // 4, 128), lambda i: (i, 0)),
    out_shape=jax.ShapeDtypeStruct((N_EDGES // 4, 128), jnp.float32),
)


def _tc_bn_body(pa_ref, pb_ref, ws_ref, bs_ref, wv_ref, m3_ref, out_ref):
    tot = pa_ref[...] + pb_ref[...]
    cnt = jnp.maximum(tot[:, 28:29], 1.0)
    mean_tp = tot[:, :28] / cnt
    s = mean_tp[:, :NS]
    v = mean_tp[:, NS:28]
    m = jnp.mean(s, axis=0, keepdims=True)
    var = jnp.mean((s - m) ** 2, axis=0, keepdims=True)
    s_out = (s - m) * lax.rsqrt(var + EPS) * ws_ref[...] + bs_ref[...]
    cm = jnp.mean(v * v, axis=0, keepdims=True)
    vn = jnp.dot(cm, m3_ref[...], preferred_element_type=jnp.float32)
    v_out = v * (wv_ref[...] * lax.rsqrt(vn + EPS))
    out_ref[...] = jnp.concatenate([s_out, v_out], axis=1)


_tc_bn = pl.pallas_call(
    _tc_bn_body,
    out_shape=jax.ShapeDtypeStruct((N_NODES, NS + 3 * NV), jnp.float32),
)


def kernel(node_attr, edge_index, edge_attr, edge_sh, fc_w1, fc_b1, fc_w2,
           fc_b2, bn_ws, bn_bs, bn_wv):
    nb = N_EDGES // B_EDGE
    dst_sig = (edge_index[1].reshape(nb, 8, B_EDGE // 8)
               .transpose(0, 2, 1).reshape(N_EDGES))
    src_tau = (edge_index[0].reshape(nb, 4, B_EDGE // 4)
               .transpose(0, 2, 1).reshape(N_EDGES))
    x = _get_sc_gather()(node_attr, dst_sig)
    w1a = jnp.concatenate([fc_w1.T, fc_b1.reshape(-1, 1)], axis=1)
    w2a = jnp.concatenate([fc_w2.T, fc_b2.reshape(-1, 1)], axis=1)
    tp2 = _tc_main(edge_attr.T, x.reshape(N_EDGES // 8, 128), edge_sh.T,
                   w1a, w2a,
                   jnp.asarray(_R0.T), jnp.asarray(_S0.T), jnp.asarray(_R1.T),
                   jnp.asarray(_S1.T), jnp.asarray(_E4.T), jnp.asarray(_E3.T))
    tp = tp2.reshape(N_EDGES, TP_W)
    zeros = jnp.zeros((N_NODES, TP_W), jnp.float32)
    parts = _get_sc_scatter()(tp, src_tau.reshape(N_EDGES // S_CHUNK, S_CHUNK), zeros)
    out = _tc_bn(parts[0], parts[1], bn_ws.reshape(1, -1),
                 bn_bs.reshape(1, -1), jnp.repeat(bn_wv, 3).reshape(1, -1),
                 jnp.asarray(_M3))
    return out

# --- scband reference (transcript-rebuilt; emitter-appended) ---
"""Pipeline reference for scband-tensor-product-score-model-14783277432842 (READ-ONLY COPY).

The authoritative reference and input builder live on the scoring server;
editing this copy changes nothing except your own understanding.
"""

import jax, jax.numpy as jnp
import numpy as np

NS = 16            # scalar channels (0e)
NV = 4             # vector channels (1o)
N_EDGE_FEAT = 3 * NS   # 48
HIDDEN = 3 * NS        # 48
SH_DIM = 9             # spherical harmonics lmax=2: 1+3+5
W_NUMEL = NS * NS + NS * NV  # 256 + 64 = 320 (paths: 0e x 0e -> 0e, 0e x 1o -> 1o)
EPS = 1e-5
N_NODES = 10000
N_EDGES = 320000


def setup_inputs(seed: int = 0) -> dict:
    key = jax.random.key(seed)
    ks = jax.random.split(key, 12)
    node_attr = jax.random.normal(ks[0], (N_NODES, NS), dtype=jnp.float32)
    edge_index = jax.random.randint(ks[1], (2, N_EDGES), 0, N_NODES, dtype=jnp.int32)
    edge_attr = jax.random.normal(ks[2], (N_EDGES, N_EDGE_FEAT), dtype=jnp.float32)
    edge_sh = jax.random.normal(ks[3], (N_EDGES, SH_DIM), dtype=jnp.float32)
    # fc: Linear(48 -> 48), ReLU, Linear(48 -> tp.weight_numel=320)
    fc_w1 = jax.random.normal(ks[4], (N_EDGE_FEAT, HIDDEN), dtype=jnp.float32) / np.sqrt(N_EDGE_FEAT)
    fc_b1 = jnp.zeros((HIDDEN,), dtype=jnp.float32)
    fc_w2 = jax.random.normal(ks[5], (HIDDEN, W_NUMEL), dtype=jnp.float32) / np.sqrt(HIDDEN)
    fc_b2 = jnp.zeros((W_NUMEL,), dtype=jnp.float32)
    # e3nn BatchNorm params over out_irreps '16x0e + 4x1o'
    bn_ws = jnp.ones((NS,), dtype=jnp.float32)
    bn_bs = jnp.zeros((NS,), dtype=jnp.float32)
    bn_wv = jnp.ones((NV,), dtype=jnp.float32)
    return {"node_attr": node_attr, "edge_index": edge_index, "edge_attr": edge_attr,
            "edge_sh": edge_sh, "fc_w1": fc_w1, "fc_b1": fc_b1, "fc_w2": fc_w2,
            "fc_b2": fc_b2, "bn_ws": bn_ws, "bn_bs": bn_bs, "bn_wv": bn_wv}


def reference(node_attr, edge_index, edge_attr, edge_sh, fc_w1, fc_b1, fc_w2, fc_b2, bn_ws, bn_bs, bn_wv):
    # TensorProductConvLayer.forward (layer 0: in_irreps=16x0e, sh=lmax2, out=16x0e+4x1o)
    edge_src = edge_index[0]
    edge_dst = edge_index[1]
    # per-edge tensor-product weights from edge features
    h = jax.nn.relu(edge_attr @ fc_w1 + fc_b1)
    w = h @ fc_w2 + fc_b2                          # [E, 320]
    w0 = w[:, : NS * NS].reshape(-1, NS, NS)       # path 0e x 0e -> 0e
    w1 = w[:, NS * NS :].reshape(-1, NS, NV)       # path 0e x 1o -> 1o
    x = node_attr[edge_dst]                        # gather [E, NS]
    norm = 1.0 / np.sqrt(NS)                       # e3nn path fan-in normalization
    sh0 = edge_sh[:, 0:1]                          # l=0 component
    sh1 = edge_sh[:, 1:4]                          # l=1 components (l=2 has no allowed path)
    out0 = jnp.einsum('eu,euv->ev', x, w0) * sh0 * norm                      # [E, NS]
    out1 = jnp.einsum('eu,euv->ev', x, w1)[:, :, None] * sh1[:, None, :] * norm  # [E, NV, 3]
    tp = jnp.concatenate([out0, out1.reshape(-1, NV * 3)], axis=1)           # [E, 28]
    # scatter 'mean' over edge_src
    out_nodes = node_attr.shape[0]
    summed = jax.ops.segment_sum(tp, edge_src, num_segments=out_nodes)
    cnt = jax.ops.segment_sum(jnp.ones((tp.shape[0], 1), tp.dtype), edge_src, num_segments=out_nodes)
    out = summed / jnp.maximum(cnt, 1.0)
    # residual=False in conv layers of this model
    # e3nn BatchNorm over irreps (training-mode statistics)
    s = out[:, :NS]
    v = out[:, NS:].reshape(-1, NV, 3)
    s_mean = s.mean(axis=0)
    s_var = s.var(axis=0)
    s_out = (s - s_mean) / jnp.sqrt(s_var + EPS) * bn_ws + bn_bs
    v_norm = (v ** 2).mean(axis=2).mean(axis=0)    # component-normalized field norm [NV]
    v_out = v / jnp.sqrt(v_norm + EPS)[None, :, None] * bn_wv[None, :, None]
    return jnp.concatenate([s_out, v_out.reshape(-1, NV * 3)], axis=1)

if __name__ == "__main__":
    import jax
    _d = setup_inputs()
    print(jax.jit(kernel)(*tuple(_d.values())))

</pallas_src>

<mosaic_0001>
#map = affine_map<(d0, d1) -> (0, 0)>
#map1 = affine_map<(d0, d1) -> (0, 0, 0)>
module attributes {stable_mosaic.version = 14 : i64} {
  func.func @_sc_scatter_body(%arg0: i32, %arg1: i32, %arg2: memref<320000x32xf32, #tpu.memory_space<hbm>>, %arg3: memref<2560x125xi32, #tpu.memory_space<hbm>>, %arg4: memref<10000x32xf32, #tpu.memory_space<hbm>>, %arg5: memref<2x10000x32xf32, #tpu.memory_space<hbm>>, %arg6: memref<80x125xi32, #tpu.memory_space<vmem>>, %arg7: memref<2x1000x32xf32, #tpu.memory_space<vmem>>, %arg8: memref<!tpu.dma_semaphore, #tpu.memory_space<semaphore_mem>>, %arg9: memref<!tpu.dma_semaphore, #tpu.memory_space<semaphore_mem>>, %arg10: memref<10000x32xf32, #tpu.memory_space<vmem_shared>>) attributes {dimension_semantics = [#tpu.dimension_semantics<core_parallel>, #tpu.dimension_semantics<subcore_parallel>], iteration_bounds = array<i64: 2, 16>, scalar_prefetch = 0 : i64, scratch_operands = 5 : i64, tpu.core_type = #tpu.core_type<sc_vector_subcore>, window_params = [{transform_indices = #map}, {transform_indices = #map}, {transform_indices = #map}, {transform_indices = #map1}]} {
    %mul3A = arith.constant 2 : i32
    %mul3A_0 = arith.muli %arg1, %mul3A : i32
    %add3A = arith.addi %mul3A_0, %arg0 : i32
    %mul3A_1 = arith.constant 10000 : i32
    %mul3A_2 = arith.muli %add3A, %mul3A_1 : i32
    %mul3A_3 = arith.constant 625 : i32
    %mul3A_4 = arith.muli %arg1, %mul3A_3 : i32
    "tpu.region"() ({
      %run_scoped3A_26 = tpu.sem_alloc : memref<!tpu.dma_semaphore, #tpu.memory_space<semaphore_mem>>
      %dma_start3A_27 = arith.constant 0 : i32
      %dma_start3A_28 = tpu.memref_slice %arg10[%mul3A_4, %dma_start3A_27] : memref<10000x32xf32, #tpu.memory_space<vmem_shared>> -> memref<625x32xf32, #tpu.memory_space<vmem_shared>>
      %dma_start3A_29 = arith.constant 0 : i32
      %dma_start3A_30 = tpu.memref_slice %arg4[%mul3A_4, %dma_start3A_29] : memref<10000x32xf32, #tpu.memory_space<hbm>> -> memref<625x32xf32, #tpu.memory_space<hbm>>
      tpu.enqueue_dma source(%dma_start3A_30 : memref<625x32xf32, #tpu.memory_space<hbm>>) target(%dma_start3A_28 : memref<625x32xf32, #tpu.memory_space<vmem_shared>>) target_semaphore(%run_scoped3A_26 : memref<!tpu.dma_semaphore, #tpu.memory_space<semaphore_mem>>)
      %dma_wait3A = arith.constant 0 : i32
      %dma_wait3A_31 = tpu.memref_slice %arg10[%mul3A_4, %dma_wait3A] : memref<10000x32xf32, #tpu.memory_space<vmem_shared>> -> memref<625x32xf32, #tpu.memory_space<vmem_shared>>
      %dma_wait3A_32 = arith.constant 0 : i32
      %dma_wait3A_33 = tpu.memref_slice %arg4[%mul3A_4, %dma_wait3A_32] : memref<10000x32xf32, #tpu.memory_space<hbm>> -> memref<625x32xf32, #tpu.memory_space<hbm>>
      tpu.wait_dma2 semaphore(%run_scoped3A_26 : memref<!tpu.dma_semaphore, #tpu.memory_space<semaphore_mem>>) src(%dma_wait3A_33 : memref<625x32xf32, #tpu.memory_space<hbm>>) dst(%dma_wait3A_31 : memref<625x32xf32, #tpu.memory_space<vmem_shared>>)
      tpu.yield
    }) : () -> ()
    %mul3A_5 = arith.constant 80 : i32
    %mul3A_6 = arith.muli %add3A, %mul3A_5 : i32
    "tpu.region"() ({
      %run_scoped3A_26 = tpu.sem_alloc : memref<!tpu.dma_semaphore, #tpu.memory_space<semaphore_mem>>
      %dma_start3A_27 = arith.constant 0 : i32
      %dma_start3A_28 = tpu.memref_slice %arg3[%mul3A_6, %dma_start3A_27] : memref<2560x125xi32, #tpu.memory_space<hbm>> -> memref<80x125xi32, #tpu.memory_space<hbm>>
      %dma_start3A_29 = arith.constant 0 : i32
      %dma_start3A_30 = tpu.memref_slice %arg3[%mul3A_6, %dma_start3A_29] : memref<2560x125xi32, #tpu.memory_space<hbm>> -> memref<80x125xi32, #tpu.memory_space<hbm>>
      tpu.enqueue_dma source(%dma_start3A_30 : memref<80x125xi32, #tpu.memory_space<hbm>>) target(%arg6 : memref<80x125xi32, #tpu.memory_space<vmem>>) target_semaphore(%run_scoped3A_26 : memref<!tpu.dma_semaphore, #tpu.memory_space<semaphore_mem>>)
      %dma_wait3A = arith.constant 0 : i32
      %dma_wait3A_31 = tpu.memref_slice %arg3[%mul3A_6, %dma_wait3A] : memref<2560x125xi32, #tpu.memory_space<hbm>> -> memref<80x125xi32, #tpu.memory_space<hbm>>
      %dma_wait3A_32 = arith.constant 0 : i32
      %dma_wait3A_33 = tpu.memref_slice %arg3[%mul3A_6, %dma_wait3A_32] : memref<2560x125xi32, #tpu.memory_space<hbm>> -> memref<80x125xi32, #tpu.memory_space<hbm>>
      tpu.wait_dma2 semaphore(%run_scoped3A_26 : memref<!tpu.dma_semaphore, #tpu.memory_space<semaphore_mem>>) src(%dma_wait3A_33 : memref<80x125xi32, #tpu.memory_space<hbm>>) dst(%arg6 : memref<80x125xi32, #tpu.memory_space<vmem>>)
      tpu.yield
    }) : () -> ()
    %barrier3A = arith.constant 0 : index
    tpu.barrier barrier_id(%barrier3A)
    %dma_start3A = arith.constant 0 : i32
    %dma_start3A_7 = arith.constant 0 : i32
    %dma_start3A_8 = arith.constant 0 : i32
    %dma_start3A_9 = tpu.memref_slice %arg7[%dma_start3A, %dma_start3A_7, %dma_start3A_8] : memref<2x1000x32xf32, #tpu.memory_space<vmem>> -> memref<1x1000x32xf32, #tpu.memory_space<vmem>>
    %dma_start3A_10 = tpu.memref_squeeze %dma_start3A_9 : memref<1x1000x32xf32, #tpu.memory_space<vmem>> -> memref<1000x32xf32, #tpu.memory_space<vmem>>
    %dma_start3A_11 = arith.constant 0 : i32
    %dma_start3A_12 = tpu.memref_slice %arg2[%mul3A_2, %dma_start3A_11] : memref<320000x32xf32, #tpu.memory_space<hbm>> -> memref<1000x32xf32, #tpu.memory_space<hbm>>
    %dma_start3A_13 = arith.constant 0 : i32
    %dma_start3A_14 = arith.constant 0 : i32
    %dma_start3A_15 = tpu.memref_slice %arg7[%dma_start3A, %dma_start3A_13, %dma_start3A_14] : memref<2x1000x32xf32, #tpu.memory_space<vmem>> -> memref<1x1000x32xf32, #tpu.memory_space<vmem>>
    %dma_start3A_16 = tpu.memref_squeeze %dma_start3A_15 : memref<1x1000x32xf32, #tpu.memory_space<vmem>> -> memref<1000x32xf32, #tpu.memory_space<vmem>>
    %dma_start3A_17 = arith.constant 0 : i32
    %dma_start3A_18 = tpu.memref_slice %arg2[%mul3A_2, %dma_start3A_17] : memref<320000x32xf32, #tpu.memory_space<hbm>> -> memref<1000x32xf32, #tpu.memory_space<hbm>>
    tpu.enqueue_dma source(%dma_start3A_18 : memref<1000x32xf32, #tpu.memory_space<hbm>>) target(%dma_start3A_16 : memref<1000x32xf32, #tpu.memory_space<vmem>>) target_semaphore(%arg8 : memref<!tpu.dma_semaphore, #tpu.memory_space<semaphore_mem>>)
    %scan3A = arith.constant 0 : i32
    %scan3A_19 = arith.constant 0 : i32
    %scan3A_20 = arith.constant 10 : i32
    %scan3A_21 = arith.addi %scan3A_19, %scan3A_20 : i32
    %scan3A_22 = arith.constant 1 : i32
    scf.for %scan3A_26 = %scan3A_19 to %scan3A_21 step %scan3A_22  : i32 {
      %jit3A = arith.constant 2 : i32
      %eq3A = arith.constant 0 : i32
      %eq3A_27 = arith.cmpi eq, %jit3A, %eq3A : i32
      %jit3A_28 = arith.constant 1 : i32
      %select_n3A = arith.select %eq3A_27, %jit3A_28, %jit3A : i32
      %rem3A = arith.remsi %scan3A_26, %select_n3A : i32
      %ne3A = arith.constant 0 : i32
      %ne3A_29 = arith.cmpi ne, %rem3A, %ne3A : i32
      %lt3A = arith.constant 0 : i32
      %lt3A_30 = arith.cmpi slt, %rem3A, %lt3A : i32
      %lt3A_31 = arith.constant 0 : i32
      %lt3A_32 = arith.cmpi slt, %select_n3A, %lt3A_31 : i32
      %ne3A_33 = arith.xori %lt3A_30, %lt3A_32 : i1
      %and3A = arith.andi %ne3A_33, %ne3A_29 : i1
      %add3A_34 = arith.addi %rem3A, %select_n3A : i32
      %select_n3A_35 = arith.select %and3A, %add3A_34, %rem3A : i32
      %dma_wait3A = arith.constant 0 : i32
      %dma_wait3A_36 = arith.constant 0 : i32
      %dma_wait3A_37 = tpu.memref_slice %arg7[%select_n3A_35, %dma_wait3A, %dma_wait3A_36] : memref<2x1000x32xf32, #tpu.memory_space<vmem>> -> memref<1x1000x32xf32, #tpu.memory_space<vmem>>
      %dma_wait3A_38 = tpu.memref_squeeze %dma_wait3A_37 : memref<1x1000x32xf32, #tpu.memory_space<vmem>> -> memref<1000x32xf32, #tpu.memory_space<vmem>>
      %dma_wait3A_39 = arith.constant 0 : i32
      %dma_wait3A_40 = tpu.memref_slice %arg2[%mul3A_2, %dma_wait3A_39] : memref<320000x32xf32, #tpu.memory_space<hbm>> -> memref<1000x32xf32, #tpu.memory_space<hbm>>
      %dma_wait3A_41 = arith.constant 0 : i32
      %dma_wait3A_42 = arith.constant 0 : i32
      %dma_wait3A_43 = tpu.memref_slice %arg7[%select_n3A_35, %dma_wait3A_41, %dma_wait3A_42] : memref<2x1000x32xf32, #tpu.memory_space<vmem>> -> memref<1x1000x32xf32, #tpu.memory_space<vmem>>
      %dma_wait3A_44 = tpu.memref_squeeze %dma_wait3A_43 : memref<1x1000x32xf32, #tpu.memory_space<vmem>> -> memref<1000x32xf32, #tpu.memory_space<vmem>>
      %dma_wait3A_45 = arith.constant 0 : i32
      %dma_wait3A_46 = tpu.memref_slice %arg2[%mul3A_2, %dma_wait3A_45] : memref<320000x32xf32, #tpu.memory_space<hbm>> -> memref<1000x32xf32, #tpu.memory_space<hbm>>
      tpu.wait_dma2 semaphore(%arg8 : memref<!tpu.dma_semaphore, #tpu.memory_space<semaphore_mem>>) src(%dma_wait3A_46 : memref<1000x32xf32, #tpu.memory_space<hbm>>) dst(%dma_wait3A_44 : memref<1000x32xf32, #tpu.memory_space<vmem>>)
      %add3A_47 = arith.constant 1 : i32
      %add3A_48 = arith.addi %scan3A_26, %add3A_47 : i32
      %lt3A_49 = arith.constant 10 : i32
      %lt3A_50 = arith.cmpi slt, %add3A_48, %lt3A_49 : i32
      %convert_element_type3A = arith.extui %lt3A_50 : i1 to i32
      %cond3A = arith.constant 0 : i32
      %cond3A_51 = arith.cmpi ne, %convert_element_type3A, %cond3A : i32
      scf.if %cond3A_51 {
        %add3A_244 = arith.constant 1 : i32
        %add3A_245 = arith.addi %scan3A_26, %add3A_244 : i32
        %mul3A_246 = arith.constant 1000 : i32
        %mul3A_247 = arith.muli %add3A_245, %mul3A_246 : i32
        %add3A_248 = arith.addi %mul3A_2, %mul3A_247 : i32
        %sub3A = arith.constant 1 : i32
        %sub3A_249 = arith.subi %sub3A, %select_n3A_35 : i32
        %dma_start3A_250 = arith.constant 0 : i32
        %dma_start3A_251 = arith.constant 0 : i32
        %dma_start3A_252 = tpu.memref_slice %arg7[%sub3A_249, %dma_start3A_250, %dma_start3A_251] : memref<2x1000x32xf32, #tpu.memory_space<vmem>> -> memref<1x1000x32xf32, #tpu.memory_space<vmem>>
        %dma_start3A_253 = tpu.memref_squeeze %dma_start3A_252 : memref<1x1000x32xf32, #tpu.memory_space<vmem>> -> memref<1000x32xf32, #tpu.memory_space<vmem>>
        %dma_start3A_254 = arith.constant 0 : i32
        %dma_start3A_255 = tpu.memref_slice %arg2[%add3A_248, %dma_start3A_254] : memref<320000x32xf32, #tpu.memory_space<hbm>> -> memref<1000x32xf32, #tpu.memory_space<hbm>>
        %dma_start3A_256 = arith.constant 0 : i32
        %dma_start3A_257 = arith.constant 0 : i32
        %dma_start3A_258 = tpu.memref_slice %arg7[%sub3A_249, %dma_start3A_256, %dma_start3A_257] : memref<2x1000x32xf32, #tpu.memory_space<vmem>> -> memref<1x1000x32xf32, #tpu.memory_space<vmem>>
        %dma_start3A_259 = tpu.memref_squeeze %dma_start3A_258 : memref<1x1000x32xf32, #tpu.memory_space<vmem>> -> memref<1000x32xf32, #tpu.memory_space<vmem>>
        %dma_start3A_260 = arith.constant 0 : i32
        %dma_start3A_261 = tpu.memref_slice %arg2[%add3A_248, %dma_start3A_260] : memref<320000x32xf32, #tpu.memory_space<hbm>> -> memref<1000x32xf32, #tpu.memory_space<hbm>>
        tpu.enqueue_dma source(%dma_start3A_261 : memref<1000x32xf32, #tpu.memory_space<hbm>>) target(%dma_start3A_259 : memref<1000x32xf32, #tpu.memory_space<vmem>>) target_semaphore(%arg8 : memref<!tpu.dma_semaphore, #tpu.memory_space<semaphore_mem>>)
      } else {
      }
      %mul3A_52 = arith.constant 8 : i32
      %mul3A_53 = arith.muli %scan3A_26, %mul3A_52 : i32
      %add3A_54 = arith.constant 0 : i32
      %add3A_55 = arith.addi %mul3A_53, %add3A_54 : i32
      %dma_start3A_56 = arith.constant 0 : i32
      %dma_start3A_57 = arith.constant 0 : i32
      %dma_start3A_58 = tpu.memref_slice %arg7[%select_n3A_35, %dma_start3A_56, %dma_start3A_57] : memref<2x1000x32xf32, #tpu.memory_space<vmem>> -> memref<1x125x32xf32, #tpu.memory_space<vmem>>
      %dma_start3A_59 = tpu.memref_squeeze %dma_start3A_58 : memref<1x125x32xf32, #tpu.memory_space<vmem>> -> memref<125x32xf32, #tpu.memory_space<vmem>>
      %dma_start3A_60 = arith.constant 0 : i32
      %dma_start3A_61 = tpu.memref_slice %arg6[%add3A_55, %dma_start3A_60] : memref<80x125xi32, #tpu.memory_space<vmem>> -> memref<1x125xi32, #tpu.memory_space<vmem>>
      %dma_start3A_62 = tpu.memref_squeeze %dma_start3A_61 : memref<1x125xi32, #tpu.memory_space<vmem>> -> memref<125xi32, #tpu.memory_space<vmem>>
      %dma_start3A_63 = arith.constant 0 : i32
      %dma_start3A_64 = arith.constant 0 : i32
      %dma_start3A_65 = tpu.memref_slice %arg10[%dma_start3A_63, %dma_start3A_64] : memref<10000x32xf32, #tpu.memory_space<vmem_shared>> -> memref<10000x32xf32, #tpu.memory_space<vmem_shared>>
      tpu.enqueue_indirect_dma source(%dma_start3A_59 : memref<125x32xf32, #tpu.memory_space<vmem>>) target(%dma_start3A_65 : memref<10000x32xf32, #tpu.memory_space<vmem_shared>>) offsets(%dma_start3A_62 : memref<125xi32, #tpu.memory_space<vmem>>) semaphore(%arg9 : memref<!tpu.dma_semaphore, #tpu.memory_space<semaphore_mem>>) {add = true}
      %mul3A_66 = arith.constant 8 : i32
      %mul3A_67 = arith.muli %scan3A_26, %mul3A_66 : i32
      %add3A_68 = arith.constant 1 : i32
      %add3A_69 = arith.addi %mul3A_67, %add3A_68 : i32
      %dma_start3A_70 = arith.constant 125 : i32
      %dma_start3A_71 = arith.constant 0 : i32
      %dma_start3A_72 = tpu.memref_slice %arg7[%select_n3A_35, %dma_start3A_70, %dma_start3A_71] : memref<2x1000x32xf32, #tpu.memory_space<vmem>> -> memref<1x125x32xf32, #tpu.memory_space<vmem>>
      %dma_start3A_73 = tpu.memref_squeeze %dma_start3A_72 : memref<1x125x32xf32, #tpu.memory_space<vmem>> -> memref<125x32xf32, #tpu.memory_space<vmem>>
      %dma_start3A_74 = arith.constant 0 : i32
      %dma_start3A_75 = tpu.memref_slice %arg6[%add3A_69, %dma_start3A_74] : memref<80x125xi32, #tpu.memory_space<vmem>> -> memref<1x125xi32, #tpu.memory_space<vmem>>
      %dma_start3A_76 = tpu.memref_squeeze %dma_start3A_75 : memref<1x125xi32, #tpu.memory_space<vmem>> -> memref<125xi32, #tpu.memory_space<vmem>>
      %dma_start3A_77 = arith.constant 0 : i32
      %dma_start3A_78 = arith.constant 0 : i32
      %dma_start3A_79 = tpu.memref_slice %arg10[%dma_start3A_77, %dma_start3A_78] : memref<10000x32xf32, #tpu.memory_space<vmem_shared>> -> memref<10000x32xf32, #tpu.memory_space<vmem_shared>>
      tpu.enqueue_indirect_dma source(%dma_start3A_73 : memref<125x32xf32, #tpu.memory_space<vmem>>) target(%dma_start3A_79 : memref<10000x32xf32, #tpu.memory_space<vmem_shared>>) offsets(%dma_start3A_76 : memref<125xi32, #tpu.memory_space<vmem>>) semaphore(%arg9 : memref<!tpu.dma_semaphore, #tpu.memory_space<semaphore_mem>>) {add = true}
      %mul3A_80 = arith.constant 8 : i32
      %mul3A_81 = arith.muli %scan3A_26, %mul3A_80 : i32
      %add3A_82 = arith.constant 2 : i32
      %add3A_83 = arith.addi %mul3A_81, %add3A_82 : i32
      %dma_start3A_84 = arith.constant 250 : i32
      %dma_start3A_85 = arith.constant 0 : i32
      %dma_start3A_86 = tpu.memref_slice %arg7[%select_n3A_35, %dma_start3A_84, %dma_start3A_85] : memref<2x1000x32xf32, #tpu.memory_space<vmem>> -> memref<1x125x32xf32, #tpu.memory_space<vmem>>
      %dma_start3A_87 = tpu.memref_squeeze %dma_start3A_86 : memref<1x125x32xf32, #tpu.memory_space<vmem>> -> memref<125x32xf32, #tpu.memory_space<vmem>>
      %dma_start3A_88 = arith.constant 0 : i32
      %dma_start3A_89 = tpu.memref_slice %arg6[%add3A_83, %dma_start3A_88] : memref<80x125xi32, #tpu.memory_space<vmem>> -> memref<1x125xi32, #tpu.memory_space<vmem>>
      %dma_start3A_90 = tpu.memref_squeeze %dma_start3A_89 : memref<1x125xi32, #tpu.memory_space<vmem>> -> memref<125xi32, #tpu.memory_space<vmem>>
      %dma_start3A_91 = arith.constant 0 : i32
      %dma_start3A_92 = arith.constant 0 : i32
      %dma_start3A_93 = tpu.memref_slice %arg10[%dma_start3A_91, %dma_start3A_92] : memref<10000x32xf32, #tpu.memory_space<vmem_shared>> -> memref<10000x32xf32, #tpu.memory_space<vmem_shared>>
      tpu.enqueue_indirect_dma source(%dma_start3A_87 : memref<125x32xf32, #tpu.memory_space<vmem>>) target(%dma_start3A_93 : memref<10000x32xf32, #tpu.memory_space<vmem_shared>>) offsets(%dma_start3A_90 : memref<125xi32, #tpu.memory_space<vmem>>) semaphore(%arg9 : memref<!tpu.dma_semaphore, #tpu.memory_space<semaphore_mem>>) {add = true}
      %mul3A_94 = arith.constant 8 : i32
      %mul3A_95 = arith.muli %scan3A_26, %mul3A_94 : i32
      %add3A_96 = arith.constant 3 : i32
      %add3A_97 = arith.addi %mul3A_95, %add3A_96 : i32
      %dma_start3A_98 = arith.constant 375 : i32
      %dma_start3A_99 = arith.constant 0 : i32
      %dma_start3A_100 = tpu.memref_slice %arg7[%select_n3A_35, %dma_start3A_98, %dma_start3A_99] : memref<2x1000x32xf32, #tpu.memory_space<vmem>> -> memref<1x125x32xf32, #tpu.memory_space<vmem>>
      %dma_start3A_101 = tpu.memref_squeeze %dma_start3A_100 : memref<1x125x32xf32, #tpu.memory_space<vmem>> -> memref<125x32xf32, #tpu.memory_space<vmem>>
      %dma_start3A_102 = arith.constant 0 : i32
      %dma_start3A_103 = tpu.memref_slice %arg6[%add3A_97, %dma_start3A_102] : memref<80x125xi32, #tpu.memory_space<vmem>> -> memref<1x125xi32, #tpu.memory_space<vmem>>
      %dma_start3A_104 = tpu.memref_squeeze %dma_start3A_103 : memref<1x125xi32, #tpu.memory_space<vmem>> -> memref<125xi32, #tpu.memory_space<vmem>>
      %dma_start3A_105 = arith.constant 0 : i32
      %dma_start3A_106 = arith.constant 0 : i32
      %dma_start3A_107 = tpu.memref_slice %arg10[%dma_start3A_105, %dma_start3A_106] : memref<10000x32xf32, #tpu.memory_space<vmem_shared>> -> memref<10000x32xf32, #tpu.memory_space<vmem_shared>>
      tpu.enqueue_indirect_dma source(%dma_start3A_101 : memref<125x32xf32, #tpu.memory_space<vmem>>) target(%dma_start3A_107 : memref<10000x32xf32, #tpu.memory_space<vmem_shared>>) offsets(%dma_start3A_104 : memref<125xi32, #tpu.memory_space<vmem>>) semaphore(%arg9 : memref<!tpu.dma_semaphore, #tpu.memory_space<semaphore_mem>>) {add = true}
      %mul3A_108 = arith.constant 8 : i32
      %mul3A_109 = arith.muli %scan3A_26, %mul3A_108 : i32
      %add3A_110 = arith.constant 4 : i32
      %add3A_111 = arith.addi %mul3A_109, %add3A_110 : i32
      %dma_start3A_112 = arith.constant 500 : i32
      %dma_start3A_113 = arith.constant 0 : i32
      %dma_start3A_114 = tpu.memref_slice %arg7[%select_n3A_35, %dma_start3A_112, %dma_start3A_113] : memref<2x1000x32xf32, #tpu.memory_space<vmem>> -> memref<1x125x32xf32, #tpu.memory_space<vmem>>
      %dma_start3A_115 = tpu.memref_squeeze %dma_start3A_114 : memref<1x125x32xf32, #tpu.memory_space<vmem>> -> memref<125x32xf32, #tpu.memory_space<vmem>>
      %dma_start3A_116 = arith.constant 0 : i32
      %dma_start3A_117 = tpu.memref_slice %arg6[%add3A_111, %dma_start3A_116] : memref<80x125xi32, #tpu.memory_space<vmem>> -> memref<1x125xi32, #tpu.memory_space<vmem>>
      %dma_start3A_118 = tpu.memref_squeeze %dma_start3A_117 : memref<1x125xi32, #tpu.memory_space<vmem>> -> memref<125xi32, #tpu.memory_space<vmem>>
      %dma_start3A_119 = arith.constant 0 : i32
      %dma_start3A_120 = arith.constant 0 : i32
      %dma_start3A_121 = tpu.memref_slice %arg10[%dma_start3A_119, %dma_start3A_120] : memref<10000x32xf32, #tpu.memory_space<vmem_shared>> -> memref<10000x32xf32, #tpu.memory_space<vmem_shared>>
      tpu.enqueue_indirect_dma source(%dma_start3A_115 : memref<125x32xf32, #tpu.memory_space<vmem>>) target(%dma_start3A_121 : memref<10000x32xf32, #tpu.memory_space<vmem_shared>>) offsets(%dma_start3A_118 : memref<125xi32, #tpu.memory_space<vmem>>) semaphore(%arg9 : memref<!tpu.dma_semaphore, #tpu.memory_space<semaphore_mem>>) {add = true}
      %mul3A_122 = arith.constant 8 : i32
      %mul3A_123 = arith.muli %scan3A_26, %mul3A_122 : i32
      %add3A_124 = arith.constant 5 : i32
      %add3A_125 = arith.addi %mul3A_123, %add3A_124 : i32
      %dma_start3A_126 = arith.constant 625 : i32
      %dma_start3A_127 = arith.constant 0 : i32
      %dma_start3A_128 = tpu.memref_slice %arg7[%select_n3A_35, %dma_start3A_126, %dma_start3A_127] : memref<2x1000x32xf32, #tpu.memory_space<vmem>> -> memref<1x125x32xf32, #tpu.memory_space<vmem>>
      %dma_start3A_129 = tpu.memref_squeeze %dma_start3A_128 : memref<1x125x32xf32, #tpu.memory_space<vmem>> -> memref<125x32xf32, #tpu.memory_space<vmem>>
      %dma_start3A_130 = arith.constant 0 : i32
      %dma_start3A_131 = tpu.memref_slice %arg6[%add3A_125, %dma_start3A_130] : memref<80x125xi32, #tpu.memory_space<vmem>> -> memref<1x125xi32, #tpu.memory_space<vmem>>
      %dma_start3A_132 = tpu.memref_squeeze %dma_start3A_131 : memref<1x125xi32, #tpu.memory_space<vmem>> -> memref<125xi32, #tpu.memory_space<vmem>>
      %dma_start3A_133 = arith.constant 0 : i32
      %dma_start3A_134 = arith.constant 0 : i32
      %dma_start3A_135 = tpu.memref_slice %arg10[%dma_start3A_133, %dma_start3A_134] : memref<10000x32xf32, #tpu.memory_space<vmem_shared>> -> memref<10000x32xf32, #tpu.memory_space<vmem_shared>>
      tpu.enqueue_indirect_dma source(%dma_start3A_129 : memref<125x32xf32, #tpu.memory_space<vmem>>) target(%dma_start3A_135 : memref<10000x32xf32, #tpu.memory_space<vmem_shared>>) offsets(%dma_start3A_132 : memref<125xi32, #tpu.memory_space<vmem>>) semaphore(%arg9 : memref<!tpu.dma_semaphore, #tpu.memory_space<semaphore_mem>>) {add = true}
      %mul3A_136 = arith.constant 8 : i32
      %mul3A_137 = arith.muli %scan3A_26, %mul3A_136 : i32
      %add3A_138 = arith.constant 6 : i32
      %add3A_139 = arith.addi %mul3A_137, %add3A_138 : i32
      %dma_start3A_140 = arith.constant 750 : i32
      %dma_start3A_141 = arith.constant 0 : i32
      %dma_start3A_142 = tpu.memref_slice %arg7[%select_n3A_35, %dma_start3A_140, %dma_start3A_141] : memref<2x1000x32xf32, #tpu.memory_space<vmem>> -> memref<1x125x32xf32, #tpu.memory_space<vmem>>
      %dma_start3A_143 = tpu.memref_squeeze %dma_start3A_142 : memref<1x125x32xf32, #tpu.memory_space<vmem>> -> memref<125x32xf32, #tpu.memory_space<vmem>>
      %dma_start3A_144 = arith.constant 0 : i32
      %dma_start3A_145 = tpu.memref_slice %arg6[%add3A_139, %dma_start3A_144] : memref<80x125xi32, #tpu.memory_space<vmem>> -> memref<1x125xi32, #tpu.memory_space<vmem>>
      %dma_start3A_146 = tpu.memref_squeeze %dma_start3A_145 : memref<1x125xi32, #tpu.memory_space<vmem>> -> memref<125xi32, #tpu.memory_space<vmem>>
      %dma_start3A_147 = arith.constant 0 : i32
      %dma_start3A_148 = arith.constant 0 : i32
      %dma_start3A_149 = tpu.memref_slice %arg10[%dma_start3A_147, %dma_start3A_148] : memref<10000x32xf32, #tpu.memory_space<vmem_shared>> -> memref<10000x32xf32, #tpu.memory_space<vmem_shared>>
      tpu.enqueue_indirect_dma source(%dma_start3A_143 : memref<125x32xf32, #tpu.memory_space<vmem>>) target(%dma_start3A_149 : memref<10000x32xf32, #tpu.memory_space<vmem_shared>>) offsets(%dma_start3A_146 : memref<125xi32, #tpu.memory_space<vmem>>) semaphore(%arg9 : memref<!tpu.dma_semaphore, #tpu.memory_space<semaphore_mem>>) {add = true}
      %mul3A_150 = arith.constant 8 : i32
      %mul3A_151 = arith.muli %scan3A_26, %mul3A_150 : i32
      %add3A_152 = arith.constant 7 : i32
      %add3A_153 = arith.addi %mul3A_151, %add3A_152 : i32
      %dma_start3A_154 = arith.constant 875 : i32
      %dma_start3A_155 = arith.constant 0 : i32
      %dma_start3A_156 = tpu.memref_slice %arg7[%select_n3A_35, %dma_start3A_154, %dma_start3A_155] : memref<2x1000x32xf32, #tpu.memory_space<vmem>> -> memref<1x125x32xf32, #tpu.memory_space<vmem>>
      %dma_start3A_157 = tpu.memref_squeeze %dma_start3A_156 : memref<1x125x32xf32, #tpu.memory_space<vmem>> -> memref<125x32xf32, #tpu.memory_space<vmem>>
      %dma_start3A_158 = arith.constant 0 : i32
      %dma_start3A_159 = tpu.memref_slice %arg6[%add3A_153, %dma_start3A_158] : memref<80x125xi32, #tpu.memory_space<vmem>> -> memref<1x125xi32, #tpu.memory_space<vmem>>
      %dma_start3A_160 = tpu.memref_squeeze %dma_start3A_159 : memref<1x125xi32, #tpu.memory_space<vmem>> -> memref<125xi32, #tpu.memory_space<vmem>>
      %dma_start3A_161 = arith.constant 0 : i32
      %dma_start3A_162 = arith.constant 0 : i32
      %dma_start3A_163 = tpu.memref_slice %arg10[%dma_start3A_161, %dma_start3A_162] : memref<10000x32xf32, #tpu.memory_space<vmem_shared>> -> memref<10000x32xf32, #tpu.memory_space<vmem_shared>>
      tpu.enqueue_indirect_dma source(%dma_start3A_157 : memref<125x32xf32, #tpu.memory_space<vmem>>) target(%dma_start3A_163 : memref<10000x32xf32, #tpu.memory_space<vmem_shared>>) offsets(%dma_start3A_160 : memref<125xi32, #tpu.memory_space<vmem>>) semaphore(%arg9 : memref<!tpu.dma_semaphore, #tpu.memory_space<semaphore_mem>>) {add = true}
      %dma_wait3A_164 = arith.constant 0 : i32
      %dma_wait3A_165 = arith.constant 0 : i32
      %dma_wait3A_166 = tpu.memref_slice %arg7[%select_n3A_35, %dma_wait3A_164, %dma_wait3A_165] : memref<2x1000x32xf32, #tpu.memory_space<vmem>> -> memref<1x125x32xf32, #tpu.memory_space<vmem>>
      %dma_wait3A_167 = tpu.memref_squeeze %dma_wait3A_166 : memref<1x125x32xf32, #tpu.memory_space<vmem>> -> memref<125x32xf32, #tpu.memory_space<vmem>>
      %dma_wait3A_168 = arith.constant 0 : i32
      %dma_wait3A_169 = tpu.memref_slice %arg6[%add3A_55, %dma_wait3A_168] : memref<80x125xi32, #tpu.memory_space<vmem>> -> memref<1x125xi32, #tpu.memory_space<vmem>>
      %dma_wait3A_170 = tpu.memref_squeeze %dma_wait3A_169 : memref<1x125xi32, #tpu.memory_space<vmem>> -> memref<125xi32, #tpu.memory_space<vmem>>
      %dma_wait3A_171 = arith.constant 0 : i32
      %dma_wait3A_172 = arith.constant 0 : i32
      %dma_wait3A_173 = tpu.memref_slice %arg10[%dma_wait3A_171, %dma_wait3A_172] : memref<10000x32xf32, #tpu.memory_space<vmem_shared>> -> memref<10000x32xf32, #tpu.memory_space<vmem_shared>>
      tpu.wait_indirect_dma semaphore(%arg9 : memref<!tpu.dma_semaphore, #tpu.memory_space<semaphore_mem>>) src(%dma_wait3A_167 : memref<125x32xf32, #tpu.memory_space<vmem>>) dst(%dma_wait3A_173 : memref<10000x32xf32, #tpu.memory_space<vmem_shared>>)
      %dma_wait3A_174 = arith.constant 125 : i32
      %dma_wait3A_175 = arith.constant 0 : i32
      %dma_wait3A_176 = tpu.memref_slice %arg7[%select_n3A_35, %dma_wait3A_174, %dma_wait3A_175] : memref<2x1000x32xf32, #tpu.memory_space<vmem>> -> memref<1x125x32xf32, #tpu.memory_space<vmem>>
      %dma_wait3A_177 = tpu.memref_squeeze %dma_wait3A_176 : memref<1x125x32xf32, #tpu.memory_space<vmem>> -> memref<125x32xf32, #tpu.memory_space<vmem>>
      %dma_wait3A_178 = arith.constant 0 : i32
      %dma_wait3A_179 = tpu.memref_slice %arg6[%add3A_69, %dma_wait3A_178] : memref<80x125xi32, #tpu.memory_space<vmem>> -> memref<1x125xi32, #tpu.memory_space<vmem>>
      %dma_wait3A_180 = tpu.memref_squeeze %dma_wait3A_179 : memref<1x125xi32, #tpu.memory_space<vmem>> -> memref<125xi32, #tpu.memory_space<vmem>>
      %dma_wait3A_181 = arith.constant 0 : i32
      %dma_wait3A_182 = arith.constant 0 : i32
      %dma_wait3A_183 = tpu.memref_slice %arg10[%dma_wait3A_181, %dma_wait3A_182] : memref<10000x32xf32, #tpu.memory_space<vmem_shared>> -> memref<10000x32xf32, #tpu.memory_space<vmem_shared>>
      tpu.wait_indirect_dma semaphore(%arg9 : memref<!tpu.dma_semaphore, #tpu.memory_space<semaphore_mem>>) src(%dma_wait3A_177 : memref<125x32xf32, #tpu.memory_space<vmem>>) dst(%dma_wait3A_183 : memref<10000x32xf32, #tpu.memory_space<vmem_shared>>)
      %dma_wait3A_184 = arith.constant 250 : i32
      %dma_wait3A_185 = arith.constant 0 : i32
      %dma_wait3A_186 = tpu.memref_slice %arg7[%select_n3A_35, %dma_wait3A_184, %dma_wait3A_185] : memref<2x1000x32xf32, #tpu.memory_space<vmem>> -> memref<1x125x32xf32, #tpu.memory_space<vmem>>
      %dma_wait3A_187 = tpu.memref_squeeze %dma_wait3A_186 : memref<1x125x32xf32, #tpu.memory_space<vmem>> -> memref<125x32xf32, #tpu.memory_space<vmem>>
      %dma_wait3A_188 = arith.constant 0 : i32
      %dma_wait3A_189 = tpu.memref_slice %arg6[%add3A_83, %dma_wait3A_188] : memref<80x125xi32, #tpu.memory_space<vmem>> -> memref<1x125xi32, #tpu.memory_space<vmem>>
      %dma_wait3A_190 = tpu.memref_squeeze %dma_wait3A_189 : memref<1x125xi32, #tpu.memory_space<vmem>> -> memref<125xi32, #tpu.memory_space<vmem>>
      %dma_wait3A_191 = arith.constant 0 : i32
      %dma_wait3A_192 = arith.constant 0 : i32
      %dma_wait3A_193 = tpu.memref_slice %arg10[%dma_wait3A_191, %dma_wait3A_192] : memref<10000x32xf32, #tpu.memory_space<vmem_shared>> -> memref<10000x32xf32, #tpu.memory_space<vmem_shared>>
      tpu.wait_indirect_dma semaphore(%arg9 : memref<!tpu.dma_semaphore, #tpu.memory_space<semaphore_mem>>) src(%dma_wait3A_187 : memref<125x32xf32, #tpu.memory_space<vmem>>) dst(%dma_wait3A_193 : memref<10000x32xf32, #tpu.memory_space<vmem_shared>>)
      %dma_wait3A_194 = arith.constant 375 : i32
      %dma_wait3A_195 = arith.constant 0 : i32
      %dma_wait3A_196 = tpu.memref_slice %arg7[%select_n3A_35, %dma_wait3A_194, %dma_wait3A_195] : memref<2x1000x32xf32, #tpu.memory_space<vmem>> -> memref<1x125x32xf32, #tpu.memory_space<vmem>>
      %dma_wait3A_197 = tpu.memref_squeeze %dma_wait3A_196 : memref<1x125x32xf32, #tpu.memory_space<vmem>> -> memref<125x32xf32, #tpu.memory_space<vmem>>
      %dma_wait3A_198 = arith.constant 0 : i32
      %dma_wait3A_199 = tpu.memref_slice %arg6[%add3A_97, %dma_wait3A_198] : memref<80x125xi32, #tpu.memory_space<vmem>> -> memref<1x125xi32, #tpu.memory_space<vmem>>
      %dma_wait3A_200 = tpu.memref_squeeze %dma_wait3A_199 : memref<1x125xi32, #tpu.memory_space<vmem>> -> memref<125xi32, #tpu.memory_space<vmem>>
      %dma_wait3A_201 = arith.constant 0 : i32
      %dma_wait3A_202 = arith.constant 0 : i32
      %dma_wait3A_203 = tpu.memref_slice %arg10[%dma_wait3A_201, %dma_wait3A_202] : memref<10000x32xf32, #tpu.memory_space<vmem_shared>> -> memref<10000x32xf32, #tpu.memory_space<vmem_shared>>
      tpu.wait_indirect_dma semaphore(%arg9 : memref<!tpu.dma_semaphore, #tpu.memory_space<semaphore_mem>>) src(%dma_wait3A_197 : memref<125x32xf32, #tpu.memory_space<vmem>>) dst(%dma_wait3A_203 : memref<10000x32xf32, #tpu.memory_space<vmem_shared>>)
      %dma_wait3A_204 = arith.constant 500 : i32
      %dma_wait3A_205 = arith.constant 0 : i32
      %dma_wait3A_206 = tpu.memref_slice %arg7[%select_n3A_35, %dma_wait3A_204, %dma_wait3A_205] : memref<2x1000x32xf32, #tpu.memory_space<vmem>> -> memref<1x125x32xf32, #tpu.memory_space<vmem>>
      %dma_wait3A_207 = tpu.memref_squeeze %dma_wait3A_206 : memref<1x125x32xf32, #tpu.memory_space<vmem>> -> memref<125x32xf32, #tpu.memory_space<vmem>>
      %dma_wait3A_208 = arith.constant 0 : i32
      %dma_wait3A_209 = tpu.memref_slice %arg6[%add3A_111, %dma_wait3A_208] : memref<80x125xi32, #tpu.memory_space<vmem>> -> memref<1x125xi32, #tpu.memory_space<vmem>>
      %dma_wait3A_210 = tpu.memref_squeeze %dma_wait3A_209 : memref<1x125xi32, #tpu.memory_space<vmem>> -> memref<125xi32, #tpu.memory_space<vmem>>
      %dma_wait3A_211 = arith.constant 0 : i32
      %dma_wait3A_212 = arith.constant 0 : i32
      %dma_wait3A_213 = tpu.memref_slice %arg10[%dma_wait3A_211, %dma_wait3A_212] : memref<10000x32xf32, #tpu.memory_space<vmem_shared>> -> memref<10000x32xf32, #tpu.memory_space<vmem_shared>>
      tpu.wait_indirect_dma semaphore(%arg9 : memref<!tpu.dma_semaphore, #tpu.memory_space<semaphore_mem>>) src(%dma_wait3A_207 : memref<125x32xf32, #tpu.memory_space<vmem>>) dst(%dma_wait3A_213 : memref<10000x32xf32, #tpu.memory_space<vmem_shared>>)
      %dma_wait3A_214 = arith.constant 625 : i32
      %dma_wait3A_215 = arith.constant 0 : i32
      %dma_wait3A_216 = tpu.memref_slice %arg7[%select_n3A_35, %dma_wait3A_214, %dma_wait3A_215] : memref<2x1000x32xf32, #tpu.memory_space<vmem>> -> memref<1x125x32xf32, #tpu.memory_space<vmem>>
      %dma_wait3A_217 = tpu.memref_squeeze %dma_wait3A_216 : memref<1x125x32xf32, #tpu.memory_space<vmem>> -> memref<125x32xf32, #tpu.memory_space<vmem>>
      %dma_wait3A_218 = arith.constant 0 : i32
      %dma_wait3A_219 = tpu.memref_slice %arg6[%add3A_125, %dma_wait3A_218] : memref<80x125xi32, #tpu.memory_space<vmem>> -> memref<1x125xi32, #tpu.memory_space<vmem>>
      %dma_wait3A_220 = tpu.memref_squeeze %dma_wait3A_219 : memref<1x125xi32, #tpu.memory_space<vmem>> -> memref<125xi32, #tpu.memory_space<vmem>>
      %dma_wait3A_221 = arith.constant 0 : i32
      %dma_wait3A_222 = arith.constant 0 : i32
      %dma_wait3A_223 = tpu.memref_slice %arg10[%dma_wait3A_221, %dma_wait3A_222] : memref<10000x32xf32, #tpu.memory_space<vmem_shared>> -> memref<10000x32xf32, #tpu.memory_space<vmem_shared>>
      tpu.wait_indirect_dma semaphore(%arg9 : memref<!tpu.dma_semaphore, #tpu.memory_space<semaphore_mem>>) src(%dma_wait3A_217 : memref<125x32xf32, #tpu.memory_space<vmem>>) dst(%dma_wait3A_223 : memref<10000x32xf32, #tpu.memory_space<vmem_shared>>)
      %dma_wait3A_224 = arith.constant 750 : i32
      %dma_wait3A_225 = arith.constant 0 : i32
      %dma_wait3A_226 = tpu.memref_slice %arg7[%select_n3A_35, %dma_wait3A_224, %dma_wait3A_225] : memref<2x1000x32xf32, #tpu.memory_space<vmem>> -> memref<1x125x32xf32, #tpu.memory_space<vmem>>
      %dma_wait3A_227 = tpu.memref_squeeze %dma_wait3A_226 : memref<1x125x32xf32, #tpu.memory_space<vmem>> -> memref<125x32xf32, #tpu.memory_space<vmem>>
      %dma_wait3A_228 = arith.constant 0 : i32
      %dma_wait3A_229 = tpu.memref_slice %arg6[%add3A_139, %dma_wait3A_228] : memref<80x125xi32, #tpu.memory_space<vmem>> -> memref<1x125xi32, #tpu.memory_space<vmem>>
      %dma_wait3A_230 = tpu.memref_squeeze %dma_wait3A_229 : memref<1x125xi32, #tpu.memory_space<vmem>> -> memref<125xi32, #tpu.memory_space<vmem>>
      %dma_wait3A_231 = arith.constant 0 : i32
      %dma_wait3A_232 = arith.constant 0 : i32
      %dma_wait3A_233 = tpu.memref_slice %arg10[%dma_wait3A_231, %dma_wait3A_232] : memref<10000x32xf32, #tpu.memory_space<vmem_shared>> -> memref<10000x32xf32, #tpu.memory_space<vmem_shared>>
      tpu.wait_indirect_dma semaphore(%arg9 : memref<!tpu.dma_semaphore, #tpu.memory_space<semaphore_mem>>) src(%dma_wait3A_227 : memref<125x32xf32, #tpu.memory_space<vmem>>) dst(%dma_wait3A_233 : memref<10000x32xf32, #tpu.memory_space<vmem_shared>>)
      %dma_wait3A_234 = arith.constant 875 : i32
      %dma_wait3A_235 = arith.constant 0 : i32
      %dma_wait3A_236 = tpu.memref_slice %arg7[%select_n3A_35, %dma_wait3A_234, %dma_wait3A_235] : memref<2x1000x32xf32, #tpu.memory_space<vmem>> -> memref<1x125x32xf32, #tpu.memory_space<vmem>>
      %dma_wait3A_237 = tpu.memref_squeeze %dma_wait3A_236 : memref<1x125x32xf32, #tpu.memory_space<vmem>> -> memref<125x32xf32, #tpu.memory_space<vmem>>
      %dma_wait3A_238 = arith.constant 0 : i32
      %dma_wait3A_239 = tpu.memref_slice %arg6[%add3A_153, %dma_wait3A_238] : memref<80x125xi32, #tpu.memory_space<vmem>> -> memref<1x125xi32, #tpu.memory_space<vmem>>
      %dma_wait3A_240 = tpu.memref_squeeze %dma_wait3A_239 : memref<1x125xi32, #tpu.memory_space<vmem>> -> memref<125xi32, #tpu.memory_space<vmem>>
      %dma_wait3A_241 = arith.constant 0 : i32
      %dma_wait3A_242 = arith.constant 0 : i32
      %dma_wait3A_243 = tpu.memref_slice %arg10[%dma_wait3A_241, %dma_wait3A_242] : memref<10000x32xf32, #tpu.memory_space<vmem_shared>> -> memref<10000x32xf32, #tpu.memory_space<vmem_shared>>
      tpu.wait_indirect_dma semaphore(%arg9 : memref<!tpu.dma_semaphore, #tpu.memory_space<semaphore_mem>>) src(%dma_wait3A_237 : memref<125x32xf32, #tpu.memory_space<vmem>>) dst(%dma_wait3A_243 : memref<10000x32xf32, #tpu.memory_space<vmem_shared>>)
    }
    %scan3A_23 = arith.constant 10 : i32
    %barrier3A_24 = arith.constant 0 : index
    tpu.barrier barrier_id(%barrier3A_24)
    %run_scoped3A = arith.constant 0 : i32
    "tpu.region"() ({
      %run_scoped3A_26 = tpu.sem_alloc : memref<!tpu.dma_semaphore, #tpu.memory_space<semaphore_mem>>
      %dma_start3A_27 = arith.constant 0 : i32
      %dma_start3A_28 = arith.constant 0 : i32
      %dma_start3A_29 = tpu.memref_slice %arg7[%run_scoped3A, %dma_start3A_27, %dma_start3A_28] : memref<2x1000x32xf32, #tpu.memory_space<vmem>> -> memref<1x625x32xf32, #tpu.memory_space<vmem>>
      %dma_start3A_30 = tpu.memref_squeeze %dma_start3A_29 : memref<1x625x32xf32, #tpu.memory_space<vmem>> -> memref<625x32xf32, #tpu.memory_space<vmem>>
      %dma_start3A_31 = arith.constant 0 : i32
      %dma_start3A_32 = tpu.memref_slice %arg10[%mul3A_4, %dma_start3A_31] : memref<10000x32xf32, #tpu.memory_space<vmem_shared>> -> memref<625x32xf32, #tpu.memory_space<vmem_shared>>
      %dma_start3A_33 = arith.constant 0 : i32
      %dma_start3A_34 = arith.constant 0 : i32
      %dma_start3A_35 = tpu.memref_slice %arg7[%run_scoped3A, %dma_start3A_33, %dma_start3A_34] : memref<2x1000x32xf32, #tpu.memory_space<vmem>> -> memref<1x625x32xf32, #tpu.memory_space<vmem>>
      %dma_start3A_36 = tpu.memref_squeeze %dma_start3A_35 : memref<1x625x32xf32, #tpu.memory_space<vmem>> -> memref<625x32xf32, #tpu.memory_space<vmem>>
      %dma_start3A_37 = arith.constant 0 : i32
      %dma_start3A_38 = tpu.memref_slice %arg10[%mul3A_4, %dma_start3A_37] : memref<10000x32xf32, #tpu.memory_space<vmem_shared>> -> memref<625x32xf32, #tpu.memory_space<vmem_shared>>
      tpu.enqueue_dma source(%dma_start3A_38 : memref<625x32xf32, #tpu.memory_space<vmem_shared>>) target(%dma_start3A_36 : memref<625x32xf32, #tpu.memory_space<vmem>>) target_semaphore(%run_scoped3A_26 : memref<!tpu.dma_semaphore, #tpu.memory_space<semaphore_mem>>)
      %dma_wait3A = arith.constant 0 : i32
      %dma_wait3A_39 = arith.constant 0 : i32
      %dma_wait3A_40 = tpu.memref_slice %arg7[%run_scoped3A, %dma_wait3A, %dma_wait3A_39] : memref<2x1000x32xf32, #tpu.memory_space<vmem>> -> memref<1x625x32xf32, #tpu.memory_space<vmem>>
      %dma_wait3A_41 = tpu.memref_squeeze %dma_wait3A_40 : memref<1x625x32xf32, #tpu.memory_space<vmem>> -> memref<625x32xf32, #tpu.memory_space<vmem>>
      %dma_wait3A_42 = arith.constant 0 : i32
      %dma_wait3A_43 = tpu.memref_slice %arg10[%mul3A_4, %dma_wait3A_42] : memref<10000x32xf32, #tpu.memory_space<vmem_shared>> -> memref<625x32xf32, #tpu.memory_space<vmem_shared>>
      %dma_wait3A_44 = arith.constant 0 : i32
      %dma_wait3A_45 = arith.constant 0 : i32
      %dma_wait3A_46 = tpu.memref_slice %arg7[%run_scoped3A, %dma_wait3A_44, %dma_wait3A_45] : memref<2x1000x32xf32, #tpu.memory_space<vmem>> -> memref<1x625x32xf32, #tpu.memory_space<vmem>>
      %dma_wait3A_47 = tpu.memref_squeeze %dma_wait3A_46 : memref<1x625x32xf32, #tpu.memory_space<vmem>> -> memref<625x32xf32, #tpu.memory_space<vmem>>
      %dma_wait3A_48 = arith.constant 0 : i32
      %dma_wait3A_49 = tpu.memref_slice %arg10[%mul3A_4, %dma_wait3A_48] : memref<10000x32xf32, #tpu.memory_space<vmem_shared>> -> memref<625x32xf32, #tpu.memory_space<vmem_shared>>
      tpu.wait_dma2 semaphore(%run_scoped3A_26 : memref<!tpu.dma_semaphore, #tpu.memory_space<semaphore_mem>>) src(%dma_wait3A_49 : memref<625x32xf32, #tpu.memory_space<vmem_shared>>) dst(%dma_wait3A_47 : memref<625x32xf32, #tpu.memory_space<vmem>>)
      tpu.yield
    }) : () -> ()
    %run_scoped3A_25 = arith.constant 0 : i32
    "tpu.region"() ({
      %run_scoped3A_26 = tpu.sem_alloc : memref<!tpu.dma_semaphore, #tpu.memory_space<semaphore_mem>>
      %dma_start3A_27 = arith.constant 0 : i32
      %dma_start3A_28 = arith.constant 0 : i32
      %dma_start3A_29 = tpu.memref_slice %arg7[%run_scoped3A_25, %dma_start3A_27, %dma_start3A_28] : memref<2x1000x32xf32, #tpu.memory_space<vmem>> -> memref<1x625x32xf32, #tpu.memory_space<vmem>>
      %dma_start3A_30 = tpu.memref_squeeze %dma_start3A_29 : memref<1x625x32xf32, #tpu.memory_space<vmem>> -> memref<625x32xf32, #tpu.memory_space<vmem>>
      %dma_start3A_31 = arith.constant 0 : i32
      %dma_start3A_32 = tpu.memref_slice %arg5[%arg0, %mul3A_4, %dma_start3A_31] : memref<2x10000x32xf32, #tpu.memory_space<hbm>> -> memref<1x625x32xf32, #tpu.memory_space<hbm>>
      %dma_start3A_33 = tpu.memref_squeeze %dma_start3A_32 : memref<1x625x32xf32, #tpu.memory_space<hbm>> -> memref<625x32xf32, #tpu.memory_space<hbm>>
      %dma_start3A_34 = arith.constant 0 : i32
      %dma_start3A_35 = tpu.memref_slice %arg5[%arg0, %mul3A_4, %dma_start3A_34] : memref<2x10000x32xf32, #tpu.memory_space<hbm>> -> memref<1x625x32xf32, #tpu.memory_space<hbm>>
      %dma_start3A_36 = tpu.memref_squeeze %dma_start3A_35 : memref<1x625x32xf32, #tpu.memory_space<hbm>> -> memref<625x32xf32, #tpu.memory_space<hbm>>
      %dma_start3A_37 = arith.constant 0 : i32
      %dma_start3A_38 = arith.constant 0 : i32
      %dma_start3A_39 = tpu.memref_slice %arg7[%run_scoped3A_25, %dma_start3A_37, %dma_start3A_38] : memref<2x1000x32xf32, #tpu.memory_space<vmem>> -> memref<1x625x32xf32, #tpu.memory_space<vmem>>
      %dma_start3A_40 = tpu.memref_squeeze %dma_start3A_39 : memref<1x625x32xf32, #tpu.memory_space<vmem>> -> memref<625x32xf32, #tpu.memory_space<vmem>>
      tpu.enqueue_dma source(%dma_start3A_40 : memref<625x32xf32, #tpu.memory_space<vmem>>) target(%dma_start3A_36 : memref<625x32xf32, #tpu.memory_space<hbm>>) target_semaphore(%run_scoped3A_26 : memref<!tpu.dma_semaphore, #tpu.memory_space<semaphore_mem>>)
      %dma_wait3A = arith.constant 0 : i32
      %dma_wait3A_41 = arith.constant 0 : i32
      %dma_wait3A_42 = tpu.memref_slice %arg7[%run_scoped3A_25, %dma_wait3A, %dma_wait3A_41] : memref<2x1000x32xf32, #tpu.memory_space<vmem>> -> memref<1x625x32xf32, #tpu.memory_space<vmem>>
      %dma_wait3A_43 = tpu.memref_squeeze %dma_wait3A_42 : memref<1x625x32xf32, #tpu.memory_space<vmem>> -> memref<625x32xf32, #tpu.memory_space<vmem>>
      %dma_wait3A_44 = arith.constant 0 : i32
      %dma_wait3A_45 = tpu.memref_slice %arg5[%arg0, %mul3A_4, %dma_wait3A_44] : memref<2x10000x32xf32, #tpu.memory_space<hbm>> -> memref<1x625x32xf32, #tpu.memory_space<hbm>>
      %dma_wait3A_46 = tpu.memref_squeeze %dma_wait3A_45 : memref<1x625x32xf32, #tpu.memory_space<hbm>> -> memref<625x32xf32, #tpu.memory_space<hbm>>
      %dma_wait3A_47 = arith.constant 0 : i32
      %dma_wait3A_48 = tpu.memref_slice %arg5[%arg0, %mul3A_4, %dma_wait3A_47] : memref<2x10000x32xf32, #tpu.memory_space<hbm>> -> memref<1x625x32xf32, #tpu.memory_space<hbm>>
      %dma_wait3A_49 = tpu.memref_squeeze %dma_wait3A_48 : memref<1x625x32xf32, #tpu.memory_space<hbm>> -> memref<625x32xf32, #tpu.memory_space<hbm>>
      %dma_wait3A_50 = arith.constant 0 : i32
      %dma_wait3A_51 = arith.constant 0 : i32
      %dma_wait3A_52 = tpu.memref_slice %arg7[%run_scoped3A_25, %dma_wait3A_50, %dma_wait3A_51] : memref<2x1000x32xf32, #tpu.memory_space<vmem>> -> memref<1x625x32xf32, #tpu.memory_space<vmem>>
      %dma_wait3A_53 = tpu.memref_squeeze %dma_wait3A_52 : memref<1x625x32xf32, #tpu.memory_space<vmem>> -> memref<625x32xf32, #tpu.memory_space<vmem>>
      tpu.wait_dma2 semaphore(%run_scoped3A_26 : memref<!tpu.dma_semaphore, #tpu.memory_space<semaphore_mem>>) src(%dma_wait3A_53 : memref<625x32xf32, #tpu.memory_space<vmem>>) dst(%dma_wait3A_49 : memref<625x32xf32, #tpu.memory_space<hbm>>)
      tpu.yield
    }) : () -> ()
    return
  }
}

#map = affine_map<(d0, d1) -> (0, 0)>
#map1 = affine_map<(d0, d1) -> (0)>
module attributes {stable_mosaic.version = 14 : i64} {
  func.func @_sc_gather_body(%arg0: i32, %arg1: i32, %arg2: memref<10000x16xf32, #tpu.memory_space<hbm>>, %arg3: memref<320000xi32, #tpu.memory_space<hbm>>, %arg4: memref<320000x16xf32, #tpu.memory_space<hbm>>, %arg5: memref<10000xi32, #tpu.memory_space<vmem>>, %arg6: memref<2x2000x16xf32, #tpu.memory_space<vmem>>, %arg7: memref<!tpu.dma_semaphore, #tpu.memory_space<semaphore_mem>>, %arg8: memref<!tpu.dma_semaphore, #tpu.memory_space<semaphore_mem>>) attributes {dimension_semantics = [#tpu.dimension_semantics<core_parallel>, #tpu.dimension_semantics<subcore_parallel>], iteration_bounds = array<i64: 2, 16>, scalar_prefetch = 0 : i64, scratch_operands = 4 : i64, tpu.core_type = #tpu.core_type<sc_vector_subcore>, window_params = [{transform_indices = #map}, {transform_indices = #map1}, {transform_indices = #map}]} {
    %mul3A = arith.constant 2 : i32
    %mul3A_0 = arith.muli %arg1, %mul3A : i32
    %add3A = arith.addi %mul3A_0, %arg0 : i32
    %mul3A_1 = arith.constant 10000 : i32
    %mul3A_2 = arith.muli %add3A, %mul3A_1 : i32
    "tpu.region"() ({
      %run_scoped3A = tpu.sem_alloc : memref<!tpu.dma_semaphore, #tpu.memory_space<semaphore_mem>>
      %dma_start3A = tpu.memref_slice %arg3[%mul3A_2] : memref<320000xi32, #tpu.memory_space<hbm>> -> memref<10000xi32, #tpu.memory_space<hbm>>
      %dma_start3A_33 = tpu.memref_slice %arg3[%mul3A_2] : memref<320000xi32, #tpu.memory_space<hbm>> -> memref<10000xi32, #tpu.memory_space<hbm>>
      tpu.enqueue_dma source(%dma_start3A_33 : memref<10000xi32, #tpu.memory_space<hbm>>) target(%arg5 : memref<10000xi32, #tpu.memory_space<vmem>>) target_semaphore(%run_scoped3A : memref<!tpu.dma_semaphore, #tpu.memory_space<semaphore_mem>>)
      %dma_wait3A_34 = tpu.memref_slice %arg3[%mul3A_2] : memref<320000xi32, #tpu.memory_space<hbm>> -> memref<10000xi32, #tpu.memory_space<hbm>>
      %dma_wait3A_35 = tpu.memref_slice %arg3[%mul3A_2] : memref<320000xi32, #tpu.memory_space<hbm>> -> memref<10000xi32, #tpu.memory_space<hbm>>
      tpu.wait_dma2 semaphore(%run_scoped3A : memref<!tpu.dma_semaphore, #tpu.memory_space<semaphore_mem>>) src(%dma_wait3A_35 : memref<10000xi32, #tpu.memory_space<hbm>>) dst(%arg5 : memref<10000xi32, #tpu.memory_space<vmem>>)
      tpu.yield
    }) : () -> ()
    %scan3A = arith.constant 0 : i32
    %scan3A_3 = arith.constant 0 : i32
    %scan3A_4 = arith.constant 5 : i32
    %scan3A_5 = arith.addi %scan3A_3, %scan3A_4 : i32
    %scan3A_6 = arith.constant 1 : i32
    scf.for %scan3A_33 = %scan3A_3 to %scan3A_5 step %scan3A_6  : i32 {
      %jit3A = arith.constant 2 : i32
      %eq3A = arith.constant 0 : i32
      %eq3A_34 = arith.cmpi eq, %jit3A, %eq3A : i32
      %jit3A_35 = arith.constant 1 : i32
      %select_n3A = arith.select %eq3A_34, %jit3A_35, %jit3A : i32
      %rem3A = arith.remsi %scan3A_33, %select_n3A : i32
      %ne3A = arith.constant 0 : i32
      %ne3A_36 = arith.cmpi ne, %rem3A, %ne3A : i32
      %lt3A = arith.constant 0 : i32
      %lt3A_37 = arith.cmpi slt, %rem3A, %lt3A : i32
      %lt3A_38 = arith.constant 0 : i32
      %lt3A_39 = arith.cmpi slt, %select_n3A, %lt3A_38 : i32
      %ne3A_40 = arith.xori %lt3A_37, %lt3A_39 : i1
      %and3A = arith.andi %ne3A_40, %ne3A_36 : i1
      %add3A_41 = arith.addi %rem3A, %select_n3A : i32
      %select_n3A_42 = arith.select %and3A, %add3A_41, %rem3A : i32
      %ge3A = arith.constant 2 : i32
      %ge3A_43 = arith.cmpi sge, %scan3A_33, %ge3A : i32
      %convert_element_type3A = arith.extui %ge3A_43 : i1 to i32
      %cond3A = arith.constant 0 : i32
      %cond3A_44 = arith.cmpi ne, %convert_element_type3A, %cond3A : i32
      scf.if %cond3A_44 {
        %dma_wait3A_559 = arith.constant 0 : i32
        %dma_wait3A_560 = arith.constant 0 : i32
        %dma_wait3A_561 = tpu.memref_slice %arg6[%select_n3A_42, %dma_wait3A_559, %dma_wait3A_560] : memref<2x2000x16xf32, #tpu.memory_space<vmem>> -> memref<1x2000x16xf32, #tpu.memory_space<vmem>>
        %dma_wait3A_562 = tpu.memref_squeeze %dma_wait3A_561 : memref<1x2000x16xf32, #tpu.memory_space<vmem>> -> memref<2000x16xf32, #tpu.memory_space<vmem>>
        %dma_wait3A_563 = arith.constant 0 : i32
        %dma_wait3A_564 = tpu.memref_slice %arg4[%mul3A_2, %dma_wait3A_563] : memref<320000x16xf32, #tpu.memory_space<hbm>> -> memref<2000x16xf32, #tpu.memory_space<hbm>>
        %dma_wait3A_565 = arith.constant 0 : i32
        %dma_wait3A_566 = tpu.memref_slice %arg4[%mul3A_2, %dma_wait3A_565] : memref<320000x16xf32, #tpu.memory_space<hbm>> -> memref<2000x16xf32, #tpu.memory_space<hbm>>
        %dma_wait3A_567 = arith.constant 0 : i32
        %dma_wait3A_568 = arith.constant 0 : i32
        %dma_wait3A_569 = tpu.memref_slice %arg6[%select_n3A_42, %dma_wait3A_567, %dma_wait3A_568] : memref<2x2000x16xf32, #tpu.memory_space<vmem>> -> memref<1x2000x16xf32, #tpu.memory_space<vmem>>
        %dma_wait3A_570 = tpu.memref_squeeze %dma_wait3A_569 : memref<1x2000x16xf32, #tpu.memory_space<vmem>> -> memref<2000x16xf32, #tpu.memory_space<vmem>>
        tpu.wait_dma2 semaphore(%arg8 : memref<!tpu.dma_semaphore, #tpu.memory_space<semaphore_mem>>) src(%dma_wait3A_570 : memref<2000x16xf32, #tpu.memory_space<vmem>>) dst(%dma_wait3A_566 : memref<2000x16xf32, #tpu.memory_space<hbm>>)
      } else {
      }
      %mul3A_45 = arith.constant 2000 : i32
      %mul3A_46 = arith.muli %scan3A_33, %mul3A_45 : i32
      %add3A_47 = arith.constant 0 : i32
      %add3A_48 = arith.addi %mul3A_46, %add3A_47 : i32
      %dma_start3A = arith.constant 0 : i32
      %dma_start3A_49 = arith.constant 0 : i32
      %dma_start3A_50 = tpu.memref_slice %arg6[%select_n3A_42, %dma_start3A, %dma_start3A_49] : memref<2x2000x16xf32, #tpu.memory_space<vmem>> -> memref<1x80x16xf32, #tpu.memory_space<vmem>>
      %dma_start3A_51 = tpu.memref_squeeze %dma_start3A_50 : memref<1x80x16xf32, #tpu.memory_space<vmem>> -> memref<80x16xf32, #tpu.memory_space<vmem>>
      %dma_start3A_52 = tpu.memref_slice %arg5[%add3A_48] : memref<10000xi32, #tpu.memory_space<vmem>> -> memref<80xi32, #tpu.memory_space<vmem>>
      %dma_start3A_53 = arith.constant 0 : i32
      %dma_start3A_54 = arith.constant 0 : i32
      %dma_start3A_55 = tpu.memref_slice %arg2[%dma_start3A_53, %dma_start3A_54] : memref<10000x16xf32, #tpu.memory_space<hbm>> -> memref<10000x16xf32, #tpu.memory_space<hbm>>
      tpu.enqueue_indirect_dma source(%dma_start3A_55 : memref<10000x16xf32, #tpu.memory_space<hbm>>) target(%dma_start3A_51 : memref<80x16xf32, #tpu.memory_space<vmem>>) offsets(%dma_start3A_52 : memref<80xi32, #tpu.memory_space<vmem>>) semaphore(%arg7 : memref<!tpu.dma_semaphore, #tpu.memory_space<semaphore_mem>>)
      %mul3A_56 = arith.constant 2000 : i32
      %mul3A_57 = arith.muli %scan3A_33, %mul3A_56 : i32
      %add3A_58 = arith.constant 80 : i32
      %add3A_59 = arith.addi %mul3A_57, %add3A_58 : i32
      %dma_start3A_60 = arith.constant 80 : i32
      %dma_start3A_61 = arith.constant 0 : i32
      %dma_start3A_62 = tpu.memref_slice %arg6[%select_n3A_42, %dma_start3A_60, %dma_start3A_61] : memref<2x2000x16xf32, #tpu.memory_space<vmem>> -> memref<1x80x16xf32, #tpu.memory_space<vmem>>
      %dma_start3A_63 = tpu.memref_squeeze %dma_start3A_62 : memref<1x80x16xf32, #tpu.memory_space<vmem>> -> memref<80x16xf32, #tpu.memory_space<vmem>>
      %dma_start3A_64 = tpu.memref_slice %arg5[%add3A_59] : memref<10000xi32, #tpu.memory_space<vmem>> -> memref<80xi32, #tpu.memory_space<vmem>>
      %dma_start3A_65 = arith.constant 0 : i32
      %dma_start3A_66 = arith.constant 0 : i32
      %dma_start3A_67 = tpu.memref_slice %arg2[%dma_start3A_65, %dma_start3A_66] : memref<10000x16xf32, #tpu.memory_space<hbm>> -> memref<10000x16xf32, #tpu.memory_space<hbm>>
      tpu.enqueue_indirect_dma source(%dma_start3A_67 : memref<10000x16xf32, #tpu.memory_space<hbm>>) target(%dma_start3A_63 : memref<80x16xf32, #tpu.memory_space<vmem>>) offsets(%dma_start3A_64 : memref<80xi32, #tpu.memory_space<vmem>>) semaphore(%arg7 : memref<!tpu.dma_semaphore, #tpu.memory_space<semaphore_mem>>)
      %mul3A_68 = arith.constant 2000 : i32
      %mul3A_69 = arith.muli %scan3A_33, %mul3A_68 : i32
      %add3A_70 = arith.constant 160 : i32
      %add3A_71 = arith.addi %mul3A_69, %add3A_70 : i32
      %dma_start3A_72 = arith.constant 160 : i32
      %dma_start3A_73 = arith.constant 0 : i32
      %dma_start3A_74 = tpu.memref_slice %arg6[%select_n3A_42, %dma_start3A_72, %dma_start3A_73] : memref<2x2000x16xf32, #tpu.memory_space<vmem>> -> memref<1x80x16xf32, #tpu.memory_space<vmem>>
      %dma_start3A_75 = tpu.memref_squeeze %dma_start3A_74 : memref<1x80x16xf32, #tpu.memory_space<vmem>> -> memref<80x16xf32, #tpu.memory_space<vmem>>
      %dma_start3A_76 = tpu.memref_slice %arg5[%add3A_71] : memref<10000xi32, #tpu.memory_space<vmem>> -> memref<80xi32, #tpu.memory_space<vmem>>
      %dma_start3A_77 = arith.constant 0 : i32
      %dma_start3A_78 = arith.constant 0 : i32
      %dma_start3A_79 = tpu.memref_slice %arg2[%dma_start3A_77, %dma_start3A_78] : memref<10000x16xf32, #tpu.memory_space<hbm>> -> memref<10000x16xf32, #tpu.memory_space<hbm>>
      tpu.enqueue_indirect_dma source(%dma_start3A_79 : memref<10000x16xf32, #tpu.memory_space<hbm>>) target(%dma_start3A_75 : memref<80x16xf32, #tpu.memory_space<vmem>>) offsets(%dma_start3A_76 : memref<80xi32, #tpu.memory_space<vmem>>) semaphore(%arg7 : memref<!tpu.dma_semaphore, #tpu.memory_space<semaphore_mem>>)
      %mul3A_80 = arith.constant 2000 : i32
      %mul3A_81 = arith.muli %scan3A_33, %mul3A_80 : i32
      %add3A_82 = arith.constant 240 : i32
      %add3A_83 = arith.addi %mul3A_81, %add3A_82 : i32
      %dma_start3A_84 = arith.constant 240 : i32
      %dma_start3A_85 = arith.constant 0 : i32
      %dma_start3A_86 = tpu.memref_slice %arg6[%select_n3A_42, %dma_start3A_84, %dma_start3A_85] : memref<2x2000x16xf32, #tpu.memory_space<vmem>> -> memref<1x80x16xf32, #tpu.memory_space<vmem>>
      %dma_start3A_87 = tpu.memref_squeeze %dma_start3A_86 : memref<1x80x16xf32, #tpu.memory_space<vmem>> -> memref<80x16xf32, #tpu.memory_space<vmem>>
      %dma_start3A_88 = tpu.memref_slice %arg5[%add3A_83] : memref<10000xi32, #tpu.memory_space<vmem>> -> memref<80xi32, #tpu.memory_space<vmem>>
      %dma_start3A_89 = arith.constant 0 : i32
      %dma_start3A_90 = arith.constant 0 : i32
      %dma_start3A_91 = tpu.memref_slice %arg2[%dma_start3A_89, %dma_start3A_90] : memref<10000x16xf32, #tpu.memory_space<hbm>> -> memref<10000x16xf32, #tpu.memory_space<hbm>>
      tpu.enqueue_indirect_dma source(%dma_start3A_91 : memref<10000x16xf32, #tpu.memory_space<hbm>>) target(%dma_start3A_87 : memref<80x16xf32, #tpu.memory_space<vmem>>) offsets(%dma_start3A_88 : memref<80xi32, #tpu.memory_space<vmem>>) semaphore(%arg7 : memref<!tpu.dma_semaphore, #tpu.memory_space<semaphore_mem>>)
      %mul3A_92 = arith.constant 2000 : i32
      %mul3A_93 = arith.muli %scan3A_33, %mul3A_92 : i32
      %add3A_94 = arith.constant 320 : i32
      %add3A_95 = arith.addi %mul3A_93, %add3A_94 : i32
      %dma_start3A_96 = arith.constant 320 : i32
      %dma_start3A_97 = arith.constant 0 : i32
      %dma_start3A_98 = tpu.memref_slice %arg6[%select_n3A_42, %dma_start3A_96, %dma_start3A_97] : memref<2x2000x16xf32, #tpu.memory_space<vmem>> -> memref<1x80x16xf32, #tpu.memory_space<vmem>>
      %dma_start3A_99 = tpu.memref_squeeze %dma_start3A_98 : memref<1x80x16xf32, #tpu.memory_space<vmem>> -> memref<80x16xf32, #tpu.memory_space<vmem>>
      %dma_start3A_100 = tpu.memref_slice %arg5[%add3A_95] : memref<10000xi32, #tpu.memory_space<vmem>> -> memref<80xi32, #tpu.memory_space<vmem>>
      %dma_start3A_101 = arith.constant 0 : i32
      %dma_start3A_102 = arith.constant 0 : i32
      %dma_start3A_103 = tpu.memref_slice %arg2[%dma_start3A_101, %dma_start3A_102] : memref<10000x16xf32, #tpu.memory_space<hbm>> -> memref<10000x16xf32, #tpu.memory_space<hbm>>
      tpu.enqueue_indirect_dma source(%dma_start3A_103 : memref<10000x16xf32, #tpu.memory_space<hbm>>) target(%dma_start3A_99 : memref<80x16xf32, #tpu.memory_space<vmem>>) offsets(%dma_start3A_100 : memref<80xi32, #tpu.memory_space<vmem>>) semaphore(%arg7 : memref<!tpu.dma_semaphore, #tpu.memory_space<semaphore_mem>>)
      %mul3A_104 = arith.constant 2000 : i32
      %mul3A_105 = arith.muli %scan3A_33, %mul3A_104 : i32
      %add3A_106 = arith.constant 400 : i32
      %add3A_107 = arith.addi %mul3A_105, %add3A_106 : i32
      %dma_start3A_108 = arith.constant 400 : i32
      %dma_start3A_109 = arith.constant 0 : i32
      %dma_start3A_110 = tpu.memref_slice %arg6[%select_n3A_42, %dma_start3A_108, %dma_start3A_109] : memref<2x2000x16xf32, #tpu.memory_space<vmem>> -> memref<1x80x16xf32, #tpu.memory_space<vmem>>
      %dma_start3A_111 = tpu.memref_squeeze %dma_start3A_110 : memref<1x80x16xf32, #tpu.memory_space<vmem>> -> memref<80x16xf32, #tpu.memory_space<vmem>>
      %dma_start3A_112 = tpu.memref_slice %arg5[%add3A_107] : memref<10000xi32, #tpu.memory_space<vmem>> -> memref<80xi32, #tpu.memory_space<vmem>>
      %dma_start3A_113 = arith.constant 0 : i32
      %dma_start3A_114 = arith.constant 0 : i32
      %dma_start3A_115 = tpu.memref_slice %arg2[%dma_start3A_113, %dma_start3A_114] : memref<10000x16xf32, #tpu.memory_space<hbm>> -> memref<10000x16xf32, #tpu.memory_space<hbm>>
      tpu.enqueue_indirect_dma source(%dma_start3A_115 : memref<10000x16xf32, #tpu.memory_space<hbm>>) target(%dma_start3A_111 : memref<80x16xf32, #tpu.memory_space<vmem>>) offsets(%dma_start3A_112 : memref<80xi32, #tpu.memory_space<vmem>>) semaphore(%arg7 : memref<!tpu.dma_semaphore, #tpu.memory_space<semaphore_mem>>)
      %mul3A_116 = arith.constant 2000 : i32
      %mul3A_117 = arith.muli %scan3A_33, %mul3A_116 : i32
      %add3A_118 = arith.constant 480 : i32
      %add3A_119 = arith.addi %mul3A_117, %add3A_118 : i32
      %dma_start3A_120 = arith.constant 480 : i32
      %dma_start3A_121 = arith.constant 0 : i32
      %dma_start3A_122 = tpu.memref_slice %arg6[%select_n3A_42, %dma_start3A_120, %dma_start3A_121] : memref<2x2000x16xf32, #tpu.memory_space<vmem>> -> memref<1x80x16xf32, #tpu.memory_space<vmem>>
      %dma_start3A_123 = tpu.memref_squeeze %dma_start3A_122 : memref<1x80x16xf32, #tpu.memory_space<vmem>> -> memref<80x16xf32, #tpu.memory_space<vmem>>
      %dma_start3A_124 = tpu.memref_slice %arg5[%add3A_119] : memref<10000xi32, #tpu.memory_space<vmem>> -> memref<80xi32, #tpu.memory_space<vmem>>
      %dma_start3A_125 = arith.constant 0 : i32
      %dma_start3A_126 = arith.constant 0 : i32
      %dma_start3A_127 = tpu.memref_slice %arg2[%dma_start3A_125, %dma_start3A_126] : memref<10000x16xf32, #tpu.memory_space<hbm>> -> memref<10000x16xf32, #tpu.memory_space<hbm>>
      tpu.enqueue_indirect_dma source(%dma_start3A_127 : memref<10000x16xf32, #tpu.memory_space<hbm>>) target(%dma_start3A_123 : memref<80x16xf32, #tpu.memory_space<vmem>>) offsets(%dma_start3A_124 : memref<80xi32, #tpu.memory_space<vmem>>) semaphore(%arg7 : memref<!tpu.dma_semaphore, #tpu.memory_space<semaphore_mem>>)
      %mul3A_128 = arith.constant 2000 : i32
      %mul3A_129 = arith.muli %scan3A_33, %mul3A_128 : i32
      %add3A_130 = arith.constant 560 : i32
      %add3A_131 = arith.addi %mul3A_129, %add3A_130 : i32
      %dma_start3A_132 = arith.constant 560 : i32
      %dma_start3A_133 = arith.constant 0 : i32
      %dma_start3A_134 = tpu.memref_slice %arg6[%select_n3A_42, %dma_start3A_132, %dma_start3A_133] : memref<2x2000x16xf32, #tpu.memory_space<vmem>> -> memref<1x80x16xf32, #tpu.memory_space<vmem>>
      %dma_start3A_135 = tpu.memref_squeeze %dma_start3A_134 : memref<1x80x16xf32, #tpu.memory_space<vmem>> -> memref<80x16xf32, #tpu.memory_space<vmem>>
      %dma_start3A_136 = tpu.memref_slice %arg5[%add3A_131] : memref<10000xi32, #tpu.memory_space<vmem>> -> memref<80xi32, #tpu.memory_space<vmem>>
      %dma_start3A_137 = arith.constant 0 : i32
      %dma_start3A_138 = arith.constant 0 : i32
      %dma_start3A_139 = tpu.memref_slice %arg2[%dma_start3A_137, %dma_start3A_138] : memref<10000x16xf32, #tpu.memory_space<hbm>> -> memref<10000x16xf32, #tpu.memory_space<hbm>>
      tpu.enqueue_indirect_dma source(%dma_start3A_139 : memref<10000x16xf32, #tpu.memory_space<hbm>>) target(%dma_start3A_135 : memref<80x16xf32, #tpu.memory_space<vmem>>) offsets(%dma_start3A_136 : memref<80xi32, #tpu.memory_space<vmem>>) semaphore(%arg7 : memref<!tpu.dma_semaphore, #tpu.memory_space<semaphore_mem>>)
      %mul3A_140 = arith.constant 2000 : i32
      %mul3A_141 = arith.muli %scan3A_33, %mul3A_140 : i32
      %add3A_142 = arith.constant 640 : i32
      %add3A_143 = arith.addi %mul3A_141, %add3A_142 : i32
      %dma_start3A_144 = arith.constant 640 : i32
      %dma_start3A_145 = arith.constant 0 : i32
      %dma_start3A_146 = tpu.memref_slice %arg6[%select_n3A_42, %dma_start3A_144, %dma_start3A_145] : memref<2x2000x16xf32, #tpu.memory_space<vmem>> -> memref<1x80x16xf32, #tpu.memory_space<vmem>>
      %dma_start3A_147 = tpu.memref_squeeze %dma_start3A_146 : memref<1x80x16xf32, #tpu.memory_space<vmem>> -> memref<80x16xf32, #tpu.memory_space<vmem>>
      %dma_start3A_148 = tpu.memref_slice %arg5[%add3A_143] : memref<10000xi32, #tpu.memory_space<vmem>> -> memref<80xi32, #tpu.memory_space<vmem>>
      %dma_start3A_149 = arith.constant 0 : i32
      %dma_start3A_150 = arith.constant 0 : i32
      %dma_start3A_151 = tpu.memref_slice %arg2[%dma_start3A_149, %dma_start3A_150] : memref<10000x16xf32, #tpu.memory_space<hbm>> -> memref<10000x16xf32, #tpu.memory_space<hbm>>
      tpu.enqueue_indirect_dma source(%dma_start3A_151 : memref<10000x16xf32, #tpu.memory_space<hbm>>) target(%dma_start3A_147 : memref<80x16xf32, #tpu.memory_space<vmem>>) offsets(%dma_start3A_148 : memref<80xi32, #tpu.memory_space<vmem>>) semaphore(%arg7 : memref<!tpu.dma_semaphore, #tpu.memory_space<semaphore_mem>>)
      %mul3A_152 = arith.constant 2000 : i32
      %mul3A_153 = arith.muli %scan3A_33, %mul3A_152 : i32
      %add3A_154 = arith.constant 720 : i32
      %add3A_155 = arith.addi %mul3A_153, %add3A_154 : i32
      %dma_start3A_156 = arith.constant 720 : i32
      %dma_start3A_157 = arith.constant 0 : i32
      %dma_start3A_158 = tpu.memref_slice %arg6[%select_n3A_42, %dma_start3A_156, %dma_start3A_157] : memref<2x2000x16xf32, #tpu.memory_space<vmem>> -> memref<1x80x16xf32, #tpu.memory_space<vmem>>
      %dma_start3A_159 = tpu.memref_squeeze %dma_start3A_158 : memref<1x80x16xf32, #tpu.memory_space<vmem>> -> memref<80x16xf32, #tpu.memory_space<vmem>>
      %dma_start3A_160 = tpu.memref_slice %arg5[%add3A_155] : memref<10000xi32, #tpu.memory_space<vmem>> -> memref<80xi32, #tpu.memory_space<vmem>>
      %dma_start3A_161 = arith.constant 0 : i32
      %dma_start3A_162 = arith.constant 0 : i32
      %dma_start3A_163 = tpu.memref_slice %arg2[%dma_start3A_161, %dma_start3A_162] : memref<10000x16xf32, #tpu.memory_space<hbm>> -> memref<10000x16xf32, #tpu.memory_space<hbm>>
      tpu.enqueue_indirect_dma source(%dma_start3A_163 : memref<10000x16xf32, #tpu.memory_space<hbm>>) target(%dma_start3A_159 : memref<80x16xf32, #tpu.memory_space<vmem>>) offsets(%dma_start3A_160 : memref<80xi32, #tpu.memory_space<vmem>>) semaphore(%arg7 : memref<!tpu.dma_semaphore, #tpu.memory_space<semaphore_mem>>)
      %mul3A_164 = arith.constant 2000 : i32
      %mul3A_165 = arith.muli %scan3A_33, %mul3A_164 : i32
      %add3A_166 = arith.constant 800 : i32
      %add3A_167 = arith.addi %mul3A_165, %add3A_166 : i32
      %dma_start3A_168 = arith.constant 800 : i32
      %dma_start3A_169 = arith.constant 0 : i32
      %dma_start3A_170 = tpu.memref_slice %arg6[%select_n3A_42, %dma_start3A_168, %dma_start3A_169] : memref<2x2000x16xf32, #tpu.memory_space<vmem>> -> memref<1x80x16xf32, #tpu.memory_space<vmem>>
      %dma_start3A_171 = tpu.memref_squeeze %dma_start3A_170 : memref<1x80x16xf32, #tpu.memory_space<vmem>> -> memref<80x16xf32, #tpu.memory_space<vmem>>
      %dma_start3A_172 = tpu.memref_slice %arg5[%add3A_167] : memref<10000xi32, #tpu.memory_space<vmem>> -> memref<80xi32, #tpu.memory_space<vmem>>
      %dma_start3A_173 = arith.constant 0 : i32
      %dma_start3A_174 = arith.constant 0 : i32
      %dma_start3A_175 = tpu.memref_slice %arg2[%dma_start3A_173, %dma_start3A_174] : memref<10000x16xf32, #tpu.memory_space<hbm>> -> memref<10000x16xf32, #tpu.memory_space<hbm>>
      tpu.enqueue_indirect_dma source(%dma_start3A_175 : memref<10000x16xf32, #tpu.memory_space<hbm>>) target(%dma_start3A_171 : memref<80x16xf32, #tpu.memory_space<vmem>>) offsets(%dma_start3A_172 : memref<80xi32, #tpu.memory_space<vmem>>) semaphore(%arg7 : memref<!tpu.dma_semaphore, #tpu.memory_space<semaphore_mem>>)
      %mul3A_176 = arith.constant 2000 : i32
      %mul3A_177 = arith.muli %scan3A_33, %mul3A_176 : i32
      %add3A_178 = arith.constant 880 : i32
      %add3A_179 = arith.addi %mul3A_177, %add3A_178 : i32
      %dma_start3A_180 = arith.constant 880 : i32
      %dma_start3A_181 = arith.constant 0 : i32
      %dma_start3A_182 = tpu.memref_slice %arg6[%select_n3A_42, %dma_start3A_180, %dma_start3A_181] : memref<2x2000x16xf32, #tpu.memory_space<vmem>> -> memref<1x80x16xf32, #tpu.memory_space<vmem>>
      %dma_start3A_183 = tpu.memref_squeeze %dma_start3A_182 : memref<1x80x16xf32, #tpu.memory_space<vmem>> -> memref<80x16xf32, #tpu.memory_space<vmem>>
      %dma_start3A_184 = tpu.memref_slice %arg5[%add3A_179] : memref<10000xi32, #tpu.memory_space<vmem>> -> memref<80xi32, #tpu.memory_space<vmem>>
      %dma_start3A_185 = arith.constant 0 : i32
      %dma_start3A_186 = arith.constant 0 : i32
      %dma_start3A_187 = tpu.memref_slice %arg2[%dma_start3A_185, %dma_start3A_186] : memref<10000x16xf32, #tpu.memory_space<hbm>> -> memref<10000x16xf32, #tpu.memory_space<hbm>>
      tpu.enqueue_indirect_dma source(%dma_start3A_187 : memref<10000x16xf32, #tpu.memory_space<hbm>>) target(%dma_start3A_183 : memref<80x16xf32, #tpu.memory_space<vmem>>) offsets(%dma_start3A_184 : memref<80xi32, #tpu.memory_space<vmem>>) semaphore(%arg7 : memref<!tpu.dma_semaphore, #tpu.memory_space<semaphore_mem>>)
      %mul3A_188 = arith.constant 2000 : i32
      %mul3A_189 = arith.muli %scan3A_33, %mul3A_188 : i32
      %add3A_190 = arith.constant 960 : i32
      %add3A_191 = arith.addi %mul3A_189, %add3A_190 : i32
      %dma_start3A_192 = arith.constant 960 : i32
      %dma_start3A_193 = arith.constant 0 : i32
      %dma_start3A_194 = tpu.memref_slice %arg6[%select_n3A_42, %dma_start3A_192, %dma_start3A_193] : memref<2x2000x16xf32, #tpu.memory_space<vmem>> -> memref<1x80x16xf32, #tpu.memory_space<vmem>>
      %dma_start3A_195 = tpu.memref_squeeze %dma_start3A_194 : memref<1x80x16xf32, #tpu.memory_space<vmem>> -> memref<80x16xf32, #tpu.memory_space<vmem>>
      %dma_start3A_196 = tpu.memref_slice %arg5[%add3A_191] : memref<10000xi32, #tpu.memory_space<vmem>> -> memref<80xi32, #tpu.memory_space<vmem>>
      %dma_start3A_197 = arith.constant 0 : i32
      %dma_start3A_198 = arith.constant 0 : i32
      %dma_start3A_199 = tpu.memref_slice %arg2[%dma_start3A_197, %dma_start3A_198] : memref<10000x16xf32, #tpu.memory_space<hbm>> -> memref<10000x16xf32, #tpu.memory_space<hbm>>
      tpu.enqueue_indirect_dma source(%dma_start3A_199 : memref<10000x16xf32, #tpu.memory_space<hbm>>) target(%dma_start3A_195 : memref<80x16xf32, #tpu.memory_space<vmem>>) offsets(%dma_start3A_196 : memref<80xi32, #tpu.memory_space<vmem>>) semaphore(%arg7 : memref<!tpu.dma_semaphore, #tpu.memory_space<semaphore_mem>>)
      %mul3A_200 = arith.constant 2000 : i32
      %mul3A_201 = arith.muli %scan3A_33, %mul3A_200 : i32
      %add3A_202 = arith.constant 1040 : i32
      %add3A_203 = arith.addi %mul3A_201, %add3A_202 : i32
      %dma_start3A_204 = arith.constant 1040 : i32
      %dma_start3A_205 = arith.constant 0 : i32
      %dma_start3A_206 = tpu.memref_slice %arg6[%select_n3A_42, %dma_start3A_204, %dma_start3A_205] : memref<2x2000x16xf32, #tpu.memory_space<vmem>> -> memref<1x80x16xf32, #tpu.memory_space<vmem>>
      %dma_start3A_207 = tpu.memref_squeeze %dma_start3A_206 : memref<1x80x16xf32, #tpu.memory_space<vmem>> -> memref<80x16xf32, #tpu.memory_space<vmem>>
      %dma_start3A_208 = tpu.memref_slice %arg5[%add3A_203] : memref<10000xi32, #tpu.memory_space<vmem>> -> memref<80xi32, #tpu.memory_space<vmem>>
      %dma_start3A_209 = arith.constant 0 : i32
      %dma_start3A_210 = arith.constant 0 : i32
      %dma_start3A_211 = tpu.memref_slice %arg2[%dma_start3A_209, %dma_start3A_210] : memref<10000x16xf32, #tpu.memory_space<hbm>> -> memref<10000x16xf32, #tpu.memory_space<hbm>>
      tpu.enqueue_indirect_dma source(%dma_start3A_211 : memref<10000x16xf32, #tpu.memory_space<hbm>>) target(%dma_start3A_207 : memref<80x16xf32, #tpu.memory_space<vmem>>) offsets(%dma_start3A_208 : memref<80xi32, #tpu.memory_space<vmem>>) semaphore(%arg7 : memref<!tpu.dma_semaphore, #tpu.memory_space<semaphore_mem>>)
      %mul3A_212 = arith.constant 2000 : i32
      %mul3A_213 = arith.muli %scan3A_33, %mul3A_212 : i32
      %add3A_214 = arith.constant 1120 : i32
      %add3A_215 = arith.addi %mul3A_213, %add3A_214 : i32
      %dma_start3A_216 = arith.constant 1120 : i32
      %dma_start3A_217 = arith.constant 0 : i32
      %dma_start3A_218 = tpu.memref_slice %arg6[%select_n3A_42, %dma_start3A_216, %dma_start3A_217] : memref<2x2000x16xf32, #tpu.memory_space<vmem>> -> memref<1x80x16xf32, #tpu.memory_space<vmem>>
      %dma_start3A_219 = tpu.memref_squeeze %dma_start3A_218 : memref<1x80x16xf32, #tpu.memory_space<vmem>> -> memref<80x16xf32, #tpu.memory_space<vmem>>
      %dma_start3A_220 = tpu.memref_slice %arg5[%add3A_215] : memref<10000xi32, #tpu.memory_space<vmem>> -> memref<80xi32, #tpu.memory_space<vmem>>
      %dma_start3A_221 = arith.constant 0 : i32
      %dma_start3A_222 = arith.constant 0 : i32
      %dma_start3A_223 = tpu.memref_slice %arg2[%dma_start3A_221, %dma_start3A_222] : memref<10000x16xf32, #tpu.memory_space<hbm>> -> memref<10000x16xf32, #tpu.memory_space<hbm>>
      tpu.enqueue_indirect_dma source(%dma_start3A_223 : memref<10000x16xf32, #tpu.memory_space<hbm>>) target(%dma_start3A_219 : memref<80x16xf32, #tpu.memory_space<vmem>>) offsets(%dma_start3A_220 : memref<80xi32, #tpu.memory_space<vmem>>) semaphore(%arg7 : memref<!tpu.dma_semaphore, #tpu.memory_space<semaphore_mem>>)
      %mul3A_224 = arith.constant 2000 : i32
      %mul3A_225 = arith.muli %scan3A_33, %mul3A_224 : i32
      %add3A_226 = arith.constant 1200 : i32
      %add3A_227 = arith.addi %mul3A_225, %add3A_226 : i32
      %dma_start3A_228 = arith.constant 1200 : i32
      %dma_start3A_229 = arith.constant 0 : i32
      %dma_start3A_230 = tpu.memref_slice %arg6[%select_n3A_42, %dma_start3A_228, %dma_start3A_229] : memref<2x2000x16xf32, #tpu.memory_space<vmem>> -> memref<1x80x16xf32, #tpu.memory_space<vmem>>
      %dma_start3A_231 = tpu.memref_squeeze %dma_start3A_230 : memref<1x80x16xf32, #tpu.memory_space<vmem>> -> memref<80x16xf32, #tpu.memory_space<vmem>>
      %dma_start3A_232 = tpu.memref_slice %arg5[%add3A_227] : memref<10000xi32, #tpu.memory_space<vmem>> -> memref<80xi32, #tpu.memory_space<vmem>>
      %dma_start3A_233 = arith.constant 0 : i32
      %dma_start3A_234 = arith.constant 0 : i32
      %dma_start3A_235 = tpu.memref_slice %arg2[%dma_start3A_233, %dma_start3A_234] : memref<10000x16xf32, #tpu.memory_space<hbm>> -> memref<10000x16xf32, #tpu.memory_space<hbm>>
      tpu.enqueue_indirect_dma source(%dma_start3A_235 : memref<10000x16xf32, #tpu.memory_space<hbm>>) target(%dma_start3A_231 : memref<80x16xf32, #tpu.memory_space<vmem>>) offsets(%dma_start3A_232 : memref<80xi32, #tpu.memory_space<vmem>>) semaphore(%arg7 : memref<!tpu.dma_semaphore, #tpu.memory_space<semaphore_mem>>)
      %mul3A_236 = arith.constant 2000 : i32
      %mul3A_237 = arith.muli %scan3A_33, %mul3A_236 : i32
      %add3A_238 = arith.constant 1280 : i32
      %add3A_239 = arith.addi %mul3A_237, %add3A_238 : i32
      %dma_start3A_240 = arith.constant 1280 : i32
      %dma_start3A_241 = arith.constant 0 : i32
      %dma_start3A_242 = tpu.memref_slice %arg6[%select_n3A_42, %dma_start3A_240, %dma_start3A_241] : memref<2x2000x16xf32, #tpu.memory_space<vmem>> -> memref<1x80x16xf32, #tpu.memory_space<vmem>>
      %dma_start3A_243 = tpu.memref_squeeze %dma_start3A_242 : memref<1x80x16xf32, #tpu.memory_space<vmem>> -> memref<80x16xf32, #tpu.memory_space<vmem>>
      %dma_start3A_244 = tpu.memref_slice %arg5[%add3A_239] : memref<10000xi32, #tpu.memory_space<vmem>> -> memref<80xi32, #tpu.memory_space<vmem>>
      %dma_start3A_245 = arith.constant 0 : i32
      %dma_start3A_246 = arith.constant 0 : i32
      %dma_start3A_247 = tpu.memref_slice %arg2[%dma_start3A_245, %dma_start3A_246] : memref<10000x16xf32, #tpu.memory_space<hbm>> -> memref<10000x16xf32, #tpu.memory_space<hbm>>
      tpu.enqueue_indirect_dma source(%dma_start3A_247 : memref<10000x16xf32, #tpu.memory_space<hbm>>) target(%dma_start3A_243 : memref<80x16xf32, #tpu.memory_space<vmem>>) offsets(%dma_start3A_244 : memref<80xi32, #tpu.memory_space<vmem>>) semaphore(%arg7 : memref<!tpu.dma_semaphore, #tpu.memory_space<semaphore_mem>>)
      %mul3A_248 = arith.constant 2000 : i32
      %mul3A_249 = arith.muli %scan3A_33, %mul3A_248 : i32
      %add3A_250 = arith.constant 1360 : i32
      %add3A_251 = arith.addi %mul3A_249, %add3A_250 : i32
      %dma_start3A_252 = arith.constant 1360 : i32
      %dma_start3A_253 = arith.constant 0 : i32
      %dma_start3A_254 = tpu.memref_slice %arg6[%select_n3A_42, %dma_start3A_252, %dma_start3A_253] : memref<2x2000x16xf32, #tpu.memory_space<vmem>> -> memref<1x80x16xf32, #tpu.memory_space<vmem>>
      %dma_start3A_255 = tpu.memref_squeeze %dma_start3A_254 : memref<1x80x16xf32, #tpu.memory_space<vmem>> -> memref<80x16xf32, #tpu.memory_space<vmem>>
      %dma_start3A_256 = tpu.memref_slice %arg5[%add3A_251] : memref<10000xi32, #tpu.memory_space<vmem>> -> memref<80xi32, #tpu.memory_space<vmem>>
      %dma_start3A_257 = arith.constant 0 : i32
      %dma_start3A_258 = arith.constant 0 : i32
      %dma_start3A_259 = tpu.memref_slice %arg2[%dma_start3A_257, %dma_start3A_258] : memref<10000x16xf32, #tpu.memory_space<hbm>> -> memref<10000x16xf32, #tpu.memory_space<hbm>>
      tpu.enqueue_indirect_dma source(%dma_start3A_259 : memref<10000x16xf32, #tpu.memory_space<hbm>>) target(%dma_start3A_255 : memref<80x16xf32, #tpu.memory_space<vmem>>) offsets(%dma_start3A_256 : memref<80xi32, #tpu.memory_space<vmem>>) semaphore(%arg7 : memref<!tpu.dma_semaphore, #tpu.memory_space<semaphore_mem>>)
      %mul3A_260 = arith.constant 2000 : i32
      %mul3A_261 = arith.muli %scan3A_33, %mul3A_260 : i32
      %add3A_262 = arith.constant 1440 : i32
      %add3A_263 = arith.addi %mul3A_261, %add3A_262 : i32
      %dma_start3A_264 = arith.constant 1440 : i32
      %dma_start3A_265 = arith.constant 0 : i32
      %dma_start3A_266 = tpu.memref_slice %arg6[%select_n3A_42, %dma_start3A_264, %dma_start3A_265] : memref<2x2000x16xf32, #tpu.memory_space<vmem>> -> memref<1x80x16xf32, #tpu.memory_space<vmem>>
      %dma_start3A_267 = tpu.memref_squeeze %dma_start3A_266 : memref<1x80x16xf32, #tpu.memory_space<vmem>> -> memref<80x16xf32, #tpu.memory_space<vmem>>
      %dma_start3A_268 = tpu.memref_slice %arg5[%add3A_263] : memref<10000xi32, #tpu.memory_space<vmem>> -> memref<80xi32, #tpu.memory_space<vmem>>
      %dma_start3A_269 = arith.constant 0 : i32
      %dma_start3A_270 = arith.constant 0 : i32
      %dma_start3A_271 = tpu.memref_slice %arg2[%dma_start3A_269, %dma_start3A_270] : memref<10000x16xf32, #tpu.memory_space<hbm>> -> memref<10000x16xf32, #tpu.memory_space<hbm>>
      tpu.enqueue_indirect_dma source(%dma_start3A_271 : memref<10000x16xf32, #tpu.memory_space<hbm>>) target(%dma_start3A_267 : memref<80x16xf32, #tpu.memory_space<vmem>>) offsets(%dma_start3A_268 : memref<80xi32, #tpu.memory_space<vmem>>) semaphore(%arg7 : memref<!tpu.dma_semaphore, #tpu.memory_space<semaphore_mem>>)
      %mul3A_272 = arith.constant 2000 : i32
      %mul3A_273 = arith.muli %scan3A_33, %mul3A_272 : i32
      %add3A_274 = arith.constant 1520 : i32
      %add3A_275 = arith.addi %mul3A_273, %add3A_274 : i32
      %dma_start3A_276 = arith.constant 1520 : i32
      %dma_start3A_277 = arith.constant 0 : i32
      %dma_start3A_278 = tpu.memref_slice %arg6[%select_n3A_42, %dma_start3A_276, %dma_start3A_277] : memref<2x2000x16xf32, #tpu.memory_space<vmem>> -> memref<1x80x16xf32, #tpu.memory_space<vmem>>
      %dma_start3A_279 = tpu.memref_squeeze %dma_start3A_278 : memref<1x80x16xf32, #tpu.memory_space<vmem>> -> memref<80x16xf32, #tpu.memory_space<vmem>>
      %dma_start3A_280 = tpu.memref_slice %arg5[%add3A_275] : memref<10000xi32, #tpu.memory_space<vmem>> -> memref<80xi32, #tpu.memory_space<vmem>>
      %dma_start3A_281 = arith.constant 0 : i32
      %dma_start3A_282 = arith.constant 0 : i32
      %dma_start3A_283 = tpu.memref_slice %arg2[%dma_start3A_281, %dma_start3A_282] : memref<10000x16xf32, #tpu.memory_space<hbm>> -> memref<10000x16xf32, #tpu.memory_space<hbm>>
      tpu.enqueue_indirect_dma source(%dma_start3A_283 : memref<10000x16xf32, #tpu.memory_space<hbm>>) target(%dma_start3A_279 : memref<80x16xf32, #tpu.memory_space<vmem>>) offsets(%dma_start3A_280 : memref<80xi32, #tpu.memory_space<vmem>>) semaphore(%arg7 : memref<!tpu.dma_semaphore, #tpu.memory_space<semaphore_mem>>)
      %mul3A_284 = arith.constant 2000 : i32
      %mul3A_285 = arith.muli %scan3A_33, %mul3A_284 : i32
      %add3A_286 = arith.constant 1600 : i32
      %add3A_287 = arith.addi %mul3A_285, %add3A_286 : i32
      %dma_start3A_288 = arith.constant 1600 : i32
      %dma_start3A_289 = arith.constant 0 : i32
      %dma_start3A_290 = tpu.memref_slice %arg6[%select_n3A_42, %dma_start3A_288, %dma_start3A_289] : memref<2x2000x16xf32, #tpu.memory_space<vmem>> -> memref<1x80x16xf32, #tpu.memory_space<vmem>>
      %dma_start3A_291 = tpu.memref_squeeze %dma_start3A_290 : memref<1x80x16xf32, #tpu.memory_space<vmem>> -> memref<80x16xf32, #tpu.memory_space<vmem>>
      %dma_start3A_292 = tpu.memref_slice %arg5[%add3A_287] : memref<10000xi32, #tpu.memory_space<vmem>> -> memref<80xi32, #tpu.memory_space<vmem>>
      %dma_start3A_293 = arith.constant 0 : i32
      %dma_start3A_294 = arith.constant 0 : i32
      %dma_start3A_295 = tpu.memref_slice %arg2[%dma_start3A_293, %dma_start3A_294] : memref<10000x16xf32, #tpu.memory_space<hbm>> -> memref<10000x16xf32, #tpu.memory_space<hbm>>
      tpu.enqueue_indirect_dma source(%dma_start3A_295 : memref<10000x16xf32, #tpu.memory_space<hbm>>) target(%dma_start3A_291 : memref<80x16xf32, #tpu.memory_space<vmem>>) offsets(%dma_start3A_292 : memref<80xi32, #tpu.memory_space<vmem>>) semaphore(%arg7 : memref<!tpu.dma_semaphore, #tpu.memory_space<semaphore_mem>>)
      %mul3A_296 = arith.constant 2000 : i32
      %mul3A_297 = arith.muli %scan3A_33, %mul3A_296 : i32
      %add3A_298 = arith.constant 1680 : i32
      %add3A_299 = arith.addi %mul3A_297, %add3A_298 : i32
      %dma_start3A_300 = arith.constant 1680 : i32
      %dma_start3A_301 = arith.constant 0 : i32
      %dma_start3A_302 = tpu.memref_slice %arg6[%select_n3A_42, %dma_start3A_300, %dma_start3A_301] : memref<2x2000x16xf32, #tpu.memory_space<vmem>> -> memref<1x80x16xf32, #tpu.memory_space<vmem>>
      %dma_start3A_303 = tpu.memref_squeeze %dma_start3A_302 : memref<1x80x16xf32, #tpu.memory_space<vmem>> -> memref<80x16xf32, #tpu.memory_space<vmem>>
      %dma_start3A_304 = tpu.memref_slice %arg5[%add3A_299] : memref<10000xi32, #tpu.memory_space<vmem>> -> memref<80xi32, #tpu.memory_space<vmem>>
      %dma_start3A_305 = arith.constant 0 : i32
      %dma_start3A_306 = arith.constant 0 : i32
      %dma_start3A_307 = tpu.memref_slice %arg2[%dma_start3A_305, %dma_start3A_306] : memref<10000x16xf32, #tpu.memory_space<hbm>> -> memref<10000x16xf32, #tpu.memory_space<hbm>>
      tpu.enqueue_indirect_dma source(%dma_start3A_307 : memref<10000x16xf32, #tpu.memory_space<hbm>>) target(%dma_start3A_303 : memref<80x16xf32, #tpu.memory_space<vmem>>) offsets(%dma_start3A_304 : memref<80xi32, #tpu.memory_space<vmem>>) semaphore(%arg7 : memref<!tpu.dma_semaphore, #tpu.memory_space<semaphore_mem>>)
      %mul3A_308 = arith.constant 2000 : i32
      %mul3A_309 = arith.muli %scan3A_33, %mul3A_308 : i32
      %add3A_310 = arith.constant 1760 : i32
      %add3A_311 = arith.addi %mul3A_309, %add3A_310 : i32
      %dma_start3A_312 = arith.constant 1760 : i32
      %dma_start3A_313 = arith.constant 0 : i32
      %dma_start3A_314 = tpu.memref_slice %arg6[%select_n3A_42, %dma_start3A_312, %dma_start3A_313] : memref<2x2000x16xf32, #tpu.memory_space<vmem>> -> memref<1x80x16xf32, #tpu.memory_space<vmem>>
      %dma_start3A_315 = tpu.memref_squeeze %dma_start3A_314 : memref<1x80x16xf32, #tpu.memory_space<vmem>> -> memref<80x16xf32, #tpu.memory_space<vmem>>
      %dma_start3A_316 = tpu.memref_slice %arg5[%add3A_311] : memref<10000xi32, #tpu.memory_space<vmem>> -> memref<80xi32, #tpu.memory_space<vmem>>
      %dma_start3A_317 = arith.constant 0 : i32
      %dma_start3A_318 = arith.constant 0 : i32
      %dma_start3A_319 = tpu.memref_slice %arg2[%dma_start3A_317, %dma_start3A_318] : memref<10000x16xf32, #tpu.memory_space<hbm>> -> memref<10000x16xf32, #tpu.memory_space<hbm>>
      tpu.enqueue_indirect_dma source(%dma_start3A_319 : memref<10000x16xf32, #tpu.memory_space<hbm>>) target(%dma_start3A_315 : memref<80x16xf32, #tpu.memory_space<vmem>>) offsets(%dma_start3A_316 : memref<80xi32, #tpu.memory_space<vmem>>) semaphore(%arg7 : memref<!tpu.dma_semaphore, #tpu.memory_space<semaphore_mem>>)
      %mul3A_320 = arith.constant 2000 : i32
      %mul3A_321 = arith.muli %scan3A_33, %mul3A_320 : i32
      %add3A_322 = arith.constant 1840 : i32
      %add3A_323 = arith.addi %mul3A_321, %add3A_322 : i32
      %dma_start3A_324 = arith.constant 1840 : i32
      %dma_start3A_325 = arith.constant 0 : i32
      %dma_start3A_326 = tpu.memref_slice %arg6[%select_n3A_42, %dma_start3A_324, %dma_start3A_325] : memref<2x2000x16xf32, #tpu.memory_space<vmem>> -> memref<1x80x16xf32, #tpu.memory_space<vmem>>
      %dma_start3A_327 = tpu.memref_squeeze %dma_start3A_326 : memref<1x80x16xf32, #tpu.memory_space<vmem>> -> memref<80x16xf32, #tpu.memory_space<vmem>>
      %dma_start3A_328 = tpu.memref_slice %arg5[%add3A_323] : memref<10000xi32, #tpu.memory_space<vmem>> -> memref<80xi32, #tpu.memory_space<vmem>>
      %dma_start3A_329 = arith.constant 0 : i32
      %dma_start3A_330 = arith.constant 0 : i32
      %dma_start3A_331 = tpu.memref_slice %arg2[%dma_start3A_329, %dma_start3A_330] : memref<10000x16xf32, #tpu.memory_space<hbm>> -> memref<10000x16xf32, #tpu.memory_space<hbm>>
      tpu.enqueue_indirect_dma source(%dma_start3A_331 : memref<10000x16xf32, #tpu.memory_space<hbm>>) target(%dma_start3A_327 : memref<80x16xf32, #tpu.memory_space<vmem>>) offsets(%dma_start3A_328 : memref<80xi32, #tpu.memory_space<vmem>>) semaphore(%arg7 : memref<!tpu.dma_semaphore, #tpu.memory_space<semaphore_mem>>)
      %mul3A_332 = arith.constant 2000 : i32
      %mul3A_333 = arith.muli %scan3A_33, %mul3A_332 : i32
      %add3A_334 = arith.constant 1920 : i32
      %add3A_335 = arith.addi %mul3A_333, %add3A_334 : i32
      %dma_start3A_336 = arith.constant 1920 : i32
      %dma_start3A_337 = arith.constant 0 : i32
      %dma_start3A_338 = tpu.memref_slice %arg6[%select_n3A_42, %dma_start3A_336, %dma_start3A_337] : memref<2x2000x16xf32, #tpu.memory_space<vmem>> -> memref<1x80x16xf32, #tpu.memory_space<vmem>>
      %dma_start3A_339 = tpu.memref_squeeze %dma_start3A_338 : memref<1x80x16xf32, #tpu.memory_space<vmem>> -> memref<80x16xf32, #tpu.memory_space<vmem>>
      %dma_start3A_340 = tpu.memref_slice %arg5[%add3A_335] : memref<10000xi32, #tpu.memory_space<vmem>> -> memref<80xi32, #tpu.memory_space<vmem>>
      %dma_start3A_341 = arith.constant 0 : i32
      %dma_start3A_342 = arith.constant 0 : i32
      %dma_start3A_343 = tpu.memref_slice %arg2[%dma_start3A_341, %dma_start3A_342] : memref<10000x16xf32, #tpu.memory_space<hbm>> -> memref<10000x16xf32, #tpu.memory_space<hbm>>
      tpu.enqueue_indirect_dma source(%dma_start3A_343 : memref<10000x16xf32, #tpu.memory_space<hbm>>) target(%dma_start3A_339 : memref<80x16xf32, #tpu.memory_space<vmem>>) offsets(%dma_start3A_340 : memref<80xi32, #tpu.memory_space<vmem>>) semaphore(%arg7 : memref<!tpu.dma_semaphore, #tpu.memory_space<semaphore_mem>>)
      %dma_wait3A_344 = arith.constant 0 : i32
      %dma_wait3A_345 = arith.constant 0 : i32
      %dma_wait3A_346 = tpu.memref_slice %arg6[%select_n3A_42, %dma_wait3A_344, %dma_wait3A_345] : memref<2x2000x16xf32, #tpu.memory_space<vmem>> -> memref<1x80x16xf32, #tpu.memory_space<vmem>>
      %dma_wait3A_347 = tpu.memref_squeeze %dma_wait3A_346 : memref<1x80x16xf32, #tpu.memory_space<vmem>> -> memref<80x16xf32, #tpu.memory_space<vmem>>
      %dma_wait3A_348 = tpu.memref_slice %arg5[%add3A_48] : memref<10000xi32, #tpu.memory_space<vmem>> -> memref<80xi32, #tpu.memory_space<vmem>>
      %dma_wait3A_349 = arith.constant 0 : i32
      %dma_wait3A_350 = arith.constant 0 : i32
      %dma_wait3A_351 = tpu.memref_slice %arg2[%dma_wait3A_349, %dma_wait3A_350] : memref<10000x16xf32, #tpu.memory_space<hbm>> -> memref<10000x16xf32, #tpu.memory_space<hbm>>
      tpu.wait_indirect_dma semaphore(%arg7 : memref<!tpu.dma_semaphore, #tpu.memory_space<semaphore_mem>>) src(%dma_wait3A_351 : memref<10000x16xf32, #tpu.memory_space<hbm>>) dst(%dma_wait3A_347 : memref<80x16xf32, #tpu.memory_space<vmem>>)
      %dma_wait3A_352 = arith.constant 80 : i32
      %dma_wait3A_353 = arith.constant 0 : i32
      %dma_wait3A_354 = tpu.memref_slice %arg6[%select_n3A_42, %dma_wait3A_352, %dma_wait3A_353] : memref<2x2000x16xf32, #tpu.memory_space<vmem>> -> memref<1x80x16xf32, #tpu.memory_space<vmem>>
      %dma_wait3A_355 = tpu.memref_squeeze %dma_wait3A_354 : memref<1x80x16xf32, #tpu.memory_space<vmem>> -> memref<80x16xf32, #tpu.memory_space<vmem>>
      %dma_wait3A_356 = tpu.memref_slice %arg5[%add3A_59] : memref<10000xi32, #tpu.memory_space<vmem>> -> memref<80xi32, #tpu.memory_space<vmem>>
      %dma_wait3A_357 = arith.constant 0 : i32
      %dma_wait3A_358 = arith.constant 0 : i32
      %dma_wait3A_359 = tpu.memref_slice %arg2[%dma_wait3A_357, %dma_wait3A_358] : memref<10000x16xf32, #tpu.memory_space<hbm>> -> memref<10000x16xf32, #tpu.memory_space<hbm>>
      tpu.wait_indirect_dma semaphore(%arg7 : memref<!tpu.dma_semaphore, #tpu.memory_space<semaphore_mem>>) src(%dma_wait3A_359 : memref<10000x16xf32, #tpu.memory_space<hbm>>) dst(%dma_wait3A_355 : memref<80x16xf32, #tpu.memory_space<vmem>>)
      %dma_wait3A_360 = arith.constant 160 : i32
      %dma_wait3A_361 = arith.constant 0 : i32
      %dma_wait3A_362 = tpu.memref_slice %arg6[%select_n3A_42, %dma_wait3A_360, %dma_wait3A_361] : memref<2x2000x16xf32, #tpu.memory_space<vmem>> -> memref<1x80x16xf32, #tpu.memory_space<vmem>>
      %dma_wait3A_363 = tpu.memref_squeeze %dma_wait3A_362 : memref<1x80x16xf32, #tpu.memory_space<vmem>> -> memref<80x16xf32, #tpu.memory_space<vmem>>
      %dma_wait3A_364 = tpu.memref_slice %arg5[%add3A_71] : memref<10000xi32, #tpu.memory_space<vmem>> -> memref<80xi32, #tpu.memory_space<vmem>>
      %dma_wait3A_365 = arith.constant 0 : i32
      %dma_wait3A_366 = arith.constant 0 : i32
      %dma_wait3A_367 = tpu.memref_slice %arg2[%dma_wait3A_365, %dma_wait3A_366] : memref<10000x16xf32, #tpu.memory_space<hbm>> -> memref<10000x16xf32, #tpu.memory_space<hbm>>
      tpu.wait_indirect_dma semaphore(%arg7 : memref<!tpu.dma_semaphore, #tpu.memory_space<semaphore_mem>>) src(%dma_wait3A_367 : memref<10000x16xf32, #tpu.memory_space<hbm>>) dst(%dma_wait3A_363 : memref<80x16xf32, #tpu.memory_space<vmem>>)
      %dma_wait3A_368 = arith.constant 240 : i32
      %dma_wait3A_369 = arith.constant 0 : i32
      %dma_wait3A_370 = tpu.memref_slice %arg6[%select_n3A_42, %dma_wait3A_368, %dma_wait3A_369] : memref<2x2000x16xf32, #tpu.memory_space<vmem>> -> memref<1x80x16xf32, #tpu.memory_space<vmem>>
      %dma_wait3A_371 = tpu.memref_squeeze %dma_wait3A_370 : memref<1x80x16xf32, #tpu.memory_space<vmem>> -> memref<80x16xf32, #tpu.memory_space<vmem>>
      %dma_wait3A_372 = tpu.memref_slice %arg5[%add3A_83] : memref<10000xi32, #tpu.memory_space<vmem>> -> memref<80xi32, #tpu.memory_space<vmem>>
      %dma_wait3A_373 = arith.constant 0 : i32
      %dma_wait3A_374 = arith.constant 0 : i32
      %dma_wait3A_375 = tpu.memref_slice %arg2[%dma_wait3A_373, %dma_wait3A_374] : memref<10000x16xf32, #tpu.memory_space<hbm>> -> memref<10000x16xf32, #tpu.memory_space<hbm>>
      tpu.wait_indirect_dma semaphore(%arg7 : memref<!tpu.dma_semaphore, #tpu.memory_space<semaphore_mem>>) src(%dma_wait3A_375 : memref<10000x16xf32, #tpu.memory_space<hbm>>) dst(%dma_wait3A_371 : memref<80x16xf32, #tpu.memory_space<vmem>>)
      %dma_wait3A_376 = arith.constant 320 : i32
      %dma_wait3A_377 = arith.constant 0 : i32
      %dma_wait3A_378 = tpu.memref_slice %arg6[%select_n3A_42, %dma_wait3A_376, %dma_wait3A_377] : memref<2x2000x16xf32, #tpu.memory_space<vmem>> -> memref<1x80x16xf32, #tpu.memory_space<vmem>>
      %dma_wait3A_379 = tpu.memref_squeeze %dma_wait3A_378 : memref<1x80x16xf32, #tpu.memory_space<vmem>> -> memref<80x16xf32, #tpu.memory_space<vmem>>
      %dma_wait3A_380 = tpu.memref_slice %arg5[%add3A_95] : memref<10000xi32, #tpu.memory_space<vmem>> -> memref<80xi32, #tpu.memory_space<vmem>>
      %dma_wait3A_381 = arith.constant 0 : i32
      %dma_wait3A_382 = arith.constant 0 : i32
      %dma_wait3A_383 = tpu.memref_slice %arg2[%dma_wait3A_381, %dma_wait3A_382] : memref<10000x16xf32, #tpu.memory_space<hbm>> -> memref<10000x16xf32, #tpu.memory_space<hbm>>
      tpu.wait_indirect_dma semaphore(%arg7 : memref<!tpu.dma_semaphore, #tpu.memory_space<semaphore_mem>>) src(%dma_wait3A_383 : memref<10000x16xf32, #tpu.memory_space<hbm>>) dst(%dma_wait3A_379 : memref<80x16xf32, #tpu.memory_space<vmem>>)
      %dma_wait3A_384 = arith.constant 400 : i32
      %dma_wait3A_385 = arith.constant 0 : i32
      %dma_wait3A_386 = tpu.memref_slice %arg6[%select_n3A_42, %dma_wait3A_384, %dma_wait3A_385] : memref<2x2000x16xf32, #tpu.memory_space<vmem>> -> memref<1x80x16xf32, #tpu.memory_space<vmem>>
      %dma_wait3A_387 = tpu.memref_squeeze %dma_wait3A_386 : memref<1x80x16xf32, #tpu.memory_space<vmem>> -> memref<80x16xf32, #tpu.memory_space<vmem>>
      %dma_wait3A_388 = tpu.memref_slice %arg5[%add3A_107] : memref<10000xi32, #tpu.memory_space<vmem>> -> memref<80xi32, #tpu.memory_space<vmem>>
      %dma_wait3A_389 = arith.constant 0 : i32
      %dma_wait3A_390 = arith.constant 0 : i32
      %dma_wait3A_391 = tpu.memref_slice %arg2[%dma_wait3A_389, %dma_wait3A_390] : memref<10000x16xf32, #tpu.memory_space<hbm>> -> memref<10000x16xf32, #tpu.memory_space<hbm>>
      tpu.wait_indirect_dma semaphore(%arg7 : memref<!tpu.dma_semaphore, #tpu.memory_space<semaphore_mem>>) src(%dma_wait3A_391 : memref<10000x16xf32, #tpu.memory_space<hbm>>) dst(%dma_wait3A_387 : memref<80x16xf32, #tpu.memory_space<vmem>>)
      %dma_wait3A_392 = arith.constant 480 : i32
      %dma_wait3A_393 = arith.constant 0 : i32
      %dma_wait3A_394 = tpu.memref_slice %arg6[%select_n3A_42, %dma_wait3A_392, %dma_wait3A_393] : memref<2x2000x16xf32, #tpu.memory_space<vmem>> -> memref<1x80x16xf32, #tpu.memory_space<vmem>>
      %dma_wait3A_395 = tpu.memref_squeeze %dma_wait3A_394 : memref<1x80x16xf32, #tpu.memory_space<vmem>> -> memref<80x16xf32, #tpu.memory_space<vmem>>
      %dma_wait3A_396 = tpu.memref_slice %arg5[%add3A_119] : memref<10000xi32, #tpu.memory_space<vmem>> -> memref<80xi32, #tpu.memory_space<vmem>>
      %dma_wait3A_397 = arith.constant 0 : i32
      %dma_wait3A_398 = arith.constant 0 : i32
      %dma_wait3A_399 = tpu.memref_slice %arg2[%dma_wait3A_397, %dma_wait3A_398] : memref<10000x16xf32, #tpu.memory_space<hbm>> -> memref<10000x16xf32, #tpu.memory_space<hbm>>
      tpu.wait_indirect_dma semaphore(%arg7 : memref<!tpu.dma_semaphore, #tpu.memory_space<semaphore_mem>>) src(%dma_wait3A_399 : memref<10000x16xf32, #tpu.memory_space<hbm>>) dst(%dma_wait3A_395 : memref<80x16xf32, #tpu.memory_space<vmem>>)
      %dma_wait3A_400 = arith.constant 560 : i32
      %dma_wait3A_401 = arith.constant 0 : i32
      %dma_wait3A_402 = tpu.memref_slice %arg6[%select_n3A_42, %dma_wait3A_400, %dma_wait3A_401] : memref<2x2000x16xf32, #tpu.memory_space<vmem>> -> memref<1x80x16xf32, #tpu.memory_space<vmem>>
      %dma_wait3A_403 = tpu.memref_squeeze %dma_wait3A_402 : memref<1x80x16xf32, #tpu.memory_space<vmem>> -> memref<80x16xf32, #tpu.memory_space<vmem>>
      %dma_wait3A_404 = tpu.memref_slice %arg5[%add3A_131] : memref<10000xi32, #tpu.memory_space<vmem>> -> memref<80xi32, #tpu.memory_space<vmem>>
      %dma_wait3A_405 = arith.constant 0 : i32
      %dma_wait3A_406 = arith.constant 0 : i32
      %dma_wait3A_407 = tpu.memref_slice %arg2[%dma_wait3A_405, %dma_wait3A_406] : memref<10000x16xf32, #tpu.memory_space<hbm>> -> memref<10000x16xf32, #tpu.memory_space<hbm>>
      tpu.wait_indirect_dma semaphore(%arg7 : memref<!tpu.dma_semaphore, #tpu.memory_space<semaphore_mem>>) src(%dma_wait3A_407 : memref<10000x16xf32, #tpu.memory_space<hbm>>) dst(%dma_wait3A_403 : memref<80x16xf32, #tpu.memory_space<vmem>>)
      %dma_wait3A_408 = arith.constant 640 : i32
      %dma_wait3A_409 = arith.constant 0 : i32
      %dma_wait3A_410 = tpu.memref_slice %arg6[%select_n3A_42, %dma_wait3A_408, %dma_wait3A_409] : memref<2x2000x16xf32, #tpu.memory_space<vmem>> -> memref<1x80x16xf32, #tpu.memory_space<vmem>>
      %dma_wait3A_411 = tpu.memref_squeeze %dma_wait3A_410 : memref<1x80x16xf32, #tpu.memory_space<vmem>> -> memref<80x16xf32, #tpu.memory_space<vmem>>
      %dma_wait3A_412 = tpu.memref_slice %arg5[%add3A_143] : memref<10000xi32, #tpu.memory_space<vmem>> -> memref<80xi32, #tpu.memory_space<vmem>>
      %dma_wait3A_413 = arith.constant 0 : i32
      %dma_wait3A_414 = arith.constant 0 : i32
      %dma_wait3A_415 = tpu.memref_slice %arg2[%dma_wait3A_413, %dma_wait3A_414] : memref<10000x16xf32, #tpu.memory_space<hbm>> -> memref<10000x16xf32, #tpu.memory_space<hbm>>
      tpu.wait_indirect_dma semaphore(%arg7 : memref<!tpu.dma_semaphore, #tpu.memory_space<semaphore_mem>>) src(%dma_wait3A_415 : memref<10000x16xf32, #tpu.memory_space<hbm>>) dst(%dma_wait3A_411 : memref<80x16xf32, #tpu.memory_space<vmem>>)
      %dma_wait3A_416 = arith.constant 720 : i32
      %dma_wait3A_417 = arith.constant 0 : i32
      %dma_wait3A_418 = tpu.memref_slice %arg6[%select_n3A_42, %dma_wait3A_416, %dma_wait3A_417] : memref<2x2000x16xf32, #tpu.memory_space<vmem>> -> memref<1x80x16xf32, #tpu.memory_space<vmem>>
      %dma_wait3A_419 = tpu.memref_squeeze %dma_wait3A_418 : memref<1x80x16xf32, #tpu.memory_space<vmem>> -> memref<80x16xf32, #tpu.memory_space<vmem>>
      %dma_wait3A_420 = tpu.memref_slice %arg5[%add3A_155] : memref<10000xi32, #tpu.memory_space<vmem>> -> memref<80xi32, #tpu.memory_space<vmem>>
      %dma_wait3A_421 = arith.constant 0 : i32
      %dma_wait3A_422 = arith.constant 0 : i32
      %dma_wait3A_423 = tpu.memref_slice %arg2[%dma_wait3A_421, %dma_wait3A_422] : memref<10000x16xf32, #tpu.memory_space<hbm>> -> memref<10000x16xf32, #tpu.memory_space<hbm>>
      tpu.wait_indirect_dma semaphore(%arg7 : memref<!tpu.dma_semaphore, #tpu.memory_space<semaphore_mem>>) src(%dma_wait3A_423 : memref<10000x16xf32, #tpu.memory_space<hbm>>) dst(%dma_wait3A_419 : memref<80x16xf32, #tpu.memory_space<vmem>>)
      %dma_wait3A_424 = arith.constant 800 : i32
      %dma_wait3A_425 = arith.constant 0 : i32
      %dma_wait3A_426 = tpu.memref_slice %arg6[%select_n3A_42, %dma_wait3A_424, %dma_wait3A_425] : memref<2x2000x16xf32, #tpu.memory_space<vmem>> -> memref<1x80x16xf32, #tpu.memory_space<vmem>>
      %dma_wait3A_427 = tpu.memref_squeeze %dma_wait3A_426 : memref<1x80x16xf32, #tpu.memory_space<vmem>> -> memref<80x16xf32, #tpu.memory_space<vmem>>
      %dma_wait3A_428 = tpu.memref_slice %arg5[%add3A_167] : memref<10000xi32, #tpu.memory_space<vmem>> -> memref<80xi32, #tpu.memory_space<vmem>>
      %dma_wait3A_429 = arith.constant 0 : i32
      %dma_wait3A_430 = arith.constant 0 : i32
      %dma_wait3A_431 = tpu.memref_slice %arg2[%dma_wait3A_429, %dma_wait3A_430] : memref<10000x16xf32, #tpu.memory_space<hbm>> -> memref<10000x16xf32, #tpu.memory_space<hbm>>
      tpu.wait_indirect_dma semaphore(%arg7 : memref<!tpu.dma_semaphore, #tpu.memory_space<semaphore_mem>>) src(%dma_wait3A_431 : memref<10000x16xf32, #tpu.memory_space<hbm>>) dst(%dma_wait3A_427 : memref<80x16xf32, #tpu.memory_space<vmem>>)
      %dma_wait3A_432 = arith.constant 880 : i32
      %dma_wait3A_433 = arith.constant 0 : i32
      %dma_wait3A_434 = tpu.memref_slice %arg6[%select_n3A_42, %dma_wait3A_432, %dma_wait3A_433] : memref<2x2000x16xf32, #tpu.memory_space<vmem>> -> memref<1x80x16xf32, #tpu.memory_space<vmem>>
      %dma_wait3A_435 = tpu.memref_squeeze %dma_wait3A_434 : memref<1x80x16xf32, #tpu.memory_space<vmem>> -> memref<80x16xf32, #tpu.memory_space<vmem>>
      %dma_wait3A_436 = tpu.memref_slice %arg5[%add3A_179] : memref<10000xi32, #tpu.memory_space<vmem>> -> memref<80xi32, #tpu.memory_space<vmem>>
      %dma_wait3A_437 = arith.constant 0 : i32
      %dma_wait3A_438 = arith.constant 0 : i32
      %dma_wait3A_439 = tpu.memref_slice %arg2[%dma_wait3A_437, %dma_wait3A_438] : memref<10000x16xf32, #tpu.memory_space<hbm>> -> memref<10000x16xf32, #tpu.memory_space<hbm>>
      tpu.wait_indirect_dma semaphore(%arg7 : memref<!tpu.dma_semaphore, #tpu.memory_space<semaphore_mem>>) src(%dma_wait3A_439 : memref<10000x16xf32, #tpu.memory_space<hbm>>) dst(%dma_wait3A_435 : memref<80x16xf32, #tpu.memory_space<vmem>>)
      %dma_wait3A_440 = arith.constant 960 : i32
      %dma_wait3A_441 = arith.constant 0 : i32
      %dma_wait3A_442 = tpu.memref_slice %arg6[%select_n3A_42, %dma_wait3A_440, %dma_wait3A_441] : memref<2x2000x16xf32, #tpu.memory_space<vmem>> -> memref<1x80x16xf32, #tpu.memory_space<vmem>>
      %dma_wait3A_443 = tpu.memref_squeeze %dma_wait3A_442 : memref<1x80x16xf32, #tpu.memory_space<vmem>> -> memref<80x16xf32, #tpu.memory_space<vmem>>
      %dma_wait3A_444 = tpu.memref_slice %arg5[%add3A_191] : memref<10000xi32, #tpu.memory_space<vmem>> -> memref<80xi32, #tpu.memory_space<vmem>>
      %dma_wait3A_445 = arith.constant 0 : i32
      %dma_wait3A_446 = arith.constant 0 : i32
      %dma_wait3A_447 = tpu.memref_slice %arg2[%dma_wait3A_445, %dma_wait3A_446] : memref<10000x16xf32, #tpu.memory_space<hbm>> -> memref<10000x16xf32, #tpu.memory_space<hbm>>
      tpu.wait_indirect_dma semaphore(%arg7 : memref<!tpu.dma_semaphore, #tpu.memory_space<semaphore_mem>>) src(%dma_wait3A_447 : memref<10000x16xf32, #tpu.memory_space<hbm>>) dst(%dma_wait3A_443 : memref<80x16xf32, #tpu.memory_space<vmem>>)
      %dma_wait3A_448 = arith.constant 1040 : i32
      %dma_wait3A_449 = arith.constant 0 : i32
      %dma_wait3A_450 = tpu.memref_slice %arg6[%select_n3A_42, %dma_wait3A_448, %dma_wait3A_449] : memref<2x2000x16xf32, #tpu.memory_space<vmem>> -> memref<1x80x16xf32, #tpu.memory_space<vmem>>
      %dma_wait3A_451 = tpu.memref_squeeze %dma_wait3A_450 : memref<1x80x16xf32, #tpu.memory_space<vmem>> -> memref<80x16xf32, #tpu.memory_space<vmem>>
      %dma_wait3A_452 = tpu.memref_slice %arg5[%add3A_203] : memref<10000xi32, #tpu.memory_space<vmem>> -> memref<80xi32, #tpu.memory_space<vmem>>
      %dma_wait3A_453 = arith.constant 0 : i32
      %dma_wait3A_454 = arith.constant 0 : i32
      %dma_wait3A_455 = tpu.memref_slice %arg2[%dma_wait3A_453, %dma_wait3A_454] : memref<10000x16xf32, #tpu.memory_space<hbm>> -> memref<10000x16xf32, #tpu.memory_space<hbm>>
      tpu.wait_indirect_dma semaphore(%arg7 : memref<!tpu.dma_semaphore, #tpu.memory_space<semaphore_mem>>) src(%dma_wait3A_455 : memref<10000x16xf32, #tpu.memory_space<hbm>>) dst(%dma_wait3A_451 : memref<80x16xf32, #tpu.memory_space<vmem>>)
      %dma_wait3A_456 = arith.constant 1120 : i32
      %dma_wait3A_457 = arith.constant 0 : i32
      %dma_wait3A_458 = tpu.memref_slice %arg6[%select_n3A_42, %dma_wait3A_456, %dma_wait3A_457] : memref<2x2000x16xf32, #tpu.memory_space<vmem>> -> memref<1x80x16xf32, #tpu.memory_space<vmem>>
      %dma_wait3A_459 = tpu.memref_squeeze %dma_wait3A_458 : memref<1x80x16xf32, #tpu.memory_space<vmem>> -> memref<80x16xf32, #tpu.memory_space<vmem>>
      %dma_wait3A_460 = tpu.memref_slice %arg5[%add3A_215] : memref<10000xi32, #tpu.memory_space<vmem>> -> memref<80xi32, #tpu.memory_space<vmem>>
      %dma_wait3A_461 = arith.constant 0 : i32
      %dma_wait3A_462 = arith.constant 0 : i32
      %dma_wait3A_463 = tpu.memref_slice %arg2[%dma_wait3A_461, %dma_wait3A_462] : memref<10000x16xf32, #tpu.memory_space<hbm>> -> memref<10000x16xf32, #tpu.memory_space<hbm>>
      tpu.wait_indirect_dma semaphore(%arg7 : memref<!tpu.dma_semaphore, #tpu.memory_space<semaphore_mem>>) src(%dma_wait3A_463 : memref<10000x16xf32, #tpu.memory_space<hbm>>) dst(%dma_wait3A_459 : memref<80x16xf32, #tpu.memory_space<vmem>>)
      %dma_wait3A_464 = arith.constant 1200 : i32
      %dma_wait3A_465 = arith.constant 0 : i32
      %dma_wait3A_466 = tpu.memref_slice %arg6[%select_n3A_42, %dma_wait3A_464, %dma_wait3A_465] : memref<2x2000x16xf32, #tpu.memory_space<vmem>> -> memref<1x80x16xf32, #tpu.memory_space<vmem>>
      %dma_wait3A_467 = tpu.memref_squeeze %dma_wait3A_466 : memref<1x80x16xf32, #tpu.memory_space<vmem>> -> memref<80x16xf32, #tpu.memory_space<vmem>>
      %dma_wait3A_468 = tpu.memref_slice %arg5[%add3A_227] : memref<10000xi32, #tpu.memory_space<vmem>> -> memref<80xi32, #tpu.memory_space<vmem>>
      %dma_wait3A_469 = arith.constant 0 : i32
      %dma_wait3A_470 = arith.constant 0 : i32
      %dma_wait3A_471 = tpu.memref_slice %arg2[%dma_wait3A_469, %dma_wait3A_470] : memref<10000x16xf32, #tpu.memory_space<hbm>> -> memref<10000x16xf32, #tpu.memory_space<hbm>>
      tpu.wait_indirect_dma semaphore(%arg7 : memref<!tpu.dma_semaphore, #tpu.memory_space<semaphore_mem>>) src(%dma_wait3A_471 : memref<10000x16xf32, #tpu.memory_space<hbm>>) dst(%dma_wait3A_467 : memref<80x16xf32, #tpu.memory_space<vmem>>)
      %dma_wait3A_472 = arith.constant 1280 : i32
      %dma_wait3A_473 = arith.constant 0 : i32
      %dma_wait3A_474 = tpu.memref_slice %arg6[%select_n3A_42, %dma_wait3A_472, %dma_wait3A_473] : memref<2x2000x16xf32, #tpu.memory_space<vmem>> -> memref<1x80x16xf32, #tpu.memory_space<vmem>>
      %dma_wait3A_475 = tpu.memref_squeeze %dma_wait3A_474 : memref<1x80x16xf32, #tpu.memory_space<vmem>> -> memref<80x16xf32, #tpu.memory_space<vmem>>
      %dma_wait3A_476 = tpu.memref_slice %arg5[%add3A_239] : memref<10000xi32, #tpu.memory_space<vmem>> -> memref<80xi32, #tpu.memory_space<vmem>>
      %dma_wait3A_477 = arith.constant 0 : i32
      %dma_wait3A_478 = arith.constant 0 : i32
      %dma_wait3A_479 = tpu.memref_slice %arg2[%dma_wait3A_477, %dma_wait3A_478] : memref<10000x16xf32, #tpu.memory_space<hbm>> -> memref<10000x16xf32, #tpu.memory_space<hbm>>
      tpu.wait_indirect_dma semaphore(%arg7 : memref<!tpu.dma_semaphore, #tpu.memory_space<semaphore_mem>>) src(%dma_wait3A_479 : memref<10000x16xf32, #tpu.memory_space<hbm>>) dst(%dma_wait3A_475 : memref<80x16xf32, #tpu.memory_space<vmem>>)
      %dma_wait3A_480 = arith.constant 1360 : i32
      %dma_wait3A_481 = arith.constant 0 : i32
      %dma_wait3A_482 = tpu.memref_slice %arg6[%select_n3A_42, %dma_wait3A_480, %dma_wait3A_481] : memref<2x2000x16xf32, #tpu.memory_space<vmem>> -> memref<1x80x16xf32, #tpu.memory_space<vmem>>
      %dma_wait3A_483 = tpu.memref_squeeze %dma_wait3A_482 : memref<1x80x16xf32, #tpu.memory_space<vmem>> -> memref<80x16xf32, #tpu.memory_space<vmem>>
      %dma_wait3A_484 = tpu.memref_slice %arg5[%add3A_251] : memref<10000xi32, #tpu.memory_space<vmem>> -> memref<80xi32, #tpu.memory_space<vmem>>
      %dma_wait3A_485 = arith.constant 0 : i32
      %dma_wait3A_486 = arith.constant 0 : i32
      %dma_wait3A_487 = tpu.memref_slice %arg2[%dma_wait3A_485, %dma_wait3A_486] : memref<10000x16xf32, #tpu.memory_space<hbm>> -> memref<10000x16xf32, #tpu.memory_space<hbm>>
      tpu.wait_indirect_dma semaphore(%arg7 : memref<!tpu.dma_semaphore, #tpu.memory_space<semaphore_mem>>) src(%dma_wait3A_487 : memref<10000x16xf32, #tpu.memory_space<hbm>>) dst(%dma_wait3A_483 : memref<80x16xf32, #tpu.memory_space<vmem>>)
      %dma_wait3A_488 = arith.constant 1440 : i32
      %dma_wait3A_489 = arith.constant 0 : i32
      %dma_wait3A_490 = tpu.memref_slice %arg6[%select_n3A_42, %dma_wait3A_488, %dma_wait3A_489] : memref<2x2000x16xf32, #tpu.memory_space<vmem>> -> memref<1x80x16xf32, #tpu.memory_space<vmem>>
      %dma_wait3A_491 = tpu.memref_squeeze %dma_wait3A_490 : memref<1x80x16xf32, #tpu.memory_space<vmem>> -> memref<80x16xf32, #tpu.memory_space<vmem>>
      %dma_wait3A_492 = tpu.memref_slice %arg5[%add3A_263] : memref<10000xi32, #tpu.memory_space<vmem>> -> memref<80xi32, #tpu.memory_space<vmem>>
      %dma_wait3A_493 = arith.constant 0 : i32
      %dma_wait3A_494 = arith.constant 0 : i32
      %dma_wait3A_495 = tpu.memref_slice %arg2[%dma_wait3A_493, %dma_wait3A_494] : memref<10000x16xf32, #tpu.memory_space<hbm>> -> memref<10000x16xf32, #tpu.memory_space<hbm>>
      tpu.wait_indirect_dma semaphore(%arg7 : memref<!tpu.dma_semaphore, #tpu.memory_space<semaphore_mem>>) src(%dma_wait3A_495 : memref<10000x16xf32, #tpu.memory_space<hbm>>) dst(%dma_wait3A_491 : memref<80x16xf32, #tpu.memory_space<vmem>>)
      %dma_wait3A_496 = arith.constant 1520 : i32
      %dma_wait3A_497 = arith.constant 0 : i32
      %dma_wait3A_498 = tpu.memref_slice %arg6[%select_n3A_42, %dma_wait3A_496, %dma_wait3A_497] : memref<2x2000x16xf32, #tpu.memory_space<vmem>> -> memref<1x80x16xf32, #tpu.memory_space<vmem>>
      %dma_wait3A_499 = tpu.memref_squeeze %dma_wait3A_498 : memref<1x80x16xf32, #tpu.memory_space<vmem>> -> memref<80x16xf32, #tpu.memory_space<vmem>>
      %dma_wait3A_500 = tpu.memref_slice %arg5[%add3A_275] : memref<10000xi32, #tpu.memory_space<vmem>> -> memref<80xi32, #tpu.memory_space<vmem>>
      %dma_wait3A_501 = arith.constant 0 : i32
      %dma_wait3A_502 = arith.constant 0 : i32
      %dma_wait3A_503 = tpu.memref_slice %arg2[%dma_wait3A_501, %dma_wait3A_502] : memref<10000x16xf32, #tpu.memory_space<hbm>> -> memref<10000x16xf32, #tpu.memory_space<hbm>>
      tpu.wait_indirect_dma semaphore(%arg7 : memref<!tpu.dma_semaphore, #tpu.memory_space<semaphore_mem>>) src(%dma_wait3A_503 : memref<10000x16xf32, #tpu.memory_space<hbm>>) dst(%dma_wait3A_499 : memref<80x16xf32, #tpu.memory_space<vmem>>)
      %dma_wait3A_504 = arith.constant 1600 : i32
      %dma_wait3A_505 = arith.constant 0 : i32
      %dma_wait3A_506 = tpu.memref_slice %arg6[%select_n3A_42, %dma_wait3A_504, %dma_wait3A_505] : memref<2x2000x16xf32, #tpu.memory_space<vmem>> -> memref<1x80x16xf32, #tpu.memory_space<vmem>>
      %dma_wait3A_507 = tpu.memref_squeeze %dma_wait3A_506 : memref<1x80x16xf32, #tpu.memory_space<vmem>> -> memref<80x16xf32, #tpu.memory_space<vmem>>
      %dma_wait3A_508 = tpu.memref_slice %arg5[%add3A_287] : memref<10000xi32, #tpu.memory_space<vmem>> -> memref<80xi32, #tpu.memory_space<vmem>>
      %dma_wait3A_509 = arith.constant 0 : i32
      %dma_wait3A_510 = arith.constant 0 : i32
      %dma_wait3A_511 = tpu.memref_slice %arg2[%dma_wait3A_509, %dma_wait3A_510] : memref<10000x16xf32, #tpu.memory_space<hbm>> -> memref<10000x16xf32, #tpu.memory_space<hbm>>
      tpu.wait_indirect_dma semaphore(%arg7 : memref<!tpu.dma_semaphore, #tpu.memory_space<semaphore_mem>>) src(%dma_wait3A_511 : memref<10000x16xf32, #tpu.memory_space<hbm>>) dst(%dma_wait3A_507 : memref<80x16xf32, #tpu.memory_space<vmem>>)
      %dma_wait3A_512 = arith.constant 1680 : i32
      %dma_wait3A_513 = arith.constant 0 : i32
      %dma_wait3A_514 = tpu.memref_slice %arg6[%select_n3A_42, %dma_wait3A_512, %dma_wait3A_513] : memref<2x2000x16xf32, #tpu.memory_space<vmem>> -> memref<1x80x16xf32, #tpu.memory_space<vmem>>
      %dma_wait3A_515 = tpu.memref_squeeze %dma_wait3A_514 : memref<1x80x16xf32, #tpu.memory_space<vmem>> -> memref<80x16xf32, #tpu.memory_space<vmem>>
      %dma_wait3A_516 = tpu.memref_slice %arg5[%add3A_299] : memref<10000xi32, #tpu.memory_space<vmem>> -> memref<80xi32, #tpu.memory_space<vmem>>
      %dma_wait3A_517 = arith.constant 0 : i32
      %dma_wait3A_518 = arith.constant 0 : i32
      %dma_wait3A_519 = tpu.memref_slice %arg2[%dma_wait3A_517, %dma_wait3A_518] : memref<10000x16xf32, #tpu.memory_space<hbm>> -> memref<10000x16xf32, #tpu.memory_space<hbm>>
      tpu.wait_indirect_dma semaphore(%arg7 : memref<!tpu.dma_semaphore, #tpu.memory_space<semaphore_mem>>) src(%dma_wait3A_519 : memref<10000x16xf32, #tpu.memory_space<hbm>>) dst(%dma_wait3A_515 : memref<80x16xf32, #tpu.memory_space<vmem>>)
      %dma_wait3A_520 = arith.constant 1760 : i32
      %dma_wait3A_521 = arith.constant 0 : i32
      %dma_wait3A_522 = tpu.memref_slice %arg6[%select_n3A_42, %dma_wait3A_520, %dma_wait3A_521] : memref<2x2000x16xf32, #tpu.memory_space<vmem>> -> memref<1x80x16xf32, #tpu.memory_space<vmem>>
      %dma_wait3A_523 = tpu.memref_squeeze %dma_wait3A_522 : memref<1x80x16xf32, #tpu.memory_space<vmem>> -> memref<80x16xf32, #tpu.memory_space<vmem>>
      %dma_wait3A_524 = tpu.memref_slice %arg5[%add3A_311] : memref<10000xi32, #tpu.memory_space<vmem>> -> memref<80xi32, #tpu.memory_space<vmem>>
      %dma_wait3A_525 = arith.constant 0 : i32
      %dma_wait3A_526 = arith.constant 0 : i32
      %dma_wait3A_527 = tpu.memref_slice %arg2[%dma_wait3A_525, %dma_wait3A_526] : memref<10000x16xf32, #tpu.memory_space<hbm>> -> memref<10000x16xf32, #tpu.memory_space<hbm>>
      tpu.wait_indirect_dma semaphore(%arg7 : memref<!tpu.dma_semaphore, #tpu.memory_space<semaphore_mem>>) src(%dma_wait3A_527 : memref<10000x16xf32, #tpu.memory_space<hbm>>) dst(%dma_wait3A_523 : memref<80x16xf32, #tpu.memory_space<vmem>>)
      %dma_wait3A_528 = arith.constant 1840 : i32
      %dma_wait3A_529 = arith.constant 0 : i32
      %dma_wait3A_530 = tpu.memref_slice %arg6[%select_n3A_42, %dma_wait3A_528, %dma_wait3A_529] : memref<2x2000x16xf32, #tpu.memory_space<vmem>> -> memref<1x80x16xf32, #tpu.memory_space<vmem>>
      %dma_wait3A_531 = tpu.memref_squeeze %dma_wait3A_530 : memref<1x80x16xf32, #tpu.memory_space<vmem>> -> memref<80x16xf32, #tpu.memory_space<vmem>>
      %dma_wait3A_532 = tpu.memref_slice %arg5[%add3A_323] : memref<10000xi32, #tpu.memory_space<vmem>> -> memref<80xi32, #tpu.memory_space<vmem>>
      %dma_wait3A_533 = arith.constant 0 : i32
      %dma_wait3A_534 = arith.constant 0 : i32
      %dma_wait3A_535 = tpu.memref_slice %arg2[%dma_wait3A_533, %dma_wait3A_534] : memref<10000x16xf32, #tpu.memory_space<hbm>> -> memref<10000x16xf32, #tpu.memory_space<hbm>>
      tpu.wait_indirect_dma semaphore(%arg7 : memref<!tpu.dma_semaphore, #tpu.memory_space<semaphore_mem>>) src(%dma_wait3A_535 : memref<10000x16xf32, #tpu.memory_space<hbm>>) dst(%dma_wait3A_531 : memref<80x16xf32, #tpu.memory_space<vmem>>)
      %dma_wait3A_536 = arith.constant 1920 : i32
      %dma_wait3A_537 = arith.constant 0 : i32
      %dma_wait3A_538 = tpu.memref_slice %arg6[%select_n3A_42, %dma_wait3A_536, %dma_wait3A_537] : memref<2x2000x16xf32, #tpu.memory_space<vmem>> -> memref<1x80x16xf32, #tpu.memory_space<vmem>>
      %dma_wait3A_539 = tpu.memref_squeeze %dma_wait3A_538 : memref<1x80x16xf32, #tpu.memory_space<vmem>> -> memref<80x16xf32, #tpu.memory_space<vmem>>
      %dma_wait3A_540 = tpu.memref_slice %arg5[%add3A_335] : memref<10000xi32, #tpu.memory_space<vmem>> -> memref<80xi32, #tpu.memory_space<vmem>>
      %dma_wait3A_541 = arith.constant 0 : i32
      %dma_wait3A_542 = arith.constant 0 : i32
      %dma_wait3A_543 = tpu.memref_slice %arg2[%dma_wait3A_541, %dma_wait3A_542] : memref<10000x16xf32, #tpu.memory_space<hbm>> -> memref<10000x16xf32, #tpu.memory_space<hbm>>
      tpu.wait_indirect_dma semaphore(%arg7 : memref<!tpu.dma_semaphore, #tpu.memory_space<semaphore_mem>>) src(%dma_wait3A_543 : memref<10000x16xf32, #tpu.memory_space<hbm>>) dst(%dma_wait3A_539 : memref<80x16xf32, #tpu.memory_space<vmem>>)
      %mul3A_544 = arith.constant 2000 : i32
      %mul3A_545 = arith.muli %scan3A_33, %mul3A_544 : i32
      %add3A_546 = arith.addi %mul3A_2, %mul3A_545 : i32
      %dma_start3A_547 = arith.constant 0 : i32
      %dma_start3A_548 = arith.constant 0 : i32
      %dma_start3A_549 = tpu.memref_slice %arg6[%select_n3A_42, %dma_start3A_547, %dma_start3A_548] : memref<2x2000x16xf32, #tpu.memory_space<vmem>> -> memref<1x2000x16xf32, #tpu.memory_space<vmem>>
      %dma_start3A_550 = tpu.memref_squeeze %dma_start3A_549 : memref<1x2000x16xf32, #tpu.memory_space<vmem>> -> memref<2000x16xf32, #tpu.memory_space<vmem>>
      %dma_start3A_551 = arith.constant 0 : i32
      %dma_start3A_552 = tpu.memref_slice %arg4[%add3A_546, %dma_start3A_551] : memref<320000x16xf32, #tpu.memory_space<hbm>> -> memref<2000x16xf32, #tpu.memory_space<hbm>>
      %dma_start3A_553 = arith.constant 0 : i32
      %dma_start3A_554 = tpu.memref_slice %arg4[%add3A_546, %dma_start3A_553] : memref<320000x16xf32, #tpu.memory_space<hbm>> -> memref<2000x16xf32, #tpu.memory_space<hbm>>
      %dma_start3A_555 = arith.constant 0 : i32
      %dma_start3A_556 = arith.constant 0 : i32
      %dma_start3A_557 = tpu.memref_slice %arg6[%select_n3A_42, %dma_start3A_555, %dma_start3A_556] : memref<2x2000x16xf32, #tpu.memory_space<vmem>> -> memref<1x2000x16xf32, #tpu.memory_space<vmem>>
      %dma_start3A_558 = tpu.memref_squeeze %dma_start3A_557 : memref<1x2000x16xf32, #tpu.memory_space<vmem>> -> memref<2000x16xf32, #tpu.memory_space<vmem>>
      tpu.enqueue_dma source(%dma_start3A_558 : memref<2000x16xf32, #tpu.memory_space<vmem>>) target(%dma_start3A_554 : memref<2000x16xf32, #tpu.memory_space<hbm>>) target_semaphore(%arg8 : memref<!tpu.dma_semaphore, #tpu.memory_space<semaphore_mem>>)
    }
    %scan3A_7 = arith.constant 5 : i32
    %dma_wait3A = arith.constant 0 : i32
    %dma_wait3A_8 = arith.constant 0 : i32
    %dma_wait3A_9 = arith.constant 0 : i32
    %dma_wait3A_10 = tpu.memref_slice %arg6[%dma_wait3A, %dma_wait3A_8, %dma_wait3A_9] : memref<2x2000x16xf32, #tpu.memory_space<vmem>> -> memref<1x2000x16xf32, #tpu.memory_space<vmem>>
    %dma_wait3A_11 = tpu.memref_squeeze %dma_wait3A_10 : memref<1x2000x16xf32, #tpu.memory_space<vmem>> -> memref<2000x16xf32, #tpu.memory_space<vmem>>
    %dma_wait3A_12 = arith.constant 0 : i32
    %dma_wait3A_13 = tpu.memref_slice %arg4[%mul3A_2, %dma_wait3A_12] : memref<320000x16xf32, #tpu.memory_space<hbm>> -> memref<2000x16xf32, #tpu.memory_space<hbm>>
    %dma_wait3A_14 = arith.constant 0 : i32
    %dma_wait3A_15 = tpu.memref_slice %arg4[%mul3A_2, %dma_wait3A_14] : memref<320000x16xf32, #tpu.memory_space<hbm>> -> memref<2000x16xf32, #tpu.memory_space<hbm>>
    %dma_wait3A_16 = arith.constant 0 : i32
    %dma_wait3A_17 = arith.constant 0 : i32
    %dma_wait3A_18 = tpu.memref_slice %arg6[%dma_wait3A, %dma_wait3A_16, %dma_wait3A_17] : memref<2x2000x16xf32, #tpu.memory_space<vmem>> -> memref<1x2000x16xf32, #tpu.memory_space<vmem>>
    %dma_wait3A_19 = tpu.memref_squeeze %dma_wait3A_18 : memref<1x2000x16xf32, #tpu.memory_space<vmem>> -> memref<2000x16xf32, #tpu.memory_space<vmem>>
    tpu.wait_dma2 semaphore(%arg8 : memref<!tpu.dma_semaphore, #tpu.memory_space<semaphore_mem>>) src(%dma_wait3A_19 : memref<2000x16xf32, #tpu.memory_space<vmem>>) dst(%dma_wait3A_15 : memref<2000x16xf32, #tpu.memory_space<hbm>>)
    %dma_wait3A_20 = arith.constant 0 : i32
    %dma_wait3A_21 = arith.constant 0 : i32
    %dma_wait3A_22 = arith.constant 0 : i32
    %dma_wait3A_23 = tpu.memref_slice %arg6[%dma_wait3A_20, %dma_wait3A_21, %dma_wait3A_22] : memref<2x2000x16xf32, #tpu.memory_space<vmem>> -> memref<1x2000x16xf32, #tpu.memory_space<vmem>>
    %dma_wait3A_24 = tpu.memref_squeeze %dma_wait3A_23 : memref<1x2000x16xf32, #tpu.memory_space<vmem>> -> memref<2000x16xf32, #tpu.memory_space<vmem>>
    %dma_wait3A_25 = arith.constant 0 : i32
    %dma_wait3A_26 = tpu.memref_slice %arg4[%mul3A_2, %dma_wait3A_25] : memref<320000x16xf32, #tpu.memory_space<hbm>> -> memref<2000x16xf32, #tpu.memory_space<hbm>>
    %dma_wait3A_27 = arith.constant 0 : i32
    %dma_wait3A_28 = tpu.memref_slice %arg4[%mul3A_2, %dma_wait3A_27] : memref<320000x16xf32, #tpu.memory_space<hbm>> -> memref<2000x16xf32, #tpu.memory_space<hbm>>
    %dma_wait3A_29 = arith.constant 0 : i32
    %dma_wait3A_30 = arith.constant 0 : i32
    %dma_wait3A_31 = tpu.memref_slice %arg6[%dma_wait3A_20, %dma_wait3A_29, %dma_wait3A_30] : memref<2x2000x16xf32, #tpu.memory_space<vmem>> -> memref<1x2000x16xf32, #tpu.memory_space<vmem>>
    %dma_wait3A_32 = tpu.memref_squeeze %dma_wait3A_31 : memref<1x2000x16xf32, #tpu.memory_space<vmem>> -> memref<2000x16xf32, #tpu.memory_space<vmem>>
    tpu.wait_dma2 semaphore(%arg8 : memref<!tpu.dma_semaphore, #tpu.memory_space<semaphore_mem>>) src(%dma_wait3A_32 : memref<2000x16xf32, #tpu.memory_space<vmem>>) dst(%dma_wait3A_28 : memref<2000x16xf32, #tpu.memory_space<hbm>>)
    return
  }
}

module attributes {stable_mosaic.version = 14 : i64} {
  func.func @_tc_main_body(%arg0: i32, %arg1: memref<48x12800xf32, #tpu.memory_space<vmem>>, %arg2: memref<1600x128xf32, #tpu.memory_space<vmem>>, %arg3: memref<9x12800xf32, #tpu.memory_space<vmem>>, %arg4: memref<48x49xf32, #tpu.memory_space<vmem>>, %arg5: memref<320x49xf32, #tpu.memory_space<vmem>>, %arg6: memref<256x16xf32, #tpu.memory_space<vmem>>, %arg7: memref<16x256xf32, #tpu.memory_space<vmem>>, %arg8: memref<64x16xf32, #tpu.memory_space<vmem>>, %arg9: memref<4x64xf32, #tpu.memory_space<vmem>>, %arg10: memref<12x4xf32, #tpu.memory_space<vmem>>, %arg11: memref<12x3xf32, #tpu.memory_space<vmem>>, %arg12: memref<3200x128xf32, #tpu.memory_space<vmem>>) attributes {dimension_semantics = [#tpu.dimension_semantics<arbitrary>], iteration_bounds = array<i64: 25>, scalar_prefetch = 0 : i64, scratch_operands = 0 : i64, tpu.core_type = #tpu.core_type<tc>, window_params = [{transform_indices = @transform_0, window_bounds = array<i64: 48, 12800>}, {transform_indices = @transform_1, window_bounds = array<i64: 1600, 128>}, {transform_indices = @transform_2, window_bounds = array<i64: 9, 12800>}, {pipeline_mode = #tpu.pipeline_mode<synchronous>, transform_indices = @transform_3, window_bounds = array<i64: 48, 49>}, {pipeline_mode = #tpu.pipeline_mode<synchronous>, transform_indices = @transform_4, window_bounds = array<i64: 320, 49>}, {pipeline_mode = #tpu.pipeline_mode<synchronous>, transform_indices = @transform_5, window_bounds = array<i64: 256, 16>}, {pipeline_mode = #tpu.pipeline_mode<synchronous>, transform_indices = @transform_6, window_bounds = array<i64: 16, 256>}, {pipeline_mode = #tpu.pipeline_mode<synchronous>, transform_indices = @transform_7, window_bounds = array<i64: 64, 16>}, {pipeline_mode = #tpu.pipeline_mode<synchronous>, transform_indices = @transform_8, window_bounds = array<i64: 4, 64>}, {pipeline_mode = #tpu.pipeline_mode<synchronous>, transform_indices = @transform_9, window_bounds = array<i64: 12, 4>}, {pipeline_mode = #tpu.pipeline_mode<synchronous>, transform_indices = @transform_10, window_bounds = array<i64: 12, 3>}, {transform_indices = @transform_11, window_bounds = array<i64: 3200, 128>}]} {
    %broadcast_in_dim3A = arith.constant 1.000000e+00 : f32
    %broadcast_in_dim3A_0 = vector.broadcast %broadcast_in_dim3A : f32 to vector<1x12800xf32>
    %get3A = arith.constant 0 : index
    %get3A_1 = arith.constant 0 : index
    %get3A_2 = vector.load %arg1[%get3A, %get3A_1] : memref<48x12800xf32, #tpu.memory_space<vmem>>, vector<48x12800xf32>
    %concatenate3A = tpu.concatenate %get3A_2, %broadcast_in_dim3A_0 in 0 : vector<48x12800xf32>, vector<1x12800xf32> -> vector<49x12800xf32>
    %get3A_3 = arith.constant 0 : index
    %get3A_4 = arith.constant 0 : index
    %get3A_5 = vector.load %arg4[%get3A_3, %get3A_4] : memref<48x49xf32, #tpu.memory_space<vmem>>, vector<48x49xf32>
    %dot_general3A = arith.constant dense<0.000000e+00> : vector<48x12800xf32>
    %dot_general3A_6 = tpu.matmul %get3A_5, %concatenate3A, %dot_general3A {dimension_numbers = #tpu.dot_dimension_numbers<[1], [0], [0], [1], [0, 0, 1, 1], [], []>, transpose_lhs_hint = false} : vector<48x49xf32>, vector<49x12800xf32>, vector<48x12800xf32> -> vector<48x12800xf32>
    %max3A = arith.constant 0.000000e+00 : f32
    %max3A_7 = vector.broadcast %max3A : f32 to vector<48x12800xf32>
    %max3A_8 = arith.maximumf %dot_general3A_6, %max3A_7 : vector<48x12800xf32>
    %concatenate3A_9 = tpu.concatenate %max3A_8, %broadcast_in_dim3A_0 in 0 : vector<48x12800xf32>, vector<1x12800xf32> -> vector<49x12800xf32>
    %get3A_10 = arith.constant 0 : index
    %get3A_11 = arith.constant 0 : index
    %get3A_12 = vector.load %arg5[%get3A_10, %get3A_11] : memref<320x49xf32, #tpu.memory_space<vmem>>, vector<320x49xf32>
    %dot_general3A_13 = arith.constant dense<0.000000e+00> : vector<320x12800xf32>
    %dot_general3A_14 = tpu.matmul %get3A_12, %concatenate3A_9, %dot_general3A_13 {dimension_numbers = #tpu.dot_dimension_numbers<[1], [0], [0], [1], [0, 0, 1, 1], [], []>, transpose_lhs_hint = false} : vector<320x49xf32>, vector<49x12800xf32>, vector<320x12800xf32> -> vector<320x12800xf32>
    %get3A_15 = arith.constant 0 : index
    %get3A_16 = arith.constant 0 : index
    %get3A_17 = vector.load %arg2[%get3A_15, %get3A_16] : memref<1600x128xf32, #tpu.memory_space<vmem>>, vector<1600x128xf32>
    %slice3A = vector.extract_strided_slice %get3A_17 {offsets = [0, 0], sizes = [1600, 16], strides = [1, 1]} : vector<1600x128xf32> to vector<1600x16xf32>
    %transpose3A = tpu.transpose %slice3A, [1, 0] : vector<1600x16xf32> -> vector<16x1600xf32>
    %slice3A_18 = vector.extract_strided_slice %get3A_17 {offsets = [0, 16], sizes = [1600, 16], strides = [1, 1]} : vector<1600x128xf32> to vector<1600x16xf32>
    %transpose3A_19 = tpu.transpose %slice3A_18, [1, 0] : vector<1600x16xf32> -> vector<16x1600xf32>
    %slice3A_20 = vector.extract_strided_slice %get3A_17 {offsets = [0, 32], sizes = [1600, 16], strides = [1, 1]} : vector<1600x128xf32> to vector<1600x16xf32>
    %transpose3A_21 = tpu.transpose %slice3A_20, [1, 0] : vector<1600x16xf32> -> vector<16x1600xf32>
    %slice3A_22 = vector.extract_strided_slice %get3A_17 {offsets = [0, 48], sizes = [1600, 16], strides = [1, 1]} : vector<1600x128xf32> to vector<1600x16xf32>
    %transpose3A_23 = tpu.transpose %slice3A_22, [1, 0] : vector<1600x16xf32> -> vector<16x1600xf32>
    %slice3A_24 = vector.extract_strided_slice %get3A_17 {offsets = [0, 64], sizes = [1600, 16], strides = [1, 1]} : vector<1600x128xf32> to vector<1600x16xf32>
    %transpose3A_25 = tpu.transpose %slice3A_24, [1, 0] : vector<1600x16xf32> -> vector<16x1600xf32>
    %slice3A_26 = vector.extract_strided_slice %get3A_17 {offsets = [0, 80], sizes = [1600, 16], strides = [1, 1]} : vector<1600x128xf32> to vector<1600x16xf32>
    %transpose3A_27 = tpu.transpose %slice3A_26, [1, 0] : vector<1600x16xf32> -> vector<16x1600xf32>
    %slice3A_28 = vector.extract_strided_slice %get3A_17 {offsets = [0, 96], sizes = [1600, 16], strides = [1, 1]} : vector<1600x128xf32> to vector<1600x16xf32>
    %transpose3A_29 = tpu.transpose %slice3A_28, [1, 0] : vector<1600x16xf32> -> vector<16x1600xf32>
    %slice3A_30 = vector.extract_strided_slice %get3A_17 {offsets = [0, 112], sizes = [1600, 16], strides = [1, 1]} : vector<1600x128xf32> to vector<1600x16xf32>
    %transpose3A_31 = tpu.transpose %slice3A_30, [1, 0] : vector<1600x16xf32> -> vector<16x1600xf32>
    %concatenate3A_32 = tpu.concatenate %transpose3A, %transpose3A_19, %transpose3A_21, %transpose3A_23, %transpose3A_25, %transpose3A_27, %transpose3A_29, %transpose3A_31 in 1 : vector<16x1600xf32>, vector<16x1600xf32>, vector<16x1600xf32>, vector<16x1600xf32>, vector<16x1600xf32>, vector<16x1600xf32>, vector<16x1600xf32>, vector<16x1600xf32> -> vector<16x12800xf32>
    %get3A_33 = arith.constant 0 : index
    %get3A_34 = arith.constant 0 : index
    %get3A_35 = vector.load %arg6[%get3A_33, %get3A_34] : memref<256x16xf32, #tpu.memory_space<vmem>>, vector<256x16xf32>
    %dot_general3A_36 = arith.constant dense<0.000000e+00> : vector<256x12800xf32>
    %dot_general3A_37 = tpu.matmul %get3A_35, %concatenate3A_32, %dot_general3A_36 {dimension_numbers = #tpu.dot_dimension_numbers<[1], [0], [0], [1], [0, 0, 1, 1], [], []>, transpose_lhs_hint = false} : vector<256x16xf32>, vector<16x12800xf32>, vector<256x12800xf32> -> vector<256x12800xf32>
    %slice3A_38 = vector.extract_strided_slice %dot_general3A_14 {offsets = [0, 0], sizes = [256, 12800], strides = [1, 1]} : vector<320x12800xf32> to vector<256x12800xf32>
    %mul3A = arith.mulf %dot_general3A_37, %slice3A_38 : vector<256x12800xf32>
    %get3A_39 = arith.constant 0 : index
    %get3A_40 = arith.constant 0 : index
    %get3A_41 = vector.load %arg7[%get3A_39, %get3A_40] : memref<16x256xf32, #tpu.memory_space<vmem>>, vector<16x256xf32>
    %dot_general3A_42 = arith.constant dense<0.000000e+00> : vector<16x12800xf32>
    %dot_general3A_43 = tpu.matmul %get3A_41, %mul3A, %dot_general3A_42 {dimension_numbers = #tpu.dot_dimension_numbers<[1], [0], [0], [1], [0, 0, 1, 1], [], []>, transpose_lhs_hint = false} : vector<16x256xf32>, vector<256x12800xf32>, vector<16x12800xf32> -> vector<16x12800xf32>
    %get3A_44 = arith.constant 0 : index
    %get3A_45 = arith.constant 0 : index
    %get3A_46 = vector.load %arg8[%get3A_44, %get3A_45] : memref<64x16xf32, #tpu.memory_space<vmem>>, vector<64x16xf32>
    %dot_general3A_47 = arith.constant dense<0.000000e+00> : vector<64x12800xf32>
    %dot_general3A_48 = tpu.matmul %get3A_46, %concatenate3A_32, %dot_general3A_47 {dimension_numbers = #tpu.dot_dimension_numbers<[1], [0], [0], [1], [0, 0, 1, 1], [], []>, transpose_lhs_hint = false} : vector<64x16xf32>, vector<16x12800xf32>, vector<64x12800xf32> -> vector<64x12800xf32>
    %slice3A_49 = vector.extract_strided_slice %dot_general3A_14 {offsets = [256, 0], sizes = [64, 12800], strides = [1, 1]} : vector<320x12800xf32> to vector<64x12800xf32>
    %mul3A_50 = arith.mulf %dot_general3A_48, %slice3A_49 : vector<64x12800xf32>
    %get3A_51 = arith.constant 0 : index
    %get3A_52 = arith.constant 0 : index
    %get3A_53 = vector.load %arg9[%get3A_51, %get3A_52] : memref<4x64xf32, #tpu.memory_space<vmem>>, vector<4x64xf32>
    %dot_general3A_54 = arith.constant dense<0.000000e+00> : vector<4x12800xf32>
    %dot_general3A_55 = tpu.matmul %get3A_53, %mul3A_50, %dot_general3A_54 {dimension_numbers = #tpu.dot_dimension_numbers<[1], [0], [0], [1], [0, 0, 1, 1], [], []>, transpose_lhs_hint = false} : vector<4x64xf32>, vector<64x12800xf32>, vector<4x12800xf32> -> vector<4x12800xf32>
    %get3A_56 = arith.constant 0 : index
    %get3A_57 = arith.constant 0 : index
    %get3A_58 = vector.load %arg3[%get3A_56, %get3A_57] : memref<9x12800xf32, #tpu.memory_space<vmem>>, vector<9x12800xf32>
    %slice3A_59 = vector.extract_strided_slice %get3A_58 {offsets = [0, 0], sizes = [1, 12800], strides = [1, 1]} : vector<9x12800xf32> to vector<1x12800xf32>
    %mul3A_60 = vector.broadcast %slice3A_59 : vector<1x12800xf32> to vector<16x12800xf32>
    %mul3A_61 = arith.mulf %dot_general3A_43, %mul3A_60 : vector<16x12800xf32>
    %mul3A_62 = arith.constant 2.500000e-01 : f32
    %mul3A_63 = vector.broadcast %mul3A_62 : f32 to vector<16x12800xf32>
    %mul3A_64 = arith.mulf %mul3A_61, %mul3A_63 : vector<16x12800xf32>
    %get3A_65 = arith.constant 0 : index
    %get3A_66 = arith.constant 0 : index
    %get3A_67 = vector.load %arg10[%get3A_65, %get3A_66] : memref<12x4xf32, #tpu.memory_space<vmem>>, vector<12x4xf32>
    %dot_general3A_68 = arith.constant dense<0.000000e+00> : vector<12x12800xf32>
    %dot_general3A_69 = tpu.matmul %get3A_67, %dot_general3A_55, %dot_general3A_68 {dimension_numbers = #tpu.dot_dimension_numbers<[1], [0], [0], [1], [0, 0, 1, 1], [], []>, transpose_lhs_hint = false} : vector<12x4xf32>, vector<4x12800xf32>, vector<12x12800xf32> -> vector<12x12800xf32>
    %get3A_70 = arith.constant 0 : index
    %get3A_71 = arith.constant 0 : index
    %get3A_72 = vector.load %arg11[%get3A_70, %get3A_71] : memref<12x3xf32, #tpu.memory_space<vmem>>, vector<12x3xf32>
    %slice3A_73 = vector.extract_strided_slice %get3A_58 {offsets = [1, 0], sizes = [3, 12800], strides = [1, 1]} : vector<9x12800xf32> to vector<3x12800xf32>
    %dot_general3A_74 = arith.constant dense<0.000000e+00> : vector<12x12800xf32>
    %dot_general3A_75 = tpu.matmul %get3A_72, %slice3A_73, %dot_general3A_74 {dimension_numbers = #tpu.dot_dimension_numbers<[1], [0], [0], [1], [0, 0, 1, 1], [], []>, transpose_lhs_hint = false} : vector<12x3xf32>, vector<3x12800xf32>, vector<12x12800xf32> -> vector<12x12800xf32>
    %mul3A_76 = arith.mulf %dot_general3A_69, %dot_general3A_75 : vector<12x12800xf32>
    %mul3A_77 = arith.constant 2.500000e-01 : f32
    %mul3A_78 = vector.broadcast %mul3A_77 : f32 to vector<12x12800xf32>
    %mul3A_79 = arith.mulf %mul3A_76, %mul3A_78 : vector<12x12800xf32>
    %broadcast_in_dim3A_80 = arith.constant 0.000000e+00 : f32
    %broadcast_in_dim3A_81 = vector.broadcast %broadcast_in_dim3A_80 : f32 to vector<3x12800xf32>
    %concatenate3A_82 = tpu.concatenate %mul3A_64, %mul3A_79, %broadcast_in_dim3A_0, %broadcast_in_dim3A_81 in 0 : vector<16x12800xf32>, vector<12x12800xf32>, vector<1x12800xf32>, vector<3x12800xf32> -> vector<32x12800xf32>
    %slice3A_83 = vector.extract_strided_slice %concatenate3A_82 {offsets = [0, 0], sizes = [32, 3200], strides = [1, 1]} : vector<32x12800xf32> to vector<32x3200xf32>
    %transpose3A_84 = tpu.transpose %slice3A_83, [1, 0] : vector<32x3200xf32> -> vector<3200x32xf32>
    %slice3A_85 = vector.extract_strided_slice %concatenate3A_82 {offsets = [0, 3200], sizes = [32, 3200], strides = [1, 1]} : vector<32x12800xf32> to vector<32x3200xf32>
    %transpose3A_86 = tpu.transpose %slice3A_85, [1, 0] : vector<32x3200xf32> -> vector<3200x32xf32>
    %slice3A_87 = vector.extract_strided_slice %concatenate3A_82 {offsets = [0, 6400], sizes = [32, 3200], strides = [1, 1]} : vector<32x12800xf32> to vector<32x3200xf32>
    %transpose3A_88 = tpu.transpose %slice3A_87, [1, 0] : vector<32x3200xf32> -> vector<3200x32xf32>
    %slice3A_89 = vector.extract_strided_slice %concatenate3A_82 {offsets = [0, 9600], sizes = [32, 3200], strides = [1, 1]} : vector<32x12800xf32> to vector<32x3200xf32>
    %transpose3A_90 = tpu.transpose %slice3A_89, [1, 0] : vector<32x3200xf32> -> vector<3200x32xf32>
    %concatenate3A_91 = tpu.concatenate %transpose3A_84, %transpose3A_86, %transpose3A_88, %transpose3A_90 in 1 : vector<3200x32xf32>, vector<3200x32xf32>, vector<3200x32xf32>, vector<3200x32xf32> -> vector<3200x128xf32>
    %swap3A = arith.constant 0 : index
    %swap3A_92 = arith.constant 0 : index
    %swap3A_93 = vector.load %arg12[%swap3A, %swap3A_92] : memref<3200x128xf32, #tpu.memory_space<vmem>>, vector<3200x128xf32>
    tpu.vector_store %arg12[%swap3A, %swap3A_92], %concatenate3A_91 {strides = array<i32>} : memref<3200x128xf32, #tpu.memory_space<vmem>>, vector<3200x128xf32>,
    return
  }
  func.func @transform_0(%arg0: i32) -> (i32, i32) {
    %c0_i32 = arith.constant 0 : i32
    %c0_i32_0 = arith.constant 0 : i32
    return %c0_i32, %arg0 : i32, i32
  }
  func.func @transform_1(%arg0: i32) -> (i32, i32) {
    %c0_i32 = arith.constant 0 : i32
    %c0_i32_0 = arith.constant 0 : i32
    return %arg0, %c0_i32 : i32, i32
  }
  func.func @transform_2(%arg0: i32) -> (i32, i32) {
    %c0_i32 = arith.constant 0 : i32
    %c0_i32_0 = arith.constant 0 : i32
    return %c0_i32, %arg0 : i32, i32
  }
  func.func @transform_3(%arg0: i32) -> (i32, i32) {
    %c0_i32 = arith.constant 0 : i32
    %c0_i32_0 = arith.constant 0 : i32
    %c0_i32_1 = arith.constant 0 : i32
    return %c0_i32, %c0_i32_0 : i32, i32
  }
  func.func @transform_4(%arg0: i32) -> (i32, i32) {
    %c0_i32 = arith.constant 0 : i32
    %c0_i32_0 = arith.constant 0 : i32
    %c0_i32_1 = arith.constant 0 : i32
    return %c0_i32, %c0_i32_0 : i32, i32
  }
  func.func @transform_5(%arg0: i32) -> (i32, i32) {
    %c0_i32 = arith.constant 0 : i32
    %c0_i32_0 = arith.constant 0 : i32
    %c0_i32_1 = arith.constant 0 : i32
    return %c0_i32, %c0_i32_0 : i32, i32
  }
  func.func @transform_6(%arg0: i32) -> (i32, i32) {
    %c0_i32 = arith.constant 0 : i32
    %c0_i32_0 = arith.constant 0 : i32
    %c0_i32_1 = arith.constant 0 : i32
    return %c0_i32, %c0_i32_0 : i32, i32
  }
  func.func @transform_7(%arg0: i32) -> (i32, i32) {
    %c0_i32 = arith.constant 0 : i32
    %c0_i32_0 = arith.constant 0 : i32
    %c0_i32_1 = arith.constant 0 : i32
    return %c0_i32, %c0_i32_0 : i32, i32
  }
  func.func @transform_8(%arg0: i32) -> (i32, i32) {
    %c0_i32 = arith.constant 0 : i32
    %c0_i32_0 = arith.constant 0 : i32
    %c0_i32_1 = arith.constant 0 : i32
    return %c0_i32, %c0_i32_0 : i32, i32
  }
  func.func @transform_9(%arg0: i32) -> (i32, i32) {
    %c0_i32 = arith.constant 0 : i32
    %c0_i32_0 = arith.constant 0 : i32
    %c0_i32_1 = arith.constant 0 : i32
    return %c0_i32, %c0_i32_0 : i32, i32
  }
  func.func @transform_10(%arg0: i32) -> (i32, i32) {
    %c0_i32 = arith.constant 0 : i32
    %c0_i32_0 = arith.constant 0 : i32
    %c0_i32_1 = arith.constant 0 : i32
    return %c0_i32, %c0_i32_0 : i32, i32
  }
  func.func @transform_11(%arg0: i32) -> (i32, i32) {
    %c0_i32 = arith.constant 0 : i32
    %c0_i32_0 = arith.constant 0 : i32
    return %arg0, %c0_i32 : i32, i32
  }
}

module attributes {stable_mosaic.version = 14 : i64} {
  func.func @_tc_bn_body(%arg0: memref<10000x32xf32, #tpu.memory_space<vmem>>, %arg1: memref<10000x32xf32, #tpu.memory_space<vmem>>, %arg2: memref<1x16xf32, #tpu.memory_space<vmem>>, %arg3: memref<1x16xf32, #tpu.memory_space<vmem>>, %arg4: memref<1x12xf32, #tpu.memory_space<vmem>>, %arg5: memref<12x12xf32, #tpu.memory_space<vmem>>, %arg6: memref<10000x28xf32, #tpu.memory_space<vmem>>) attributes {dimension_semantics = [], scalar_prefetch = 0 : i64, scratch_operands = 0 : i64, tpu.core_type = #tpu.core_type<tc>} {
    %get3A = arith.constant 0 : index
    %get3A_0 = arith.constant 0 : index
    %get3A_1 = vector.load %arg0[%get3A, %get3A_0] : memref<10000x32xf32, #tpu.memory_space<vmem>>, vector<10000x32xf32>
    %get3A_2 = arith.constant 0 : index
    %get3A_3 = arith.constant 0 : index
    %get3A_4 = vector.load %arg1[%get3A_2, %get3A_3] : memref<10000x32xf32, #tpu.memory_space<vmem>>, vector<10000x32xf32>
    %add3A = arith.addf %get3A_1, %get3A_4 : vector<10000x32xf32>
    %slice3A = vector.extract_strided_slice %add3A {offsets = [0, 28], sizes = [10000, 1], strides = [1, 1]} : vector<10000x32xf32> to vector<10000x1xf32>
    %max3A = arith.constant 1.000000e+00 : f32
    %max3A_5 = vector.broadcast %max3A : f32 to vector<10000x1xf32>
    %max3A_6 = arith.maximumf %slice3A, %max3A_5 : vector<10000x1xf32>
    %slice3A_7 = vector.extract_strided_slice %add3A {offsets = [0, 0], sizes = [10000, 28], strides = [1, 1]} : vector<10000x32xf32> to vector<10000x28xf32>
    %div3A = vector.broadcast %max3A_6 : vector<10000x1xf32> to vector<10000x28xf32>
    %div3A_8 = arith.divf %slice3A_7, %div3A : vector<10000x28xf32>
    %slice3A_9 = vector.extract_strided_slice %div3A_8 {offsets = [0, 0], sizes = [10000, 16], strides = [1, 1]} : vector<10000x28xf32> to vector<10000x16xf32>
    %slice3A_10 = vector.extract_strided_slice %div3A_8 {offsets = [0, 16], sizes = [10000, 12], strides = [1, 1]} : vector<10000x28xf32> to vector<10000x12xf32>
    %reduce_sum3A = arith.constant dense<0.000000e+00> : vector<16xf32>
    %reduce_sum3A_11 = vector.multi_reduction <add>, %slice3A_9, %reduce_sum3A [0] : vector<10000x16xf32> to vector<16xf32>
    %broadcast_in_dim3A = vector.shape_cast %reduce_sum3A_11 : vector<16xf32> to vector<1x16xf32>
    %div3A_12 = arith.constant 1.000000e+04 : f32
    %div3A_13 = vector.broadcast %div3A_12 : f32 to vector<1x16xf32>
    %div3A_14 = arith.divf %broadcast_in_dim3A, %div3A_13 : vector<1x16xf32>
    %sub3A = vector.broadcast %div3A_14 : vector<1x16xf32> to vector<10000x16xf32>
    %sub3A_15 = arith.subf %slice3A_9, %sub3A : vector<10000x16xf32>
    %integer_pow3A = arith.mulf %sub3A_15, %sub3A_15 : vector<10000x16xf32>
    %reduce_sum3A_16 = arith.constant dense<0.000000e+00> : vector<16xf32>
    %reduce_sum3A_17 = vector.multi_reduction <add>, %integer_pow3A, %reduce_sum3A_16 [0] : vector<10000x16xf32> to vector<16xf32>
    %broadcast_in_dim3A_18 = vector.shape_cast %reduce_sum3A_17 : vector<16xf32> to vector<1x16xf32>
    %div3A_19 = arith.constant 1.000000e+04 : f32
    %div3A_20 = vector.broadcast %div3A_19 : f32 to vector<1x16xf32>
    %div3A_21 = arith.divf %broadcast_in_dim3A_18, %div3A_20 : vector<1x16xf32>
    %sub3A_22 = vector.broadcast %div3A_14 : vector<1x16xf32> to vector<10000x16xf32>
    %sub3A_23 = arith.subf %slice3A_9, %sub3A_22 : vector<10000x16xf32>
    %add3A_24 = arith.constant 9.99999974E-6 : f32
    %add3A_25 = vector.broadcast %add3A_24 : f32 to vector<1x16xf32>
    %add3A_26 = arith.addf %div3A_21, %add3A_25 : vector<1x16xf32>
    %rsqrt3A = math.rsqrt %add3A_26 : vector<1x16xf32>
    %mul3A = vector.broadcast %rsqrt3A : vector<1x16xf32> to vector<10000x16xf32>
    %mul3A_27 = arith.mulf %sub3A_23, %mul3A : vector<10000x16xf32>
    %get3A_28 = arith.constant 0 : index
    %get3A_29 = arith.constant 0 : index
    %get3A_30 = vector.load %arg2[%get3A_28, %get3A_29] : memref<1x16xf32, #tpu.memory_space<vmem>>, vector<1x16xf32>
    %mul3A_31 = vector.broadcast %get3A_30 : vector<1x16xf32> to vector<10000x16xf32>
    %mul3A_32 = arith.mulf %mul3A_27, %mul3A_31 : vector<10000x16xf32>
    %get3A_33 = arith.constant 0 : index
    %get3A_34 = arith.constant 0 : index
    %get3A_35 = vector.load %arg3[%get3A_33, %get3A_34] : memref<1x16xf32, #tpu.memory_space<vmem>>, vector<1x16xf32>
    %add3A_36 = vector.broadcast %get3A_35 : vector<1x16xf32> to vector<10000x16xf32>
    %add3A_37 = arith.addf %mul3A_32, %add3A_36 : vector<10000x16xf32>
    %mul3A_38 = arith.mulf %slice3A_10, %slice3A_10 : vector<10000x12xf32>
    %reduce_sum3A_39 = arith.constant dense<0.000000e+00> : vector<12xf32>
    %reduce_sum3A_40 = vector.multi_reduction <add>, %mul3A_38, %reduce_sum3A_39 [0] : vector<10000x12xf32> to vector<12xf32>
    %broadcast_in_dim3A_41 = vector.shape_cast %reduce_sum3A_40 : vector<12xf32> to vector<1x12xf32>
    %div3A_42 = arith.constant 1.000000e+04 : f32
    %div3A_43 = vector.broadcast %div3A_42 : f32 to vector<1x12xf32>
    %div3A_44 = arith.divf %broadcast_in_dim3A_41, %div3A_43 : vector<1x12xf32>
    %get3A_45 = arith.constant 0 : index
    %get3A_46 = arith.constant 0 : index
    %get3A_47 = vector.load %arg5[%get3A_45, %get3A_46] : memref<12x12xf32, #tpu.memory_space<vmem>>, vector<12x12xf32>
    %dot_general3A = arith.constant dense<0.000000e+00> : vector<1x12xf32>
    %dot_general3A_48 = tpu.matmul %div3A_44, %get3A_47, %dot_general3A {dimension_numbers = #tpu.dot_dimension_numbers<[1], [0], [0], [1], [0, 0, 1, 1], [], []>, transpose_lhs_hint = false} : vector<1x12xf32>, vector<12x12xf32>, vector<1x12xf32> -> vector<1x12xf32>
    %get3A_49 = arith.constant 0 : index
    %get3A_50 = arith.constant 0 : index
    %get3A_51 = vector.load %arg4[%get3A_49, %get3A_50] : memref<1x12xf32, #tpu.memory_space<vmem>>, vector<1x12xf32>
    %add3A_52 = arith.constant 9.99999974E-6 : f32
    %add3A_53 = vector.broadcast %add3A_52 : f32 to vector<1x12xf32>
    %add3A_54 = arith.addf %dot_general3A_48, %add3A_53 : vector<1x12xf32>
    %rsqrt3A_55 = math.rsqrt %add3A_54 : vector<1x12xf32>
    %mul3A_56 = arith.mulf %get3A_51, %rsqrt3A_55 : vector<1x12xf32>
    %mul3A_57 = vector.broadcast %mul3A_56 : vector<1x12xf32> to vector<10000x12xf32>
    %mul3A_58 = arith.mulf %slice3A_10, %mul3A_57 : vector<10000x12xf32>
    %concatenate3A = tpu.concatenate %add3A_37, %mul3A_58 in 1 : vector<10000x16xf32>, vector<10000x12xf32> -> vector<10000x28xf32>
    %swap3A = arith.constant 0 : index
    %swap3A_59 = arith.constant 0 : index
    %swap3A_60 = vector.load %arg6[%swap3A, %swap3A_59] : memref<10000x28xf32, #tpu.memory_space<vmem>>, vector<10000x28xf32>
    tpu.vector_store %arg6[%swap3A, %swap3A_59], %concatenate3A {strides = array<i32>} : memref<10000x28xf32, #tpu.memory_space<vmem>>, vector<10000x28xf32>,
    return
  }
}

</mosaic_0001>

<sc_bundles>
// kernel: kernel.6.cloned.1.call-start
scs
__scs_entry_jumppad:
0x0: {  	(pc) =	sbr.rel $0x88, $3  }
0x1: {  	(tag) =	ssettag $0x0;
	lr =	simm.s32 $0x1  }
0x2: {  	[smem:$0x3F96] =	sst lr;
	_ =	strace $0xD0000000  }
0x3: {  	_ = 	snop  }
0x4: {  	_ = 	snop  }
0x5: {  	_ = 	snop  }
0x6: {  	_ = 	snop  }
0x7: {  	_ = 	snop  }
__scs_overlays_trampoline_lowered:
0x8: {  	[smem:$0x3FA5] =	sst s0  }
0x9: {  	[smem:$0x3FA6] =	sst s1  }
0xa: {  	[smem:$0x3FA7] =	sst s2  }
0xb: {  	[smem:$0x3FA8] =	sst s3  }
0xc: {  	[smem:$0x3FA9] =	sst s4  }
0xd: {  	[smem:$0x3FAA] =	sst s5  }
0xe: {  	[smem:$0x3FAB] =	sst s6  }
0xf: {  	[smem:$0x3FAC] =	sst s7  }
0x10: {  	[smem:$0x3FAD] =	sst s8  }
0x11: {  	[smem:$0x3FAE] =	sst s9;
	s0 =	simm.s32 @!p0 $0x0  }
0x12: {  	s1 =	sld [smem:$0x3F94];
	s0 =	simm.s32 @p0 $0x1  }
0x13: {  	[smem:$0x3FAF] =	sst s0;
	s0 =	simm.s32 @!p1 $0x0  }
0x14: {  	s2 =	sld [smem:$0x3F93];
	s0 =	simm.s32 @p1 $0x1  }
0x15: {  	[smem:$0x3FB0] =	sst s0;
	s0 =	simm.s32 @!p2 $0x0  }
0x16: {  	s3 =	sld [smem:$0x3FDB];
	s0 =	simm.s32 @p2 $0x1  }
0x17: {  	s4 =	simm.s32 $0x1BF5;
	[smem:$0x3FB2] =	sst s0  }
0x18: {  	s0 =	sld [smem:$0x3F95];
	_ =	swait.ge [sflag:s4], $0x0  }
0x19: {  	s7 =	sld [smem:$0x3F96]  }
0x1a: {  	s8 =	sadd.s32 $0xFFFFE003, lr  }
0x1b: {  	s9 =	sadd.s32 $0xFFFFFEF7, lr;
	s5 =	simm.s32 $0xFFFFFFFF;
	p2 =	slt.u32 s8, $0xFFFFF086  }
0x1c: {  	p1 =	slt.u32 s9, $0xF7A;
	s5 =	simm.s32 @!p2 $0x0  }
0x1d: {  	s5 =	simm.s32 @p1 $0x1;
	p0 =	seq.s32 s7, s2  }
0x1e: {  	s7 =	smul.u32 @!p0 $0xF7A, s2;
	p2 =	seq.s32 @!p0 s5, $0x0  }
0x1f: {  	s9 =	smul.u32 $0xF7A, s1;
	s8 =	simm.s32 @!p0 $0x1BF5;
	p2 =	por !p2, p0  }
0x20: {  	[sflag:s8] =	ssyncset.s32 @!p0 $0xFFFFF086;
	s6 =	sadd.s32 @!p0 s3, s7;
	s7 =	simm.s32 @!p0 $0x108  }
0x21: {  	s3 =	sadd.s32 s3, s9;
	s6 =	sadd.s32 @!p0 $0x88, s6;
	s7 =	simm.s32 @p2 $0x1082  }
0x22: {  	[simem:s7], [sflag:s8] =	dma.local @!p0 [hbm:s6], $0xF7A  }
0x23: {  	s9 =	sor.u32 $0xD0000000, s2;
	s6 =	simm.s32 $0x108;
	_ =	swait.ge @!p0 [sflag:s8], $0x0  }
0x24: {  	s3 =	sadd.s32 $0x88, s3;
	s6 =	simm.s32 @!p1 $0x1082;
	[sflag:s4] =	ssyncset.s32 $0xFFFFF086  }
0x25: {  	[simem:s6], [sflag:s4] =	dma.local [hbm:s3], $0xF7A  }
0x26: {  	[smem:$0x3F96] =	sst s1;
	(tag) =	ssettag s2;
	_ =	strace s9  }
0x27: {  	s1 =	sld [smem:$0x3FA6]  }
0x28: {  	s2 =	sld [smem:$0x3FA7]  }
0x29: {  	s4 =	sld [smem:$0x3FA9]  }
0x2a: {  	p0 =	seq.s32 s5, $0x0;
	s5 =	sld [smem:$0x3FAA]  }
0x2b: {  	s6 =	sld [smem:$0x3FAB]  }
0x2c: {  	s7 =	sld [smem:$0x3FAC]  }
0x2d: {  	s3 =	simm.s32 $0x108;
	s8 =	sld [smem:$0x3FAD]  }
0x2e: {  	s3 =	simm.s32 @!p0 $0x1082;
	s9 =	sld [smem:$0x3FAE]  }
0x2f: {  	lr =	sadd.s32 s0, s3;
	s0 =	sld [smem:$0x3FA5]  }
0x30: {  	s3 =	sld [smem:$0x3FA8]  }
0x31: {  	[smem:$0x3FB1] =	sst s10  }
0x32: {  	s10 =	sld [smem:$0x3FAF];
	_ =	sdelay $0x3  }
0x33: {  	p0 =	seq.s32 s10, $0x1;
	s10 =	sld [smem:$0x3FB1];
	_ =	sdelay $0x3  }
0x34: {  	[smem:$0x3FB1] =	sst s10  }
0x35: {  	s10 =	sld [smem:$0x3FB0];
	_ =	sdelay $0x3  }
0x36: {  	p1 =	seq.s32 s10, $0x1;
	s10 =	sld [smem:$0x3FB1];
	_ =	sdelay $0x3  }
0x37: {  	[smem:$0x3FB1] =	sst s10  }
0x38: {  	s10 =	sld [smem:$0x3FB2]  }
0x39: {  	_ = 	snop;
	(pc) =	sbr.ind lr, $3  }
0x3a: {  	_ = 	snop  }
0x3b: {  	_ = 	snop  }
0x3c: {  	p2 =	seq.s32 s10, $0x1;
	s10 =	sld [smem:$0x3FB1]  }
0x3d: {  	_ =	shalt  }
0x3e: {  	_ =	shalt  }
0x3f: {  	_ =	shalt  }
0x40: {  	_ =	shalt  }
0x41: {  	_ =	shalt  }
0x42: {  	_ =	shalt  }
0x43: {  	_ =	shalt  }
0x44: {  	_ =	shalt  }
0x45: {  	_ =	shalt  }
0x46: {  	_ =	shalt  }
0x47: {  	_ =	shalt  }
0x48: {  	_ =	shalt  }
0x49: {  	_ =	shalt  }
0x4a: {  	_ =	shalt  }
0x4b: {  	_ =	shalt  }
0x4c: {  	_ =	shalt  }
0x4d: {  	_ =	shalt  }
0x4e: {  	_ =	shalt  }
0x4f: {  	_ =	shalt  }
0x50: {  	_ =	shalt  }
0x51: {  	_ =	shalt  }
0x52: {  	_ =	shalt  }
0x53: {  	_ =	shalt  }
0x54: {  	_ =	shalt  }
0x55: {  	_ =	shalt  }
0x56: {  	_ =	shalt  }
0x57: {  	_ =	shalt  }
0x58: {  	_ =	shalt  }
0x59: {  	_ =	shalt  }
0x5a: {  	_ =	shalt  }
0x5b: {  	_ =	shalt  }
0x5c: {  	_ =	shalt  }
0x5d: {  	_ =	shalt  }
0x5e: {  	_ =	shalt  }
0x5f: {  	_ =	shalt  }
0x60: {  	_ =	shalt  }
0x61: {  	_ =	shalt  }
0x62: {  	_ =	shalt  }
0x63: {  	_ =	shalt  }
0x64: {  	_ =	shalt  }
0x65: {  	_ =	shalt  }
0x66: {  	_ =	shalt  }
0x67: {  	_ =	shalt  }
0x68: {  	_ =	shalt  }
0x69: {  	_ =	shalt  }
0x6a: {  	_ =	shalt  }
0x6b: {  	_ =	shalt  }
0x6c: {  	_ =	shalt  }
0x6d: {  	_ =	shalt  }
0x6e: {  	_ =	shalt  }
0x6f: {  	_ =	shalt  }
0x70: {  	_ =	shalt  }
0x71: {  	_ =	shalt  }
0x72: {  	_ =	shalt  }
0x73: {  	_ =	shalt  }
0x74: {  	_ =	shalt  }
0x75: {  	_ =	shalt  }
0x76: {  	_ =	shalt  }
0x77: {  	_ =	shalt  }
0x78: {  	_ =	shalt  }
0x79: {  	_ =	shalt  }
0x7a: {  	_ =	shalt  }
0x7b: {  	_ =	shalt  }
0x7c: {  	_ =	shalt  }
0x7d: {  	_ =	shalt  }
0x7e: {  	_ =	shalt  }
0x7f: {  	_ =	shalt  }
0x80: {  	_ =	shalt  }
0x81: {  	_ =	shalt  }
0x82: {  	_ =	shalt  }
0x83: {  	_ =	shalt  }
0x84: {  	_ =	shalt  }
0x85: {  	_ =	shalt  }
0x86: {  	_ =	shalt  }
0x87: {  	_ =	shalt  }
.Lfunc_end0:
.L_simem_size_0:
called_computation_lowered:
.L_overlay_start_0:
0x88: {  	s2 =	sld [smem:$0x3FD9]  }
0x89: {  	s3 =	sld [smem:$0x3FFE];
	_ =	sdelay $0x1  }
0x8a: {  	s1 =	srdreg.scid  }
0x8b: {  	s0 =	sand.u32 $0x1, s1  }
0x8c: {  	s17 =	sshll.u32 s0, $0xA;
	s2 =	sadd.s32 s3, s2  }
0x8d: {  	s2 =	sadd.s32 s2, s17  }
0x8e: {  	[smem:$0x3FBD] =	sst s2  }
0x8f: {  	_ = 	snop  }
0x90: {  	s2 =	sld [smem:$0x3FD0];
	(tm) =	ssettm $0x1  }
0x91: {  	s18 =	sld [smem:$0x3FFB];
	_ =	sdelay $0x3  }
0x92: {  	_ =	strace s18  }
0x93: {  	s3 =	sld [smem:$0x3FFC];
	_ =	sdelay $0x3  }
0x94: {  	_ =	strace s3  }
0x95: {  	s3 =	sld [smem:$0x3FFD];
	_ =	sdelay $0x3  }
0x96: {  	_ =	strace s3  }
0x97: {  	_ =	strace $0x8FFFFFFF  }
0x98: {  	s19 =	sld [smem:$0x3FDB];
	_ =	sdelay $0x1  }
0x99: {  	s4 =	simm.s32 $_scs_section_size  }
0x9a: {  	s5 =	simm.s32 $_size__tile_overlayer_lowered;
	s6 =	simm.s32 $_tile_overlayer_lowered  }
0x9b: {  	s22 =	simm.s32 $0x1BFF;
	s21 =	sshll.u32 s6, $0x1;
	s3 =	sadd.s32 s4, s19  }
0x9c: {  	s7 =	simm.s32 $0x0;
	s20 =	sshll.u32 s5, $0x1;
	s5 =	sadd.s32 s21, s3  }
0x9d: {  	[timem:s7], [sflag:s22] =	dma.local [hbm:s5], s20  }
0x9e: {  	_ =	swait.ge [sflag:s22], s20  }
0x9f: {  	s4 =	ssub.s32 $0x0, s20;
	[sflag:s22] =	ssyncset.done $0x0  }
0xa0: {  	[sflag:s22] =	ssyncadd.s32 s4;
	_ =	sdelay $0x1  }
0xa1: {  	s23 =	simm.s32 $0x1B8B  }
0xa2: {  	_ =	swait.ge [sflag:s23], $0x1  }
0xa3: {  	[sflag:s23] =	ssyncset.done $0x0  }
0xa4: {  	s25 =	simm.s32 $0x1B8E;
	s24 =	sld [smem:$0x3FFE];
	[sflag:s23] =	ssyncadd.s32 $0xFFFFFFFF  }
0xa5: {  	s26 =	simm.s32 $execute0_lowered;
	[smem:$0x3FD2] =	sst s25  }
0xa6: {  	s5 =	sshll.u32 s26, $0x1;
	_ =	strace $0x80000046;
	[dreg:$0x1] =	wrdreg $0xFFFFFFFF  }
0xa7: {  	s28 =	simm.s32 $_size_execute0_lowered;
	s3 =	sadd.s32 s3, s5;
	[dreg:$0x0] =	wrdreg $0x0  }
0xa8: {  	s5 =	sshll.u32 s28, $0x1;
	[dreg:$0x2] =	wrdreg s3  }
0xa9: {  	[dreg:$0x3] =	wrdreg s5  }
0xaa: {  	[dreg:$0x4] =	wrdreg $0xC0  }
0xab: {  	_ =	task [dreg:s7], $0x5FFFF  }
0xac: {  	[dreg:$0x1] =	wrdreg $0xFFFFFFFF  }
0xad: {  	[dreg:$0x0] =	wrdreg $0x60  }
0xae: {  	[dreg:$0x2] =	wrdreg s24  }
0xaf: {  	[dreg:$0x3] =	wrdreg s2  }
0xb0: {  	[dreg:$0x4] =	wrdreg $0x9  }
0xb1: {  	_ =	task.clear_ibuf [dreg:s7], $0x5FFFF;
	_ =	strace $0x90000046  }
0xb2: {  	s29 =	simm.s32 $0x9;
	_ =	strace $0x80000048  }
0xb3: {  	_ =	swait.ge [sflag:s29], $0x1  }
0xb4: {  	[sflag:s29] =	ssyncadd.s32 $0xFFFFFFFF  }
0xb5: {  	_ =	strace $0x90000048  }
0xb6: {  	_ =	sfence  }
0xb7: {  	s30 =	sld [smem:$0x0];
	_ =	sdelay $0x2  }
0xb8: {  	s31 =	sshll.u32 s1, $0xD;
	s1 =	sshrl.u32 s1, $0x2  }
0xb9: {  	s3 =	sand.u32 $0x4000, s31;
	s1 =	sadd.s32 s1, s30  }
0xba: {  	s0 =	sor.u32 s3, s0;
	s1 =	sshll.u32 s1, $0x11  }
0xbb: {  	s0 =	sor.u32 s1, s0  }
0xbc: {  	s0 =	sadd.s32 $0x8F2B, s0  }
0xbd: {  	[sflag:s0] =	ssyncadd.remote.s32 $0x1  }
0xbe: {  	_ =	sfence.sel $0xFFFF  }
0xbf: {  	[dreg:$0x0] =	wrdreg $0xFFFFFFFF;
	(pc) =	sbr.abs _section_cstart, $3  }
0xc0: {  	[dreg:$0x1] =	wrdreg $0xFFFFFFFF  }
0xc1: {  	_ =	task.clear_ibuf [dreg:s7], $0x2FFFF;
	_ =	strace $0x9FFFFFFF  }
0xc2: {  	(tm) =	ssettm $0x7FFFFFFF  }
0xc3: {  	_ =	shalt  }
tec
execute0_lowered:
.L_overlay_start_1:
0x0: {  	(tag) =	ssettag $0x1  }
0x1: {  	s4 =	rddreg [dreg:$0x0]  }
0x2: {  	s5 =	rddreg [dreg:$0x1]  }
0x3: {  	s0 =	rddreg [dreg:$0x2];
	s1 =	stileid.u32  }
0x4: {  	s3 =	srdreg.scid;
	s2 =	simm.s32 $0x0;
	s31 =	simm.s32 $0x7D00  }
0x5: {  	s10 =	simm.s32 $0x2;
	s11 =	simm.s32 $0x0;
	s6 =	sand.u32 $0x1, s3  }
0x6: {  	s29 =	sshll.u32 s1, $0x1;
	[smem:$0x7FF] =	sst s2;
	s7 =	smul.u32 $0x9C40, s1  }
0x7: {  	s3 =	sor.u32 s6, s29;
	s9 =	ssub.s32 $0x2, s6;
	s6 =	smul.u32 $0x4E20, s6  }
0x8: {  	_ =	strace $0x80000047;
	[dreg:$0x3] =	wrdreg s31;
	s8 =	smul.u32 $0x2710, s3  }
0x9: {  	s3 =	sadd.s32 $0x2200, s4;
	s7 =	sadd.s32 s7, s4;
	s30 =	sshrl.u32 s9, $0x1  }
0xa: {  	s9 =	ssub.s32 s9, s30;
	s6 =	sadd.s32 s6, s7;
	s8 =	sshrl.u32 s8, $0x3  }
0xb: {  	s7 =	simm.s32 $0x3;
	s6 =	sadd.s32 $0x7200, s6;
	s4 =	sadd.s32 s5, s8  }
0xc: {  	s5 =	smax.u32 s9, $0x1;
	s8 =	simm.s32 $0x50;
	s9 =	simm.s32 $0x1  }
.LBB2_1:
0xd: {  	[tilespmem:s2], [sflag:$0x3] =	stream.linear.gather [hbm4b:s4+s2], $0x2710, $0x38;
	[tilespmem:$0x12110] =	vst v63  }
0xe: {  	_ =	swait.ge [sflag:s7], $0x2710  }
0xf: {  	p0 =	por $0x1, $0x1;
	[sflag:s7] =	ssyncset.done $0x0  }
0x10: {  	s13 =	simm.s32 @!p0 $0x2;
	[sflag:s7] =	ssyncadd.s32 $0xFFFFD8F0  }
0x11: {  	s14 =	sand.u32 $0x1, s2;
	_ =	swait.ge @!p0 [sflag:s13], $0x7D00  }
0x12: {  	p1 =	seq.s32 s14, $0x1;
	s12 =	rddreg [dreg:$0x3]  }
0x13: {  	[sflag:s13] =	ssyncset.done @!p0 $0x0;
	s12 =	simm.s32 @!p1 $0x0  }
0x14: {  	s15 =	simm.s32 $0x0;
	[sflag:s13] =	ssyncadd.s32 @!p0 $0xFFFF8300;
	s13 =	sadd.s32 $0x2710, s12  }
0x15: {  	[tilespmem:s13], [sflag:$0x1] =	stream.indirect.gather [hbm4b:s3+s8], $0x10, s15, s8, $0xb8;
	[tilespmem:$0x12110] =	vst v63  }
0x16: {  	s16 =	sadd.s32 $0x2C10, s12;
	s15 =	simm.s32 $0x50  }
0x17: {  	[tilespmem:s16], [sflag:$0x1] =	stream.indirect.gather [hbm4b:s3+s8], $0x10, s15, s8, $0xb8;
	[tilespmem:$0x12110] =	vst v63  }
0x18: {  	s18 =	simm.s32 $0xA0;
	s17 =	sadd.s32 $0x3110, s12  }
0x19: {  	[tilespmem:s17], [sflag:$0x1] =	stream.indirect.gather [hbm4b:s3+s8], $0x10, s18, s8, $0xb8;
	[tilespmem:$0x12110] =	vst v63  }
0x1a: {  	s20 =	simm.s32 $0xF0;
	s19 =	sadd.s32 $0x3610, s12  }
0x1b: {  	[tilespmem:s19], [sflag:$0x1] =	stream.indirect.gather [hbm4b:s3+s8], $0x10, s20, s8, $0xb8;
	[tilespmem:$0x12110] =	vst v63  }
0x1c: {  	s22 =	simm.s32 $0x140;
	s21 =	sadd.s32 $0x3B10, s12  }
0x1d: {  	[tilespmem:s21], [sflag:$0x1] =	stream.indirect.gather [hbm4b:s3+s8], $0x10, s22, s8, $0xb8;
	[tilespmem:$0x12110] =	vst v63  }
0x1e: {  	s24 =	simm.s32 $0x190;
	s23 =	sadd.s32 $0x4010, s12  }
0x1f: {  	[tilespmem:s23], [sflag:$0x1] =	stream.indirect.gather [hbm4b:s3+s8], $0x10, s24, s8, $0xb8;
	[tilespmem:$0x12110] =	vst v63  }
0x20: {  	s26 =	simm.s32 $0x1E0;
	s25 =	sadd.s32 $0x4510, s12  }
0x21: {  	[tilespmem:s25], [sflag:$0x1] =	stream.indirect.gather [hbm4b:s3+s8], $0x10, s26, s8, $0xb8;
	[tilespmem:$0x12110] =	vst v63  }
0x22: {  	s29 =	simm.s32 $0x230;
	s28 =	sadd.s32 $0x4A10, s12  }
0x23: {  	[tilespmem:s28], [sflag:$0x1] =	stream.indirect.gather [hbm4b:s3+s8], $0x10, s29, s8, $0xb8;
	[tilespmem:$0x12110] =	vst v63  }
0x24: {  	s31 =	simm.s32 $0x280;
	s30 =	sadd.s32 $0x4F10, s12  }
0x25: {  	[tilespmem:s30], [sflag:$0x1] =	stream.indirect.gather [hbm4b:s3+s8], $0x10, s31, s8, $0xb8;
	[tilespmem:$0x12110] =	vst v63  }
0x26: {  	s15 =	sadd.s32 $0x5410, s12;
	s16 =	simm.s32 $0x2D0  }
0x27: {  	[tilespmem:s15], [sflag:$0x1] =	stream.indirect.gather [hbm4b:s3+s8], $0x10, s16, s8, $0xb8;
	[tilespmem:$0x12110] =	vst v63  }
0x28: {  	s17 =	sadd.s32 $0x5910, s12;
	s18 =	simm.s32 $0x320  }
0x29: {  	[tilespmem:s17], [sflag:$0x1] =	stream.indirect.gather [hbm4b:s3+s8], $0x10, s18, s8, $0xb8;
	[tilespmem:$0x12110] =	vst v63  }
0x2a: {  	s19 =	sadd.s32 $0x5E10, s12;
	s20 =	simm.s32 $0x370  }
0x2b: {  	[tilespmem:s19], [sflag:$0x1] =	stream.indirect.gather [hbm4b:s3+s8], $0x10, s20, s8, $0xb8;
	[tilespmem:$0x12110] =	vst v63  }
0x2c: {  	s21 =	sadd.s32 $0x6310, s12;
	s22 =	simm.s32 $0x3C0  }
0x2d: {  	[tilespmem:s21], [sflag:$0x1] =	stream.indirect.gather [hbm4b:s3+s8], $0x10, s22, s8, $0xb8;
	[tilespmem:$0x12110] =	vst v63  }
0x2e: {  	s23 =	sadd.s32 $0x6810, s12;
	s24 =	simm.s32 $0x410  }
0x2f: {  	[tilespmem:s23], [sflag:$0x1] =	stream.indirect.gather [hbm4b:s3+s8], $0x10, s24, s8, $0xb8;
	[tilespmem:$0x12110] =	vst v63  }
0x30: {  	s25 =	sadd.s32 $0x6D10, s12;
	s26 =	simm.s32 $0x460  }
0x31: {  	[tilespmem:s25], [sflag:$0x1] =	stream.indirect.gather [hbm4b:s3+s8], $0x10, s26, s8, $0xb8;
	[tilespmem:$0x12110] =	vst v63  }
0x32: {  	s28 =	sadd.s32 $0x7210, s12;
	s29 =	simm.s32 $0x4B0  }
0x33: {  	[tilespmem:s28], [sflag:$0x1] =	stream.indirect.gather [hbm4b:s3+s8], $0x10, s29, s8, $0xb8;
	[tilespmem:$0x12110] =	vst v63  }
0x34: {  	s30 =	sadd.s32 $0x7710, s12;
	s31 =	simm.s32 $0x500  }
0x35: {  	[tilespmem:s30], [sflag:$0x1] =	stream.indirect.gather [hbm4b:s3+s8], $0x10, s31, s8, $0xb8;
	[tilespmem:$0x12110] =	vst v63  }
0x36: {  	s16 =	sadd.s32 $0x7C10, s12;
	s17 =	simm.s32 $0x550  }
0x37: {  	[tilespmem:s16], [sflag:$0x1] =	stream.indirect.gather [hbm4b:s3+s8], $0x10, s17, s8, $0xb8;
	[tilespmem:$0x12110] =	vst v63  }
0x38: {  	s18 =	sadd.s32 $0x8110, s12;
	s19 =	simm.s32 $0x5A0  }
0x39: {  	[tilespmem:s18], [sflag:$0x1] =	stream.indirect.gather [hbm4b:s3+s8], $0x10, s19, s8, $0xb8;
	[tilespmem:$0x12110] =	vst v63  }
0x3a: {  	s20 =	sadd.s32 $0x8610, s12;
	s21 =	simm.s32 $0x5F0  }
0x3b: {  	[tilespmem:s20], [sflag:$0x1] =	stream.indirect.gather [hbm4b:s3+s8], $0x10, s21, s8, $0xb8;
	[tilespmem:$0x12110] =	vst v63  }
0x3c: {  	s22 =	sadd.s32 $0x8B10, s12;
	s23 =	simm.s32 $0x640  }
0x3d: {  	[tilespmem:s22], [sflag:$0x1] =	stream.indirect.gather [hbm4b:s3+s8], $0x10, s23, s8, $0xb8;
	[tilespmem:$0x12110] =	vst v63  }
0x3e: {  	s24 =	sadd.s32 $0x9010, s12;
	s25 =	simm.s32 $0x690  }
0x3f: {  	[tilespmem:s24], [sflag:$0x1] =	stream.indirect.gather [hbm4b:s3+s8], $0x10, s25, s8, $0xb8;
	[tilespmem:$0x12110] =	vst v63  }
0x40: {  	s26 =	sadd.s32 $0x9510, s12;
	s28 =	simm.s32 $0x6E0  }
0x41: {  	[tilespmem:s26], [sflag:$0x1] =	stream.indirect.gather [hbm4b:s3+s8], $0x10, s28, s8, $0xb8;
	[tilespmem:$0x12110] =	vst v63  }
0x42: {  	s29 =	sadd.s32 $0x9A10, s12;
	s30 =	simm.s32 $0x730  }
0x43: {  	[tilespmem:s29], [sflag:$0x1] =	stream.indirect.gather [hbm4b:s3+s8], $0x10, s30, s8, $0xb8;
	[tilespmem:$0x12110] =	vst v63  }
0x44: {  	s12 =	sadd.s32 $0x9F10, s12;
	s31 =	simm.s32 $0x780  }
0x45: {  	[tilespmem:s12], [sflag:$0x1] =	stream.indirect.gather [hbm4b:s3+s8], $0x10, s31, s8, $0xb8;
	[tilespmem:$0x12110] =	vst v63  }
0x46: {  	_ =	swait.ge [sflag:s9], $0x500  }
0x47: {  	[sflag:s9] =	ssyncset.done $0x0  }
0x48: {  	[sflag:s9] =	ssyncadd.s32 $0xFFFFFB00  }
0x49: {  	_ =	swait.ge [sflag:s9], $0x500  }
0x4a: {  	[sflag:s9] =	ssyncset.done $0x0  }
0x4b: {  	[sflag:s9] =	ssyncadd.s32 $0xFFFFFB00  }
0x4c: {  	_ =	swait.ge [sflag:s9], $0x500  }
0x4d: {  	[sflag:s9] =	ssyncset.done $0x0  }
0x4e: {  	[sflag:s9] =	ssyncadd.s32 $0xFFFFFB00  }
0x4f: {  	_ =	swait.ge [sflag:s9], $0x500  }
0x50: {  	[sflag:s9] =	ssyncset.done $0x0  }
0x51: {  	[sflag:s9] =	ssyncadd.s32 $0xFFFFFB00  }
0x52: {  	_ =	swait.ge [sflag:s9], $0x500  }
0x53: {  	[sflag:s9] =	ssyncset.done $0x0  }
0x54: {  	[sflag:s9] =	ssyncadd.s32 $0xFFFFFB00  }
0x55: {  	_ =	swait.ge [sflag:s9], $0x500  }
0x56: {  	[sflag:s9] =	ssyncset.done $0x0  }
0x57: {  	[sflag:s9] =	ssyncadd.s32 $0xFFFFFB00  }
0x58: {  	_ =	swait.ge [sflag:s9], $0x500  }
0x59: {  	[sflag:s9] =	ssyncset.done $0x0  }
0x5a: {  	[sflag:s9] =	ssyncadd.s32 $0xFFFFFB00  }
0x5b: {  	_ =	swait.ge [sflag:s9], $0x500  }
0x5c: {  	[sflag:s9] =	ssyncset.done $0x0  }
0x5d: {  	[sflag:s9] =	ssyncadd.s32 $0xFFFFFB00  }
0x5e: {  	_ =	swait.ge [sflag:s9], $0x500  }
0x5f: {  	[sflag:s9] =	ssyncset.done $0x0  }
0x60: {  	[sflag:s9] =	ssyncadd.s32 $0xFFFFFB00  }
0x61: {  	_ =	swait.ge [sflag:s9], $0x500  }
0x62: {  	[sflag:s9] =	ssyncset.done $0x0  }
0x63: {  	[sflag:s9] =	ssyncadd.s32 $0xFFFFFB00  }
0x64: {  	_ =	swait.ge [sflag:s9], $0x500  }
0x65: {  	[sflag:s9] =	ssyncset.done $0x0  }
0x66: {  	[sflag:s9] =	ssyncadd.s32 $0xFFFFFB00  }
0x67: {  	_ =	swait.ge [sflag:s9], $0x500  }
0x68: {  	[sflag:s9] =	ssyncset.done $0x0  }
0x69: {  	[sflag:s9] =	ssyncadd.s32 $0xFFFFFB00  }
0x6a: {  	_ =	swait.ge [sflag:s9], $0x500  }
0x6b: {  	[sflag:s9] =	ssyncset.done $0x0  }
0x6c: {  	[sflag:s9] =	ssyncadd.s32 $0xFFFFFB00  }
0x6d: {  	_ =	swait.ge [sflag:s9], $0x500  }
0x6e: {  	[sflag:s9] =	ssyncset.done $0x0  }
0x6f: {  	[sflag:s9] =	ssyncadd.s32 $0xFFFFFB00  }
0x70: {  	_ =	swait.ge [sflag:s9], $0x500  }
0x71: {  	[sflag:s9] =	ssyncset.done $0x0  }
0x72: {  	[sflag:s9] =	ssyncadd.s32 $0xFFFFFB00  }
0x73: {  	_ =	swait.ge [sflag:s9], $0x500  }
0x74: {  	[sflag:s9] =	ssyncset.done $0x0  }
0x75: {  	[sflag:s9] =	ssyncadd.s32 $0xFFFFFB00  }
0x76: {  	_ =	swait.ge [sflag:s9], $0x500  }
0x77: {  	[sflag:s9] =	ssyncset.done $0x0  }
0x78: {  	[sflag:s9] =	ssyncadd.s32 $0xFFFFFB00  }
0x79: {  	_ =	swait.ge [sflag:s9], $0x500  }
0x7a: {  	[sflag:s9] =	ssyncset.done $0x0  }
0x7b: {  	[sflag:s9] =	ssyncadd.s32 $0xFFFFFB00  }
0x7c: {  	_ =	swait.ge [sflag:s9], $0x500  }
0x7d: {  	[sflag:s9] =	ssyncset.done $0x0  }
0x7e: {  	[sflag:s9] =	ssyncadd.s32 $0xFFFFFB00  }
0x7f: {  	_ =	swait.ge [sflag:s9], $0x500  }
0x80: {  	[sflag:s9] =	ssyncset.done $0x0  }
0x81: {  	[sflag:s9] =	ssyncadd.s32 $0xFFFFFB00  }
0x82: {  	_ =	swait.ge [sflag:s9], $0x500  }
0x83: {  	[sflag:s9] =	ssyncset.done $0x0  }
0x84: {  	[sflag:s9] =	ssyncadd.s32 $0xFFFFFB00  }
0x85: {  	_ =	swait.ge [sflag:s9], $0x500  }
0x86: {  	[sflag:s9] =	ssyncset.done $0x0  }
0x87: {  	[sflag:s9] =	ssyncadd.s32 $0xFFFFFB00  }
0x88: {  	_ =	swait.ge [sflag:s9], $0x500  }
0x89: {  	[sflag:s9] =	ssyncset.done $0x0  }
0x8a: {  	[sflag:s9] =	ssyncadd.s32 $0xFFFFFB00  }
0x8b: {  	_ =	swait.ge [sflag:s9], $0x500  }
0x8c: {  	[sflag:s9] =	ssyncset.done $0x0  }
0x8d: {  	s14 =	simm.s32 $0x1F40;
	p1 =	por $0x1, $0x1;
	[sflag:s9] =	ssyncadd.s32 $0xFFFFFB00  }
0x8e: {  	s15 =	simm.s32 $0x1;
	s16 =	simm.s32 $0x3E80;
	_ =	swait.ge [sflag:s9], $0x500  }
0x8f: {  	s17 =	smov.u32 s6;
	s12 =	sadd.s32 $0xFA0, s6;
	[sflag:s9] =	ssyncset.done $0x0  }
.LBB2_2:
0x90: {  	s19 =	simm.s32 @!p1 $0x2;
	[sflag:s9] =	ssyncadd.s32 $0xFFFFFB00  }
0x91: {  	[hbm4b:s17+s2] =	stream.linear.scatter [tilespmem:s13], [sflag:$0x2], $0x7D00, $0x38;
	[tilespmem:$0x12110] =	vst v63  }
0x92: {  	s26 =	sand.u32 $0x1, s15;
	_ =	swait.ge @!p1 [sflag:s19], $0x7D00  }
0x93: {  	p2 =	seq.s32 s26, $0x1;
	s18 =	rddreg [dreg:$0x3]  }
0x94: {  	[sflag:s19] =	ssyncset.done @!p1 $0x0;
	s18 =	simm.s32 @!p2 $0x0  }
0x95: {  	[sflag:s19] =	ssyncadd.s32 @!p1 $0xFFFF8300;
	s19 =	sshra.s32 s14, $0x2;
	s13 =	sadd.s32 $0x2710, s18  }
0x96: {  	[tilespmem:s13], [sflag:$0x1] =	stream.indirect.gather [hbm4b:s3+s8], $0x10, s19, s8, $0xb8;
	[tilespmem:$0x12110] =	vst v63  }
0x97: {  	s21 =	sadd.s32 $0x2C10, s18;
	s22 =	sadd.s32 $0x50, s19  }
0x98: {  	[tilespmem:s21], [sflag:$0x1] =	stream.indirect.gather [hbm4b:s3+s8], $0x10, s22, s8, $0xb8;
	[tilespmem:$0x12110] =	vst v63  }
0x99: {  	s28 =	sadd.s32 $0x3110, s18;
	s29 =	sadd.s32 $0xA0, s19  }
0x9a: {  	[tilespmem:s28], [sflag:$0x1] =	stream.indirect.gather [hbm4b:s3+s8], $0x10, s29, s8, $0xb8;
	[tilespmem:$0x12110] =	vst v63  }
0x9b: {  	s30 =	sadd.s32 $0x3610, s18;
	s31 =	sadd.s32 $0xF0, s19  }
0x9c: {  	[tilespmem:s30], [sflag:$0x1] =	stream.indirect.gather [hbm4b:s3+s8], $0x10, s31, s8, $0xb8;
	[tilespmem:$0x12110] =	vst v63  }
0x9d: {  	s21 =	sadd.s32 $0x3B10, s18;
	s22 =	sadd.s32 $0x140, s19  }
0x9e: {  	[tilespmem:s21], [sflag:$0x1] =	stream.indirect.gather [hbm4b:s3+s8], $0x10, s22, s8, $0xb8;
	[tilespmem:$0x12110] =	vst v63  }
0x9f: {  	s23 =	sadd.s32 $0x4010, s18;
	s24 =	sadd.s32 $0x190, s19  }
0xa0: {  	[tilespmem:s23], [sflag:$0x1] =	stream.indirect.gather [hbm4b:s3+s8], $0x10, s24, s8, $0xb8;
	[tilespmem:$0x12110] =	vst v63  }
0xa1: {  	s25 =	sadd.s32 $0x4510, s18;
	s26 =	sadd.s32 $0x1E0, s19  }
0xa2: {  	[tilespmem:s25], [sflag:$0x1] =	stream.indirect.gather [hbm4b:s3+s8], $0x10, s26, s8, $0xb8;
	[tilespmem:$0x12110] =	vst v63  }
0xa3: {  	s28 =	sadd.s32 $0x4A10, s18;
	s29 =	sadd.s32 $0x230, s19  }
0xa4: {  	[tilespmem:s28], [sflag:$0x1] =	stream.indirect.gather [hbm4b:s3+s8], $0x10, s29, s8, $0xb8;
	[tilespmem:$0x12110] =	vst v63  }
0xa5: {  	s30 =	sadd.s32 $0x4F10, s18;
	s31 =	sadd.s32 $0x280, s19  }
0xa6: {  	[tilespmem:s30], [sflag:$0x1] =	stream.indirect.gather [hbm4b:s3+s8], $0x10, s31, s8, $0xb8;
	[tilespmem:$0x12110] =	vst v63  }
0xa7: {  	s21 =	sadd.s32 $0x5410, s18;
	s22 =	sadd.s32 $0x2D0, s19  }
0xa8: {  	[tilespmem:s21], [sflag:$0x1] =	stream.indirect.gather [hbm4b:s3+s8], $0x10, s22, s8, $0xb8;
	[tilespmem:$0x12110] =	vst v63  }
0xa9: {  	s23 =	sadd.s32 $0x5910, s18;
	s24 =	sadd.s32 $0x320, s19  }
0xaa: {  	[tilespmem:s23], [sflag:$0x1] =	stream.indirect.gather [hbm4b:s3+s8], $0x10, s24, s8, $0xb8;
	[tilespmem:$0x12110] =	vst v63  }
0xab: {  	s25 =	sadd.s32 $0x5E10, s18;
	s26 =	sadd.s32 $0x370, s19  }
0xac: {  	[tilespmem:s25], [sflag:$0x1] =	stream.indirect.gather [hbm4b:s3+s8], $0x10, s26, s8, $0xb8;
	[tilespmem:$0x12110] =	vst v63  }
0xad: {  	s28 =	sadd.s32 $0x6310, s18;
	s29 =	sadd.s32 $0x3C0, s19  }
0xae: {  	[tilespmem:s28], [sflag:$0x1] =	stream.indirect.gather [hbm4b:s3+s8], $0x10, s29, s8, $0xb8;
	[tilespmem:$0x12110] =	vst v63  }
0xaf: {  	s30 =	sadd.s32 $0x6810, s18;
	s31 =	sadd.s32 $0x410, s19  }
0xb0: {  	[tilespmem:s30], [sflag:$0x1] =	stream.indirect.gather [hbm4b:s3+s8], $0x10, s31, s8, $0xb8;
	[tilespmem:$0x12110] =	vst v63  }
0xb1: {  	s21 =	sadd.s32 $0x6D10, s18;
	s22 =	sadd.s32 $0x460, s19  }
0xb2: {  	[tilespmem:s21], [sflag:$0x1] =	stream.indirect.gather [hbm4b:s3+s8], $0x10, s22, s8, $0xb8;
	[tilespmem:$0x12110] =	vst v63  }
0xb3: {  	s23 =	sadd.s32 $0x7210, s18;
	s24 =	sadd.s32 $0x4B0, s19  }
0xb4: {  	[tilespmem:s23], [sflag:$0x1] =	stream.indirect.gather [hbm4b:s3+s8], $0x10, s24, s8, $0xb8;
	[tilespmem:$0x12110] =	vst v63  }
0xb5: {  	s25 =	sadd.s32 $0x7710, s18;
	s26 =	sadd.s32 $0x500, s19  }
0xb6: {  	[tilespmem:s25], [sflag:$0x1] =	stream.indirect.gather [hbm4b:s3+s8], $0x10, s26, s8, $0xb8;
	[tilespmem:$0x12110] =	vst v63  }
0xb7: {  	s28 =	sadd.s32 $0x7C10, s18;
	s29 =	sadd.s32 $0x550, s19  }
0xb8: {  	[tilespmem:s28], [sflag:$0x1] =	stream.indirect.gather [hbm4b:s3+s8], $0x10, s29, s8, $0xb8;
	[tilespmem:$0x12110] =	vst v63  }
0xb9: {  	s30 =	sadd.s32 $0x8110, s18;
	s31 =	sadd.s32 $0x5A0, s19  }
0xba: {  	[tilespmem:s30], [sflag:$0x1] =	stream.indirect.gather [hbm4b:s3+s8], $0x10, s31, s8, $0xb8;
	[tilespmem:$0x12110] =	vst v63  }
0xbb: {  	s21 =	sadd.s32 $0x8610, s18;
	s22 =	sadd.s32 $0x5F0, s19  }
0xbc: {  	[tilespmem:s21], [sflag:$0x1] =	stream.indirect.gather [hbm4b:s3+s8], $0x10, s22, s8, $0xb8;
	[tilespmem:$0x12110] =	vst v63  }
0xbd: {  	s23 =	sadd.s32 $0x8B10, s18;
	s24 =	sadd.s32 $0x640, s19  }
0xbe: {  	[tilespmem:s23], [sflag:$0x1] =	stream.indirect.gather [hbm4b:s3+s8], $0x10, s24, s8, $0xb8;
	[tilespmem:$0x12110] =	vst v63  }
0xbf: {  	s25 =	sadd.s32 $0x9010, s18;
	s26 =	sadd.s32 $0x690, s19  }
0xc0: {  	[tilespmem:s25], [sflag:$0x1] =	stream.indirect.gather [hbm4b:s3+s8], $0x10, s26, s8, $0xb8;
	[tilespmem:$0x12110] =	vst v63  }
0xc1: {  	s28 =	sadd.s32 $0x9510, s18;
	s29 =	sadd.s32 $0x6E0, s19  }
0xc2: {  	[tilespmem:s28], [sflag:$0x1] =	stream.indirect.gather [hbm4b:s3+s8], $0x10, s29, s8, $0xb8;
	[tilespmem:$0x12110] =	vst v63  }
0xc3: {  	s30 =	sadd.s32 $0x9A10, s18;
	s31 =	sadd.s32 $0x730, s19  }
0xc4: {  	[tilespmem:s30], [sflag:$0x1] =	stream.indirect.gather [hbm4b:s3+s8], $0x10, s31, s8, $0xb8;
	[tilespmem:$0x12110] =	vst v63  }
0xc5: {  	s18 =	sadd.s32 $0x9F10, s18;
	s19 =	sadd.s32 $0x780, s19  }
0xc6: {  	[tilespmem:s18], [sflag:$0x1] =	stream.indirect.gather [hbm4b:s3+s8], $0x10, s19, s8, $0xb8;
	[tilespmem:$0x12110] =	vst v63  }
0xc7: {  	_ =	swait.ge [sflag:s9], $0x500  }
0xc8: {  	[sflag:s9] =	ssyncset.done $0x0  }
0xc9: {  	[sflag:s9] =	ssyncadd.s32 $0xFFFFFB00  }
0xca: {  	_ =	swait.ge [sflag:s9], $0x500  }
0xcb: {  	[sflag:s9] =	ssyncset.done $0x0  }
0xcc: {  	[sflag:s9] =	ssyncadd.s32 $0xFFFFFB00  }
0xcd: {  	_ =	swait.ge [sflag:s9], $0x500  }
0xce: {  	[sflag:s9] =	ssyncset.done $0x0  }
0xcf: {  	[sflag:s9] =	ssyncadd.s32 $0xFFFFFB00  }
0xd0: {  	_ =	swait.ge [sflag:s9], $0x500  }
0xd1: {  	[sflag:s9] =	ssyncset.done $0x0  }
0xd2: {  	[sflag:s9] =	ssyncadd.s32 $0xFFFFFB00  }
0xd3: {  	_ =	swait.ge [sflag:s9], $0x500  }
0xd4: {  	[sflag:s9] =	ssyncset.done $0x0  }
0xd5: {  	[sflag:s9] =	ssyncadd.s32 $0xFFFFFB00  }
0xd6: {  	_ =	swait.ge [sflag:s9], $0x500  }
0xd7: {  	[sflag:s9] =	ssyncset.done $0x0  }
0xd8: {  	[sflag:s9] =	ssyncadd.s32 $0xFFFFFB00  }
0xd9: {  	_ =	swait.ge [sflag:s9], $0x500  }
0xda: {  	[sflag:s9] =	ssyncset.done $0x0  }
0xdb: {  	[sflag:s9] =	ssyncadd.s32 $0xFFFFFB00  }
0xdc: {  	_ =	swait.ge [sflag:s9], $0x500  }
0xdd: {  	[sflag:s9] =	ssyncset.done $0x0  }
0xde: {  	[sflag:s9] =	ssyncadd.s32 $0xFFFFFB00  }
0xdf: {  	_ =	swait.ge [sflag:s9], $0x500  }
0xe0: {  	[sflag:s9] =	ssyncset.done $0x0  }
0xe1: {  	[sflag:s9] =	ssyncadd.s32 $0xFFFFFB00  }
0xe2: {  	_ =	swait.ge [sflag:s9], $0x500  }
0xe3: {  	[sflag:s9] =	ssyncset.done $0x0  }
0xe4: {  	[sflag:s9] =	ssyncadd.s32 $0xFFFFFB00  }
0xe5: {  	_ =	swait.ge [sflag:s9], $0x500  }
0xe6: {  	[sflag:s9] =	ssyncset.done $0x0  }
0xe7: {  	[sflag:s9] =	ssyncadd.s32 $0xFFFFFB00  }
0xe8: {  	_ =	swait.ge [sflag:s9], $0x500  }
0xe9: {  	[sflag:s9] =	ssyncset.done $0x0  }
0xea: {  	[sflag:s9] =	ssyncadd.s32 $0xFFFFFB00  }
0xeb: {  	_ =	swait.ge [sflag:s9], $0x500  }
0xec: {  	[sflag:s9] =	ssyncset.done $0x0  }
0xed: {  	[sflag:s9] =	ssyncadd.s32 $0xFFFFFB00  }
0xee: {  	_ =	swait.ge [sflag:s9], $0x500  }
0xef: {  	[sflag:s9] =	ssyncset.done $0x0  }
0xf0: {  	[sflag:s9] =	ssyncadd.s32 $0xFFFFFB00  }
0xf1: {  	_ =	swait.ge [sflag:s9], $0x500  }
0xf2: {  	[sflag:s9] =	ssyncset.done $0x0  }
0xf3: {  	[sflag:s9] =	ssyncadd.s32 $0xFFFFFB00  }
0xf4: {  	_ =	swait.ge [sflag:s9], $0x500  }
0xf5: {  	[sflag:s9] =	ssyncset.done $0x0  }
0xf6: {  	[sflag:s9] =	ssyncadd.s32 $0xFFFFFB00  }
0xf7: {  	_ =	swait.ge [sflag:s9], $0x500  }
0xf8: {  	[sflag:s9] =	ssyncset.done $0x0  }
0xf9: {  	[sflag:s9] =	ssyncadd.s32 $0xFFFFFB00  }
0xfa: {  	_ =	swait.ge [sflag:s9], $0x500  }
0xfb: {  	[sflag:s9] =	ssyncset.done $0x0  }
0xfc: {  	[sflag:s9] =	ssyncadd.s32 $0xFFFFFB00  }
0xfd: {  	_ =	swait.ge [sflag:s9], $0x500  }
0xfe: {  	[sflag:s9] =	ssyncset.done $0x0  }
0xff: {  	[sflag:s9] =	ssyncadd.s32 $0xFFFFFB00  }
0x100: {  	_ =	swait.ge [sflag:s9], $0x500  }
0x101: {  	[sflag:s9] =	ssyncset.done $0x0  }
0x102: {  	[sflag:s9] =	ssyncadd.s32 $0xFFFFFB00  }
0x103: {  	_ =	swait.ge [sflag:s9], $0x500  }
0x104: {  	[sflag:s9] =	ssyncset.done $0x0  }
0x105: {  	[sflag:s9] =	ssyncadd.s32 $0xFFFFFB00  }
0x106: {  	_ =	swait.ge [sflag:s9], $0x500  }
0x107: {  	[sflag:s9] =	ssyncset.done $0x0  }
0x108: {  	[sflag:s9] =	ssyncadd.s32 $0xFFFFFB00  }
0x109: {  	_ =	swait.ge [sflag:s9], $0x500  }
0x10a: {  	s20 =	smov.u32 s16;
	s16 =	sadd.s32 $0x1F40, s16;
	[sflag:s9] =	ssyncset.done $0x0  }
0x10b: {  	p0 =	sne.s32 s16, $0x9C40;
	[sflag:s9] =	ssyncadd.s32 $0xFFFFFB00  }
.Ltmp0:
0x10c: {  	_ =	swait.ge [sflag:s9], $0x500;
	(pc) =	sbr.rel @p0 .LBB2_2-.Ltmp0, $4  }
0x10d: {  	[sflag:s9] =	ssyncset.done $0x0  }
0x10e: {  	s15 =	sadd.s32 $0x1, s15;
	[sflag:s9] =	ssyncadd.s32 $0xFFFFFB00  }
0x10f: {  	s17 =	smov.u32 s12;
	s12 =	sadd.s32 $0xFA0, s12;
	_ =	swait.ge [sflag:s9], $0x500  }
0x110: {  	s14 =	smov.u32 s20;
	p1 =	slt.u32 s15, $0x2;
	[sflag:s9] =	ssyncset.done $0x0  }
0x111: {  	s18 =	simm.s32 @!p1 $0x2;
	[sflag:s9] =	ssyncadd.s32 $0xFFFFFB00  }
0x112: {  	[hbm4b:s17+s2] =	stream.linear.scatter [tilespmem:s13], [sflag:$0x2], $0x7D00, $0x38;
	[tilespmem:$0x12110] =	vst v63  }
0x113: {  	s24 =	sand.u32 $0x1, s15;
	_ =	swait.ge @!p1 [sflag:s18], $0x7D00  }
0x114: {  	p0 =	seq.s32 s24, $0x1;
	s16 =	rddreg [dreg:$0x3]  }
0x115: {  	[sflag:s18] =	ssyncset.done @!p1 $0x0;
	s16 =	simm.s32 @!p0 $0x0  }
0x116: {  	s14 =	sshra.s32 s14, $0x2;
	[sflag:s18] =	ssyncadd.s32 @!p1 $0xFFFF8300;
	s13 =	sadd.s32 $0x2710, s16  }
0x117: {  	[tilespmem:s13], [sflag:$0x1] =	stream.indirect.gather [hbm4b:s3+s8], $0x10, s14, s8, $0xb8;
	[tilespmem:$0x12110] =	vst v63  }
0x118: {  	s26 =	sadd.s32 $0x50, s14;
	s25 =	sadd.s32 $0x2C10, s16  }
0x119: {  	[tilespmem:s25], [sflag:$0x1] =	stream.indirect.gather [hbm4b:s3+s8], $0x10, s26, s8, $0xb8;
	[tilespmem:$0x12110] =	vst v63  }
0x11a: {  	s29 =	sadd.s32 $0xA0, s14;
	s28 =	sadd.s32 $0x3110, s16  }
0x11b: {  	[tilespmem:s28], [sflag:$0x1] =	stream.indirect.gather [hbm4b:s3+s8], $0x10, s29, s8, $0xb8;
	[tilespmem:$0x12110] =	vst v63  }
0x11c: {  	s31 =	sadd.s32 $0xF0, s14;
	s30 =	sadd.s32 $0x3610, s16  }
0x11d: {  	[tilespmem:s30], [sflag:$0x1] =	stream.indirect.gather [hbm4b:s3+s8], $0x10, s31, s8, $0xb8;
	[tilespmem:$0x12110] =	vst v63  }
0x11e: {  	s18 =	sadd.s32 $0x140, s14;
	s17 =	sadd.s32 $0x3B10, s16  }
0x11f: {  	[tilespmem:s17], [sflag:$0x1] =	stream.indirect.gather [hbm4b:s3+s8], $0x10, s18, s8, $0xb8;
	[tilespmem:$0x12110] =	vst v63  }
0x120: {  	s20 =	sadd.s32 $0x190, s14;
	s19 =	sadd.s32 $0x4010, s16  }
0x121: {  	[tilespmem:s19], [sflag:$0x1] =	stream.indirect.gather [hbm4b:s3+s8], $0x10, s20, s8, $0xb8;
	[tilespmem:$0x12110] =	vst v63  }
0x122: {  	s22 =	sadd.s32 $0x1E0, s14;
	s21 =	sadd.s32 $0x4510, s16  }
0x123: {  	[tilespmem:s21], [sflag:$0x1] =	stream.indirect.gather [hbm4b:s3+s8], $0x10, s22, s8, $0xb8;
	[tilespmem:$0x12110] =	vst v63  }
0x124: {  	s24 =	sadd.s32 $0x230, s14;
	s23 =	sadd.s32 $0x4A10, s16  }
0x125: {  	[tilespmem:s23], [sflag:$0x1] =	stream.indirect.gather [hbm4b:s3+s8], $0x10, s24, s8, $0xb8;
	[tilespmem:$0x12110] =	vst v63  }
0x126: {  	s25 =	sadd.s32 $0x4F10, s16;
	s26 =	sadd.s32 $0x280, s14  }
0x127: {  	[tilespmem:s25], [sflag:$0x1] =	stream.indirect.gather [hbm4b:s3+s8], $0x10, s26, s8, $0xb8;
	[tilespmem:$0x12110] =	vst v63  }
0x128: {  	s28 =	sadd.s32 $0x5410, s16;
	s29 =	sadd.s32 $0x2D0, s14  }
0x129: {  	[tilespmem:s28], [sflag:$0x1] =	stream.indirect.gather [hbm4b:s3+s8], $0x10, s29, s8, $0xb8;
	[tilespmem:$0x12110] =	vst v63  }
0x12a: {  	s30 =	sadd.s32 $0x5910, s16;
	s31 =	sadd.s32 $0x320, s14  }
0x12b: {  	[tilespmem:s30], [sflag:$0x1] =	stream.indirect.gather [hbm4b:s3+s8], $0x10, s31, s8, $0xb8;
	[tilespmem:$0x12110] =	vst v63  }
0x12c: {  	s17 =	sadd.s32 $0x5E10, s16;
	s18 =	sadd.s32 $0x370, s14  }
0x12d: {  	[tilespmem:s17], [sflag:$0x1] =	stream.indirect.gather [hbm4b:s3+s8], $0x10, s18, s8, $0xb8;
	[tilespmem:$0x12110] =	vst v63  }
0x12e: {  	s19 =	sadd.s32 $0x6310, s16;
	s20 =	sadd.s32 $0x3C0, s14  }
0x12f: {  	[tilespmem:s19], [sflag:$0x1] =	stream.indirect.gather [hbm4b:s3+s8], $0x10, s20, s8, $0xb8;
	[tilespmem:$0x12110] =	vst v63  }
0x130: {  	s21 =	sadd.s32 $0x6810, s16;
	s22 =	sadd.s32 $0x410, s14  }
0x131: {  	[tilespmem:s21], [sflag:$0x1] =	stream.indirect.gather [hbm4b:s3+s8], $0x10, s22, s8, $0xb8;
	[tilespmem:$0x12110] =	vst v63  }
0x132: {  	s23 =	sadd.s32 $0x6D10, s16;
	s24 =	sadd.s32 $0x460, s14  }
0x133: {  	[tilespmem:s23], [sflag:$0x1] =	stream.indirect.gather [hbm4b:s3+s8], $0x10, s24, s8, $0xb8;
	[tilespmem:$0x12110] =	vst v63  }
0x134: {  	s25 =	sadd.s32 $0x7210, s16;
	s26 =	sadd.s32 $0x4B0, s14  }
0x135: {  	[tilespmem:s25], [sflag:$0x1] =	stream.indirect.gather [hbm4b:s3+s8], $0x10, s26, s8, $0xb8;
	[tilespmem:$0x12110] =	vst v63  }
0x136: {  	s28 =	sadd.s32 $0x7710, s16;
	s29 =	sadd.s32 $0x500, s14  }
0x137: {  	[tilespmem:s28], [sflag:$0x1] =	stream.indirect.gather [hbm4b:s3+s8], $0x10, s29, s8, $0xb8;
	[tilespmem:$0x12110] =	vst v63  }
0x138: {  	s30 =	sadd.s32 $0x7C10, s16;
	s31 =	sadd.s32 $0x550, s14  }
0x139: {  	[tilespmem:s30], [sflag:$0x1] =	stream.indirect.gather [hbm4b:s3+s8], $0x10, s31, s8, $0xb8;
	[tilespmem:$0x12110] =	vst v63  }
0x13a: {  	s18 =	sadd.s32 $0x8110, s16;
	s19 =	sadd.s32 $0x5A0, s14  }
0x13b: {  	[tilespmem:s18], [sflag:$0x1] =	stream.indirect.gather [hbm4b:s3+s8], $0x10, s19, s8, $0xb8;
	[tilespmem:$0x12110] =	vst v63  }
0x13c: {  	s20 =	sadd.s32 $0x8610, s16;
	s21 =	sadd.s32 $0x5F0, s14  }
0x13d: {  	[tilespmem:s20], [sflag:$0x1] =	stream.indirect.gather [hbm4b:s3+s8], $0x10, s21, s8, $0xb8;
	[tilespmem:$0x12110] =	vst v63  }
0x13e: {  	s22 =	sadd.s32 $0x8B10, s16;
	s23 =	sadd.s32 $0x640, s14  }
0x13f: {  	[tilespmem:s22], [sflag:$0x1] =	stream.indirect.gather [hbm4b:s3+s8], $0x10, s23, s8, $0xb8;
	[tilespmem:$0x12110] =	vst v63  }
0x140: {  	s24 =	sadd.s32 $0x9010, s16;
	s25 =	sadd.s32 $0x690, s14  }
0x141: {  	[tilespmem:s24], [sflag:$0x1] =	stream.indirect.gather [hbm4b:s3+s8], $0x10, s25, s8, $0xb8;
	[tilespmem:$0x12110] =	vst v63  }
0x142: {  	s26 =	sadd.s32 $0x9510, s16;
	s28 =	sadd.s32 $0x6E0, s14  }
0x143: {  	[tilespmem:s26], [sflag:$0x1] =	stream.indirect.gather [hbm4b:s3+s8], $0x10, s28, s8, $0xb8;
	[tilespmem:$0x12110] =	vst v63  }
0x144: {  	s29 =	sadd.s32 $0x9A10, s16;
	s30 =	sadd.s32 $0x730, s14  }
0x145: {  	[tilespmem:s29], [sflag:$0x1] =	stream.indirect.gather [hbm4b:s3+s8], $0x10, s30, s8, $0xb8;
	[tilespmem:$0x12110] =	vst v63  }
0x146: {  	s31 =	sadd.s32 $0x9F10, s16;
	s14 =	sadd.s32 $0x780, s14  }
0x147: {  	[tilespmem:s31], [sflag:$0x1] =	stream.indirect.gather [hbm4b:s3+s8], $0x10, s14, s8, $0xb8;
	[tilespmem:$0x12110] =	vst v63  }
0x148: {  	_ =	swait.ge [sflag:s9], $0x500  }
0x149: {  	[sflag:s9] =	ssyncset.done $0x0  }
0x14a: {  	[sflag:s9] =	ssyncadd.s32 $0xFFFFFB00  }
0x14b: {  	_ =	swait.ge [sflag:s9], $0x500  }
0x14c: {  	[sflag:s9] =	ssyncset.done $0x0  }
0x14d: {  	[sflag:s9] =	ssyncadd.s32 $0xFFFFFB00  }
0x14e: {  	_ =	swait.ge [sflag:s9], $0x500  }
0x14f: {  	[sflag:s9] =	ssyncset.done $0x0  }
0x150: {  	[sflag:s9] =	ssyncadd.s32 $0xFFFFFB00  }
0x151: {  	_ =	swait.ge [sflag:s9], $0x500  }
0x152: {  	[sflag:s9] =	ssyncset.done $0x0  }
0x153: {  	[sflag:s9] =	ssyncadd.s32 $0xFFFFFB00  }
0x154: {  	_ =	swait.ge [sflag:s9], $0x500  }
0x155: {  	[sflag:s9] =	ssyncset.done $0x0  }
0x156: {  	[sflag:s9] =	ssyncadd.s32 $0xFFFFFB00  }
0x157: {  	_ =	swait.ge [sflag:s9], $0x500  }
0x158: {  	[sflag:s9] =	ssyncset.done $0x0  }
0x159: {  	[sflag:s9] =	ssyncadd.s32 $0xFFFFFB00  }
0x15a: {  	_ =	swait.ge [sflag:s9], $0x500  }
0x15b: {  	[sflag:s9] =	ssyncset.done $0x0  }
0x15c: {  	[sflag:s9] =	ssyncadd.s32 $0xFFFFFB00  }
0x15d: {  	_ =	swait.ge [sflag:s9], $0x500  }
0x15e: {  	[sflag:s9] =	ssyncset.done $0x0  }
0x15f: {  	[sflag:s9] =	ssyncadd.s32 $0xFFFFFB00  }
0x160: {  	_ =	swait.ge [sflag:s9], $0x500  }
0x161: {  	[sflag:s9] =	ssyncset.done $0x0  }
0x162: {  	[sflag:s9] =	ssyncadd.s32 $0xFFFFFB00  }
0x163: {  	_ =	swait.ge [sflag:s9], $0x500  }
0x164: {  	[sflag:s9] =	ssyncset.done $0x0  }
0x165: {  	[sflag:s9] =	ssyncadd.s32 $0xFFFFFB00  }
0x166: {  	_ =	swait.ge [sflag:s9], $0x500  }
0x167: {  	[sflag:s9] =	ssyncset.done $0x0  }
0x168: {  	[sflag:s9] =	ssyncadd.s32 $0xFFFFFB00  }
0x169: {  	_ =	swait.ge [sflag:s9], $0x500  }
0x16a: {  	[sflag:s9] =	ssyncset.done $0x0  }
0x16b: {  	[sflag:s9] =	ssyncadd.s32 $0xFFFFFB00  }
0x16c: {  	_ =	swait.ge [sflag:s9], $0x500  }
0x16d: {  	[sflag:s9] =	ssyncset.done $0x0  }
0x16e: {  	[sflag:s9] =	ssyncadd.s32 $0xFFFFFB00  }
0x16f: {  	_ =	swait.ge [sflag:s9], $0x500  }
0x170: {  	[sflag:s9] =	ssyncset.done $0x0  }
0x171: {  	[sflag:s9] =	ssyncadd.s32 $0xFFFFFB00  }
0x172: {  	_ =	swait.ge [sflag:s9], $0x500  }
0x173: {  	[sflag:s9] =	ssyncset.done $0x0  }
0x174: {  	[sflag:s9] =	ssyncadd.s32 $0xFFFFFB00  }
0x175: {  	_ =	swait.ge [sflag:s9], $0x500  }
0x176: {  	[sflag:s9] =	ssyncset.done $0x0  }
0x177: {  	[sflag:s9] =	ssyncadd.s32 $0xFFFFFB00  }
0x178: {  	_ =	swait.ge [sflag:s9], $0x500  }
0x179: {  	[sflag:s9] =	ssyncset.done $0x0  }
0x17a: {  	[sflag:s9] =	ssyncadd.s32 $0xFFFFFB00  }
0x17b: {  	_ =	swait.ge [sflag:s9], $0x500  }
0x17c: {  	[sflag:s9] =	ssyncset.done $0x0  }
0x17d: {  	[sflag:s9] =	ssyncadd.s32 $0xFFFFFB00  }
0x17e: {  	_ =	swait.ge [sflag:s9], $0x500  }
0x17f: {  	[sflag:s9] =	ssyncset.done $0x0  }
0x180: {  	[sflag:s9] =	ssyncadd.s32 $0xFFFFFB00  }
0x181: {  	_ =	swait.ge [sflag:s9], $0x500  }
0x182: {  	[sflag:s9] =	ssyncset.done $0x0  }
0x183: {  	[sflag:s9] =	ssyncadd.s32 $0xFFFFFB00  }
0x184: {  	_ =	swait.ge [sflag:s9], $0x500  }
0x185: {  	[sflag:s9] =	ssyncset.done $0x0  }
0x186: {  	[sflag:s9] =	ssyncadd.s32 $0xFFFFFB00  }
0x187: {  	_ =	swait.ge [sflag:s9], $0x500  }
0x188: {  	[sflag:s9] =	ssyncset.done $0x0  }
0x189: {  	[sflag:s9] =	ssyncadd.s32 $0xFFFFFB00  }
0x18a: {  	_ =	swait.ge [sflag:s9], $0x500  }
0x18b: {  	[sflag:s9] =	ssyncset.done $0x0  }
0x18c: {  	[sflag:s9] =	ssyncadd.s32 $0xFFFFFB00  }
0x18d: {  	_ =	swait.ge [sflag:s9], $0x500  }
0x18e: {  	[sflag:s9] =	ssyncset.done $0x0  }
0x18f: {  	[sflag:s9] =	ssyncadd.s32 $0xFFFFFB00  }
0x190: {  	_ =	swait.ge [sflag:s9], $0x500  }
0x191: {  	[sflag:s9] =	ssyncset.done $0x0  }
0x192: {  	s11 =	sadd.s32 $0x1, s11;
	[sflag:s9] =	ssyncadd.s32 $0xFFFFFB00  }
0x193: {  	[hbm4b:s12+s2] =	stream.linear.scatter [tilespmem:s13], [sflag:$0x2], $0x7D00, $0x38;
	[tilespmem:$0x12110] =	vst v63  }
0x194: {  	p0 =	sne.s32 s11, s5;
	_ =	swait.ge [sflag:s10], $0x7D00  }
.Ltmp1:
0x195: {  	[sflag:s10] =	ssyncset.done $0x0;
	(pc) =	sbr.rel @p0 .LBB2_1-.Ltmp1, $4  }
0x196: {  	[sflag:s10] =	ssyncadd.s32 $0xFFFF8300  }
0x197: {  	_ =	swait.ge [sflag:s10], $0x7D00  }
0x198: {  	[sflag:s10] =	ssyncset.done $0x0  }
0x199: {  	[sflag:s10] =	ssyncadd.s32 $0xFFFF8300  }
0x19a: {  	_ =	sfence.sel $0x180000  }
0x19b: {  	[bflag:$0x0] =	sbarrier.arrive $0xFFFF  }
0x19c: {  	p0 =	sne.s32 s1, $0x0;
	_ =	strace $0x90000047  }
0x19d: {  	s0 =	sadd.s32 @!p0 $0x100000, s0;
	[bflag:$0x2] =	sbarrier.arrive $0xFFFF  }
0x19e: {  	[sflag:s0] =	ssyncadd.tile.s32 @!p0 $0x1;
	_ =	shalt  }
.Lfunc_end2:
_tile_overlayer_lowered:
.L_overlay_start_2:
0x19f: {  	(tag) =	ssettag $0x2  }
0x1a0: {  	s0 =	rddreg [dreg:$0x0];
	s2 =	stileid.u32  }
0x1a1: {  	s1 =	rddreg [dreg:$0x1];
	p0 =	sne.s32 s2, $0x0  }
0x1a2: {  	s3 =	rddreg [dreg:$0x2];
	[bflag:$0x3] =	sbarrier.arrive $0xFFFF;
	s2 =	simm.s32 @!p0 $0x1C03  }
0x1a3: {  	[timem:s3], [sflag:s2] =	dma.local @!p0 [hbm:s0], s1  }
0x1a4: {  	s0 =	simm.s32 @!p0 $0x3  }
0x1a5: {  	_ =	swait.ge @!p0 [sflag:s0], s1  }
0x1a6: {  	s1 =	ssub.s32 @!p0 $0x0, s1;
	[sflag:s0] =	ssyncset.done @!p0 $0x0  }
0x1a7: {  	[sflag:s0] =	ssyncadd.s32 @!p0 s1  }
0x1a8: {  	[bflag:$0x3] =	sbarrier.arrive $0xFFFF  }
0x1a9: {  	_ =	shalt  }

// kernel: kernel.9.cloned.1.call-start
scs
__scs_entry_jumppad:
0x0: {  	(pc) =	sbr.rel $0x88, $3  }
0x1: {  	(tag) =	ssettag $0x0;
	lr =	simm.s32 $0x1  }
0x2: {  	[smem:$0x3F96] =	sst lr;
	_ =	strace $0xD0000000  }
0x3: {  	_ = 	snop  }
0x4: {  	_ = 	snop  }
0x5: {  	_ = 	snop  }
0x6: {  	_ = 	snop  }
0x7: {  	_ = 	snop  }
__scs_overlays_trampoline_lowered:
0x8: {  	[smem:$0x3FA5] =	sst s0  }
0x9: {  	[smem:$0x3FA6] =	sst s1  }
0xa: {  	[smem:$0x3FA7] =	sst s2  }
0xb: {  	[smem:$0x3FA8] =	sst s3  }
0xc: {  	[smem:$0x3FA9] =	sst s4  }
0xd: {  	[smem:$0x3FAA] =	sst s5  }
0xe: {  	[smem:$0x3FAB] =	sst s6  }
0xf: {  	[smem:$0x3FAC] =	sst s7  }
0x10: {  	[smem:$0x3FAD] =	sst s8  }
0x11: {  	[smem:$0x3FAE] =	sst s9;
	s0 =	simm.s32 @!p0 $0x0  }
0x12: {  	s1 =	sld [smem:$0x3F94];
	s0 =	simm.s32 @p0 $0x1  }
0x13: {  	[smem:$0x3FAF] =	sst s0;
	s0 =	simm.s32 @!p1 $0x0  }
0x14: {  	s2 =	sld [smem:$0x3F93];
	s0 =	simm.s32 @p1 $0x1  }
0x15: {  	[smem:$0x3FB0] =	sst s0;
	s0 =	simm.s32 @!p2 $0x0  }
0x16: {  	s3 =	sld [smem:$0x3FDB];
	s0 =	simm.s32 @p2 $0x1  }
0x17: {  	s4 =	simm.s32 $0x1BF5;
	[smem:$0x3FB2] =	sst s0  }
0x18: {  	s0 =	sld [smem:$0x3F95];
	_ =	swait.ge [sflag:s4], $0x0  }
0x19: {  	s7 =	sld [smem:$0x3F96]  }
0x1a: {  	s8 =	sadd.s32 $0xFFFFE003, lr  }
0x1b: {  	s9 =	sadd.s32 $0xFFFFFEF7, lr;
	s5 =	simm.s32 $0xFFFFFFFF;
	p2 =	slt.u32 s8, $0xFFFFF086  }
0x1c: {  	p1 =	slt.u32 s9, $0xF7A;
	s5 =	simm.s32 @!p2 $0x0  }
0x1d: {  	s5 =	simm.s32 @p1 $0x1;
	p0 =	seq.s32 s7, s2  }
0x1e: {  	s7 =	smul.u32 @!p0 $0xF7A, s2;
	p2 =	seq.s32 @!p0 s5, $0x0  }
0x1f: {  	s9 =	smul.u32 $0xF7A, s1;
	s8 =	simm.s32 @!p0 $0x1BF5;
	p2 =	por !p2, p0  }
0x20: {  	[sflag:s8] =	ssyncset.s32 @!p0 $0xFFFFF086;
	s6 =	sadd.s32 @!p0 s3, s7;
	s7 =	simm.s32 @!p0 $0x108  }
0x21: {  	s3 =	sadd.s32 s3, s9;
	s6 =	sadd.s32 @!p0 $0x88, s6;
	s7 =	simm.s32 @p2 $0x1082  }
0x22: {  	[simem:s7], [sflag:s8] =	dma.local @!p0 [hbm:s6], $0xF7A  }
0x23: {  	s9 =	sor.u32 $0xD0000000, s2;
	s6 =	simm.s32 $0x108;
	_ =	swait.ge @!p0 [sflag:s8], $0x0  }
0x24: {  	s3 =	sadd.s32 $0x88, s3;
	s6 =	simm.s32 @!p1 $0x1082;
	[sflag:s4] =	ssyncset.s32 $0xFFFFF086  }
0x25: {  	[simem:s6], [sflag:s4] =	dma.local [hbm:s3], $0xF7A  }
0x26: {  	[smem:$0x3F96] =	sst s1;
	(tag) =	ssettag s2;
	_ =	strace s9  }
0x27: {  	s1 =	sld [smem:$0x3FA6]  }
0x28: {  	s2 =	sld [smem:$0x3FA7]  }
0x29: {  	s4 =	sld [smem:$0x3FA9]  }
0x2a: {  	p0 =	seq.s32 s5, $0x0;
	s5 =	sld [smem:$0x3FAA]  }
0x2b: {  	s6 =	sld [smem:$0x3FAB]  }
0x2c: {  	s7 =	sld [smem:$0x3FAC]  }
0x2d: {  	s3 =	simm.s32 $0x108;
	s8 =	sld [smem:$0x3FAD]  }
0x2e: {  	s3 =	simm.s32 @!p0 $0x1082;
	s9 =	sld [smem:$0x3FAE]  }
0x2f: {  	lr =	sadd.s32 s0, s3;
	s0 =	sld [smem:$0x3FA5]  }
0x30: {  	s3 =	sld [smem:$0x3FA8]  }
0x31: {  	[smem:$0x3FB1] =	sst s10  }
0x32: {  	s10 =	sld [smem:$0x3FAF];
	_ =	sdelay $0x3  }
0x33: {  	p0 =	seq.s32 s10, $0x1;
	s10 =	sld [smem:$0x3FB1];
	_ =	sdelay $0x3  }
0x34: {  	[smem:$0x3FB1] =	sst s10  }
0x35: {  	s10 =	sld [smem:$0x3FB0];
	_ =	sdelay $0x3  }
0x36: {  	p1 =	seq.s32 s10, $0x1;
	s10 =	sld [smem:$0x3FB1];
	_ =	sdelay $0x3  }
0x37: {  	[smem:$0x3FB1] =	sst s10  }
0x38: {  	s10 =	sld [smem:$0x3FB2]  }
0x39: {  	_ = 	snop;
	(pc) =	sbr.ind lr, $3  }
0x3a: {  	_ = 	snop  }
0x3b: {  	_ = 	snop  }
0x3c: {  	p2 =	seq.s32 s10, $0x1;
	s10 =	sld [smem:$0x3FB1]  }
0x3d: {  	_ =	shalt  }
0x3e: {  	_ =	shalt  }
0x3f: {  	_ =	shalt  }
0x40: {  	_ =	shalt  }
0x41: {  	_ =	shalt  }
0x42: {  	_ =	shalt  }
0x43: {  	_ =	shalt  }
0x44: {  	_ =	shalt  }
0x45: {  	_ =	shalt  }
0x46: {  	_ =	shalt  }
0x47: {  	_ =	shalt  }
0x48: {  	_ =	shalt  }
0x49: {  	_ =	shalt  }
0x4a: {  	_ =	shalt  }
0x4b: {  	_ =	shalt  }
0x4c: {  	_ =	shalt  }
0x4d: {  	_ =	shalt  }
0x4e: {  	_ =	shalt  }
0x4f: {  	_ =	shalt  }
0x50: {  	_ =	shalt  }
0x51: {  	_ =	shalt  }
0x52: {  	_ =	shalt  }
0x53: {  	_ =	shalt  }
0x54: {  	_ =	shalt  }
0x55: {  	_ =	shalt  }
0x56: {  	_ =	shalt  }
0x57: {  	_ =	shalt  }
0x58: {  	_ =	shalt  }
0x59: {  	_ =	shalt  }
0x5a: {  	_ =	shalt  }
0x5b: {  	_ =	shalt  }
0x5c: {  	_ =	shalt  }
0x5d: {  	_ =	shalt  }
0x5e: {  	_ =	shalt  }
0x5f: {  	_ =	shalt  }
0x60: {  	_ =	shalt  }
0x61: {  	_ =	shalt  }
0x62: {  	_ =	shalt  }
0x63: {  	_ =	shalt  }
0x64: {  	_ =	shalt  }
0x65: {  	_ =	shalt  }
0x66: {  	_ =	shalt  }
0x67: {  	_ =	shalt  }
0x68: {  	_ =	shalt  }
0x69: {  	_ =	shalt  }
0x6a: {  	_ =	shalt  }
0x6b: {  	_ =	shalt  }
0x6c: {  	_ =	shalt  }
0x6d: {  	_ =	shalt  }
0x6e: {  	_ =	shalt  }
0x6f: {  	_ =	shalt  }
0x70: {  	_ =	shalt  }
0x71: {  	_ =	shalt  }
0x72: {  	_ =	shalt  }
0x73: {  	_ =	shalt  }
0x74: {  	_ =	shalt  }
0x75: {  	_ =	shalt  }
0x76: {  	_ =	shalt  }
0x77: {  	_ =	shalt  }
0x78: {  	_ =	shalt  }
0x79: {  	_ =	shalt  }
0x7a: {  	_ =	shalt  }
0x7b: {  	_ =	shalt  }
0x7c: {  	_ =	shalt  }
0x7d: {  	_ =	shalt  }
0x7e: {  	_ =	shalt  }
0x7f: {  	_ =	shalt  }
0x80: {  	_ =	shalt  }
0x81: {  	_ =	shalt  }
0x82: {  	_ =	shalt  }
0x83: {  	_ =	shalt  }
0x84: {  	_ =	shalt  }
0x85: {  	_ =	shalt  }
0x86: {  	_ =	shalt  }
0x87: {  	_ =	shalt  }
.Lfunc_end0:
.L_simem_size_0:
called_computation.1_lowered:
.L_overlay_start_0:
0x88: {  	s2 =	sld [smem:$0x3FD9]  }
0x89: {  	s3 =	sld [smem:$0x3FFE];
	_ =	sdelay $0x1  }
0x8a: {  	s1 =	srdreg.scid  }
0x8b: {  	s0 =	sand.u32 $0x1, s1  }
0x8c: {  	s17 =	sshll.u32 s0, $0xA;
	s2 =	sadd.s32 s3, s2  }
0x8d: {  	s2 =	sadd.s32 s2, s17  }
0x8e: {  	[smem:$0x3FBD] =	sst s2  }
0x8f: {  	_ = 	snop  }
0x90: {  	s2 =	sld [smem:$0x3FD0];
	(tm) =	ssettm $0x1  }
0x91: {  	s18 =	sld [smem:$0x3FFB];
	_ =	sdelay $0x3  }
0x92: {  	_ =	strace s18  }
0x93: {  	s3 =	sld [smem:$0x3FFC];
	_ =	sdelay $0x3  }
0x94: {  	_ =	strace s3  }
0x95: {  	s3 =	sld [smem:$0x3FFD];
	_ =	sdelay $0x3  }
0x96: {  	_ =	strace s3  }
0x97: {  	_ =	strace $0x8FFFFFFF  }
0x98: {  	s19 =	sld [smem:$0x3FDB];
	_ =	sdelay $0x1  }
0x99: {  	s4 =	simm.s32 $_scs_section_size  }
0x9a: {  	s5 =	simm.s32 $_size__tile_overlayer_lowered;
	s6 =	simm.s32 $_tile_overlayer_lowered  }
0x9b: {  	s22 =	simm.s32 $0x1BFF;
	s21 =	sshll.u32 s6, $0x1;
	s3 =	sadd.s32 s4, s19  }
0x9c: {  	s7 =	simm.s32 $0x0;
	s20 =	sshll.u32 s5, $0x1;
	s5 =	sadd.s32 s21, s3  }
0x9d: {  	[timem:s7], [sflag:s22] =	dma.local [hbm:s5], s20  }
0x9e: {  	_ =	swait.ge [sflag:s22], s20  }
0x9f: {  	s4 =	ssub.s32 $0x0, s20;
	[sflag:s22] =	ssyncset.done $0x0  }
0xa0: {  	[sflag:s22] =	ssyncadd.s32 s4;
	_ =	sdelay $0x1  }
0xa1: {  	s23 =	simm.s32 $0x1B8B  }
0xa2: {  	_ =	swait.ge [sflag:s23], $0x1  }
0xa3: {  	[sflag:s23] =	ssyncset.done $0x0  }
0xa4: {  	s25 =	simm.s32 $0x1B8E;
	s24 =	sld [smem:$0x3FFE];
	[sflag:s23] =	ssyncadd.s32 $0xFFFFFFFF  }
0xa5: {  	s26 =	simm.s32 $execute0_lowered;
	[smem:$0x3FD2] =	sst s25  }
0xa6: {  	s5 =	sshll.u32 s26, $0x1;
	_ =	strace $0x80000049;
	[dreg:$0x1] =	wrdreg $0xFFFFFFFF  }
0xa7: {  	s28 =	simm.s32 $_size_execute0_lowered;
	s3 =	sadd.s32 s3, s5;
	[dreg:$0x0] =	wrdreg $0x0  }
0xa8: {  	s5 =	sshll.u32 s28, $0x1;
	[dreg:$0x2] =	wrdreg s3  }
0xa9: {  	[dreg:$0x3] =	wrdreg s5  }
0xaa: {  	[dreg:$0x4] =	wrdreg $0xC0  }
0xab: {  	_ =	task [dreg:s7], $0x5FFFF  }
0xac: {  	[dreg:$0x1] =	wrdreg $0xFFFFFFFF  }
0xad: {  	[dreg:$0x0] =	wrdreg $0x60  }
0xae: {  	[dreg:$0x2] =	wrdreg s24  }
0xaf: {  	[dreg:$0x3] =	wrdreg s2  }
0xb0: {  	[dreg:$0x4] =	wrdreg $0x122000  }
0xb1: {  	[dreg:$0x5] =	wrdreg $0x9  }
0xb2: {  	_ =	task.clear_ibuf [dreg:s7], $0x6FFFF;
	_ =	strace $0x90000049  }
0xb3: {  	s29 =	simm.s32 $0x9;
	_ =	strace $0x8000004B  }
0xb4: {  	_ =	swait.ge [sflag:s29], $0x1  }
0xb5: {  	[sflag:s29] =	ssyncadd.s32 $0xFFFFFFFF  }
0xb6: {  	_ =	strace $0x9000004B  }
0xb7: {  	_ =	sfence  }
0xb8: {  	s30 =	sld [smem:$0x0];
	_ =	sdelay $0x2  }
0xb9: {  	s31 =	sshll.u32 s1, $0xD;
	s1 =	sshrl.u32 s1, $0x2  }
0xba: {  	s3 =	sand.u32 $0x4000, s31;
	s1 =	sadd.s32 s1, s30  }
0xbb: {  	s0 =	sor.u32 s3, s0;
	s1 =	sshll.u32 s1, $0x11  }
0xbc: {  	s0 =	sor.u32 s1, s0  }
0xbd: {  	s0 =	sadd.s32 $0x8F2B, s0  }
0xbe: {  	[sflag:s0] =	ssyncadd.remote.s32 $0x1  }
0xbf: {  	_ =	sfence.sel $0xFFFF  }
0xc0: {  	[dreg:$0x0] =	wrdreg $0xFFFFFFFF;
	(pc) =	sbr.abs _section_cstart, $3  }
0xc1: {  	[dreg:$0x1] =	wrdreg $0xFFFFFFFF  }
0xc2: {  	_ =	task.clear_ibuf [dreg:s7], $0x2FFFF;
	_ =	strace $0x9FFFFFFF  }
0xc3: {  	(tm) =	ssettm $0x7FFFFFFF  }
tec
execute0_lowered:
.L_overlay_start_1:
0x0: {  	(tag) =	ssettag $0x1  }
0x1: {  	s0 =	rddreg [dreg:$0x0]  }
0x2: {  	s1 =	rddreg [dreg:$0x1]  }
0x3: {  	s2 =	rddreg [dreg:$0x2]  }
0x4: {  	s3 =	srdreg.scid;
	s13 =	stileid.u32  }
0x5: {  	s14 =	simm.s32 $0x2800;
	s15 =	simm.s32 $0x1;
	s16 =	simm.s32 $0x7D  }
0x6: {  	s17 =	simm.s32 $0x2;
	s29 =	simm.s32 $0x2680;
	s30 =	simm.s32 $0xF320  }
0x7: {  	s31 =	simm.s32 $0x2700;
	s18 =	simm.s32 $0x11260;
	s19 =	simm.s32 $0x0  }
0x8: {  	s5 =	sand.u32 $0x1, s3;
	s7 =	smul.u32 $0x4E20, s13;
	s3 =	simm.s32 $0x0  }
0x9: {  	s4 =	sshll.u32 s13, $0x1;
	s11 =	sadd.s32 $0xAD600, s0;
	s25 =	sshll.u32 s13, $0x6  }
0xa: {  	s13 =	simm.s32 $0x3;
	s6 =	smul.u32 $0x4E200, s5;
	[smem:$0x7FF] =	sst s3  }
0xb: {  	s8 =	sor.u32 s5, s4;
	s9 =	ssub.s32 $0x2, s5;
	s23 =	smul.u32 $0x2710, s5  }
0xc: {  	_ =	strace $0x8000004A;
	s4 =	smul.u32 $0x500, s8;
	s22 =	sshrl.u32 s9, $0x1  }
0xd: {  	s24 =	sshrl.u32 s7, $0x3;
	s8 =	smul.u32 $0x9C40, s8;
	s6 =	sadd.s32 s7, s6  }
0xe: {  	s12 =	ssub.s32 s9, s22;
	s5 =	sadd.s32 s1, s24;
	s26 =	sadd.s32 s23, s7  }
0xf: {  	s6 =	sshrl.u32 s6, $0x3;
	s10 =	sadd.s32 s4, s0;
	s4 =	sadd.s32 s7, s2  }
0x10: {  	s8 =	sadd.s32 s11, s8;
	s1 =	sshll.u32 s26, $0x2;
	s0 =	sadd.s32 s6, s0  }
0x11: {  	s6 =	sor.u32 $0x1C03, s25;
	s7 =	sadd.s32 $0xA3600, s10;
	s10 =	smax.u32 s12, $0x1  }
0x12: {  	s28 =	sadd.s32 s11, s1;
	s12 =	sshrl.u32 s4, $0x3;
	s1 =	simm.s32 $0x2780  }
0x13: {  	s9 =	sadd.s32 $0x2200, s0;
	s23 =	sadd.s32 $0xFA0, s28;
	s0 =	simm.s32 $0x102C0  }
.LBB2_1:
0x14: {  	[spmem:s12], [sflag:s6] =	dma.local [hbm:s5], $0x9C4  }
0x15: {  	_ =	swait.ge [sflag:s13], $0x9C4  }
0x16: {  	[sflag:s13] =	ssyncset.done $0x0  }
0x17: {  	[sflag:s13] =	ssyncadd.s32 $0xFFFFF63C  }
0x18: {  	[tilespmem:s3], [sflag:$0x3] =	stream.linear.gather [hbm4b:s7+s3], $0x2800, $0x38;
	[tilespmem:$0x17020] =	vst v63  }
0x19: {  	_ =	swait.ge [sflag:s13], $0x2800  }
0x1a: {  	s11 =	sand.u32 $0x1, s3;
	[sflag:s13] =	ssyncset.done $0x0  }
0x1b: {  	s20 =	sxor.u32 $0x1, s11;
	[sflag:s13] =	ssyncadd.s32 $0xFFFFD800  }
0x1c: {  	s20 =	smul.u32 $0x1F400, s20;
	[bflag:$0x0] =	sbarrier.arrive $0xFFFF  }
0x1d: {  	[tilespmem:s14], [sflag:$0x1] =	stream.linear.gather [hbm4b:s8+s3], $0x7D00, $0x38;
	[tilespmem:$0x17020] =	vst v63  }
0x1e: {  	s11 =	smul.u32 $0x1F400, s11;
	_ =	swait.ge [sflag:s15], $0x7D00  }
0x1f: {  	s20 =	sshrl.u32 s20, $0x2;
	[sflag:s15] =	ssyncset.done $0x0  }
0x20: {  	s11 =	sshrl.u32 s11, $0x2;
	s20 =	sadd.s32 $0x2800, s20;
	[sflag:s15] =	ssyncadd.s32 $0xFFFF8300  }
0x21: {  	[tilespmem:s20], [sflag:$0x1] =	stream.linear.gather [hbm4b:s23+s3], $0x7D00, $0x38;
	[tilespmem:$0x17020] =	vst v63  }
0x22: {  	s21 =	simm.s32 $0x0;
	s25 =	sadd.s32 $0x2800, s11  }
0x23: {  	[spmem:s2] =	stream.indirect.scatter.add.f32 [tilespmem:s25], [sflag:$0x2], $0x20, s21, s16, $0xb8;
	[tilespmem:$0x17020] =	vst v63  }
0x24: {  	s28 =	simm.s32 $0x80;
	s26 =	sadd.s32 $0x37A0, s11  }
0x25: {  	[spmem:s2] =	stream.indirect.scatter.add.f32 [tilespmem:s26], [sflag:$0x2], $0x20, s28, s16, $0xb8;
	[tilespmem:$0x17020] =	vst v63  }
0x26: {  	s22 =	simm.s32 $0x100;
	s21 =	sadd.s32 $0x4740, s11  }
0x27: {  	[spmem:s2] =	stream.indirect.scatter.add.f32 [tilespmem:s21], [sflag:$0x2], $0x20, s22, s16, $0xb8;
	[tilespmem:$0x17020] =	vst v63  }
0x28: {  	s24 =	sadd.s32 $0x56E0, s11;
	s25 =	simm.s32 $0x180  }
0x29: {  	[spmem:s2] =	stream.indirect.scatter.add.f32 [tilespmem:s24], [sflag:$0x2], $0x20, s25, s16, $0xb8;
	[tilespmem:$0x17020] =	vst v63  }
0x2a: {  	s26 =	sadd.s32 $0x6680, s11;
	s28 =	simm.s32 $0x200  }
0x2b: {  	[spmem:s2] =	stream.indirect.scatter.add.f32 [tilespmem:s26], [sflag:$0x2], $0x20, s28, s16, $0xb8;
	[tilespmem:$0x17020] =	vst v63  }
0x2c: {  	s21 =	sadd.s32 $0x7620, s11;
	s22 =	simm.s32 $0x280  }
0x2d: {  	[spmem:s2] =	stream.indirect.scatter.add.f32 [tilespmem:s21], [sflag:$0x2], $0x20, s22, s16, $0xb8;
	[tilespmem:$0x17020] =	vst v63  }
0x2e: {  	s24 =	sadd.s32 $0x85C0, s11;
	s25 =	simm.s32 $0x300  }
0x2f: {  	[spmem:s2] =	stream.indirect.scatter.add.f32 [tilespmem:s24], [sflag:$0x2], $0x20, s25, s16, $0xb8;
	[tilespmem:$0x17020] =	vst v63  }
0x30: {  	s11 =	sadd.s32 $0x9560, s11;
	s26 =	simm.s32 $0x380  }
0x31: {  	[spmem:s2] =	stream.indirect.scatter.add.f32 [tilespmem:s11], [sflag:$0x2], $0x20, s26, s16, $0xb8;
	[tilespmem:$0x17020] =	vst v63  }
0x32: {  	_ =	swait.ge [sflag:s17], $0xFA0  }
0x33: {  	[sflag:s17] =	ssyncset.done $0x0  }
0x34: {  	[sflag:s17] =	ssyncadd.s32 $0xFFFFF060  }
0x35: {  	_ =	swait.ge [sflag:s17], $0xFA0  }
0x36: {  	[sflag:s17] =	ssyncset.done $0x0  }
0x37: {  	[sflag:s17] =	ssyncadd.s32 $0xFFFFF060  }
0x38: {  	_ =	swait.ge [sflag:s17], $0xFA0  }
0x39: {  	[sflag:s17] =	ssyncset.done $0x0  }
0x3a: {  	[sflag:s17] =	ssyncadd.s32 $0xFFFFF060  }
0x3b: {  	_ =	swait.ge [sflag:s17], $0xFA0  }
0x3c: {  	[sflag:s17] =	ssyncset.done $0x0  }
0x3d: {  	[sflag:s17] =	ssyncadd.s32 $0xFFFFF060  }
0x3e: {  	_ =	swait.ge [sflag:s17], $0xFA0  }
0x3f: {  	[sflag:s17] =	ssyncset.done $0x0  }
0x40: {  	[sflag:s17] =	ssyncadd.s32 $0xFFFFF060  }
0x41: {  	_ =	swait.ge [sflag:s17], $0xFA0  }
0x42: {  	[sflag:s17] =	ssyncset.done $0x0  }
0x43: {  	[sflag:s17] =	ssyncadd.s32 $0xFFFFF060  }
0x44: {  	_ =	swait.ge [sflag:s17], $0xFA0  }
0x45: {  	s21 =	simm.s32 $0x1;
	[sflag:s17] =	ssyncset.done $0x0  }
0x46: {  	s20 =	simm.s32 $0x1000;
	s28 =	sand.u32 $0x1, s21;
	[sflag:s17] =	ssyncadd.s32 $0xFFFFF060  }
0x47: {  	s22 =	simm.s32 $0x2000;
	s25 =	sxor.u32 $0x1, s28;
	_ =	swait.ge [sflag:s17], $0xFA0  }
0x48: {  	s24 =	smul.u32 $0x1F400, s28;
	s11 =	smov.u32 s23;
	[sflag:s17] =	ssyncset.done $0x0  }
.LBB2_2:
0x49: {  	s25 =	smul.u32 $0x1F400, s25  }
0x4a: {  	[sflag:s17] =	ssyncadd.s32 $0xFFFFF060;
	s11 =	sadd.s32 $0xFA0, s11;
	s26 =	smov.u32 s22  }
0x4b: {  	p0 =	sne.s32 s22, $0x8000;
	_ =	swait.ge [sflag:s15], $0x7D00;
	s24 =	sshrl.u32 s24, $0x2  }
0x4c: {  	s22 =	sadd.s32 $0x1000, s22;
	[sflag:s15] =	ssyncset.done $0x0;
	s25 =	sshrl.u32 s25, $0x2  }
0x4d: {  	[sflag:s15] =	ssyncadd.s32 $0xFFFF8300;
	s25 =	sadd.s32 $0x2800, s25  }
0x4e: {  	[tilespmem:s25], [sflag:$0x1] =	stream.linear.gather [hbm4b:s11+s3], $0x7D00, $0x38;
	[tilespmem:$0x17020] =	vst v63  }
0x4f: {  	s28 =	sshra.s32 s20, $0x2;
	s20 =	smov.u32 s26;
	s25 =	sadd.s32 $0x2800, s24  }
0x50: {  	[spmem:s2] =	stream.indirect.scatter.add.f32 [tilespmem:s25], [sflag:$0x2], $0x20, s28, s16, $0xb8;
	[tilespmem:$0x17020] =	vst v63  }
0x51: {  	s26 =	sadd.s32 $0x80, s28;
	s25 =	sadd.s32 $0x37A0, s24  }
0x52: {  	[spmem:s2] =	stream.indirect.scatter.add.f32 [tilespmem:s25], [sflag:$0x2], $0x20, s26, s16, $0xb8;
	[tilespmem:$0x17020] =	vst v63  }
0x53: {  	s25 =	sadd.s32 $0x4740, s24;
	s26 =	sadd.s32 $0x100, s28  }
0x54: {  	[spmem:s2] =	stream.indirect.scatter.add.f32 [tilespmem:s25], [sflag:$0x2], $0x20, s26, s16, $0xb8;
	[tilespmem:$0x17020] =	vst v63  }
0x55: {  	s25 =	sadd.s32 $0x56E0, s24;
	s26 =	sadd.s32 $0x180, s28  }
0x56: {  	[spmem:s2] =	stream.indirect.scatter.add.f32 [tilespmem:s25], [sflag:$0x2], $0x20, s26, s16, $0xb8;
	[tilespmem:$0x17020] =	vst v63  }
0x57: {  	s25 =	sadd.s32 $0x6680, s24;
	s26 =	sadd.s32 $0x200, s28  }
0x58: {  	[spmem:s2] =	stream.indirect.scatter.add.f32 [tilespmem:s25], [sflag:$0x2], $0x20, s26, s16, $0xb8;
	[tilespmem:$0x17020] =	vst v63  }
0x59: {  	s25 =	sadd.s32 $0x7620, s24;
	s26 =	sadd.s32 $0x280, s28  }
0x5a: {  	[spmem:s2] =	stream.indirect.scatter.add.f32 [tilespmem:s25], [sflag:$0x2], $0x20, s26, s16, $0xb8;
	[tilespmem:$0x17020] =	vst v63  }
0x5b: {  	s25 =	sadd.s32 $0x85C0, s24;
	s26 =	sadd.s32 $0x300, s28  }
0x5c: {  	[spmem:s2] =	stream.indirect.scatter.add.f32 [tilespmem:s25], [sflag:$0x2], $0x20, s26, s16, $0xb8;
	[tilespmem:$0x17020] =	vst v63  }
0x5d: {  	s24 =	sadd.s32 $0x9560, s24;
	s25 =	sadd.s32 $0x380, s28  }
0x5e: {  	[spmem:s2] =	stream.indirect.scatter.add.f32 [tilespmem:s24], [sflag:$0x2], $0x20, s25, s16, $0xb8;
	[tilespmem:$0x17020] =	vst v63  }
0x5f: {  	_ =	swait.ge [sflag:s17], $0xFA0  }
0x60: {  	[sflag:s17] =	ssyncset.done $0x0  }
0x61: {  	[sflag:s17] =	ssyncadd.s32 $0xFFFFF060  }
0x62: {  	_ =	swait.ge [sflag:s17], $0xFA0  }
0x63: {  	[sflag:s17] =	ssyncset.done $0x0  }
0x64: {  	[sflag:s17] =	ssyncadd.s32 $0xFFFFF060  }
0x65: {  	_ =	swait.ge [sflag:s17], $0xFA0  }
0x66: {  	[sflag:s17] =	ssyncset.done $0x0  }
0x67: {  	[sflag:s17] =	ssyncadd.s32 $0xFFFFF060  }
0x68: {  	_ =	swait.ge [sflag:s17], $0xFA0  }
0x69: {  	[sflag:s17] =	ssyncset.done $0x0  }
0x6a: {  	[sflag:s17] =	ssyncadd.s32 $0xFFFFF060  }
0x6b: {  	_ =	swait.ge [sflag:s17], $0xFA0  }
0x6c: {  	[sflag:s17] =	ssyncset.done $0x0  }
0x6d: {  	[sflag:s17] =	ssyncadd.s32 $0xFFFFF060  }
0x6e: {  	_ =	swait.ge [sflag:s17], $0xFA0  }
0x6f: {  	[sflag:s17] =	ssyncset.done $0x0  }
0x70: {  	[sflag:s17] =	ssyncadd.s32 $0xFFFFF060  }
.Ltmp0:
0x71: {  	_ =	swait.ge [sflag:s17], $0xFA0;
	(pc) =	sbr.rel @p0 .LBB2_2-.Ltmp0, $4  }
0x72: {  	[sflag:s17] =	ssyncset.done $0x0  }
0x73: {  	s21 =	sadd.s32 $0x1, s21;
	[sflag:s17] =	ssyncadd.s32 $0xFFFFF060  }
0x74: {  	s24 =	sand.u32 $0x1, s21;
	_ =	swait.ge [sflag:s17], $0xFA0  }
0x75: {  	s25 =	sxor.u32 $0x1, s24;
	s24 =	smul.u32 $0x1F400, s24;
	[sflag:s17] =	ssyncset.done $0x0  }
0x76: {  	s21 =	smul.u32 $0x1F400, s25;
	[sflag:s17] =	ssyncadd.s32 $0xFFFFF060  }
0x77: {  	_ =	swait.ge [sflag:s15], $0x7D00  }
0x78: {  	s11 =	sadd.s32 $0xFA0, s11;
	[sflag:s15] =	ssyncset.done $0x0;
	s21 =	sshrl.u32 s21, $0x2  }
0x79: {  	s22 =	sshrl.u32 s24, $0x2;
	[sflag:s15] =	ssyncadd.s32 $0xFFFF8300;
	s21 =	sadd.s32 $0x2800, s21  }
0x7a: {  	[tilespmem:s21], [sflag:$0x1] =	stream.linear.gather [hbm4b:s11+s3], $0x7D00, $0x38;
	[tilespmem:$0x17020] =	vst v63  }
0x7b: {  	s20 =	sshra.s32 s20, $0x2;
	s21 =	sadd.s32 $0x2800, s22  }
0x7c: {  	[spmem:s2] =	stream.indirect.scatter.add.f32 [tilespmem:s21], [sflag:$0x2], $0x20, s20, s16, $0xb8;
	[tilespmem:$0x17020] =	vst v63  }
0x7d: {  	s25 =	sadd.s32 $0x80, s20;
	s24 =	sadd.s32 $0x37A0, s22  }
0x7e: {  	[spmem:s2] =	stream.indirect.scatter.add.f32 [tilespmem:s24], [sflag:$0x2], $0x20, s25, s16, $0xb8;
	[tilespmem:$0x17020] =	vst v63  }
0x7f: {  	s28 =	sadd.s32 $0x100, s20;
	s26 =	sadd.s32 $0x4740, s22  }
0x80: {  	[spmem:s2] =	stream.indirect.scatter.add.f32 [tilespmem:s26], [sflag:$0x2], $0x20, s28, s16, $0xb8;
	[tilespmem:$0x17020] =	vst v63  }
0x81: {  	s24 =	sadd.s32 $0x56E0, s22;
	s25 =	sadd.s32 $0x180, s20  }
0x82: {  	[spmem:s2] =	stream.indirect.scatter.add.f32 [tilespmem:s24], [sflag:$0x2], $0x20, s25, s16, $0xb8;
	[tilespmem:$0x17020] =	vst v63  }
0x83: {  	s26 =	sadd.s32 $0x6680, s22;
	s28 =	sadd.s32 $0x200, s20  }
0x84: {  	[spmem:s2] =	stream.indirect.scatter.add.f32 [tilespmem:s26], [sflag:$0x2], $0x20, s28, s16, $0xb8;
	[tilespmem:$0x17020] =	vst v63  }
0x85: {  	s24 =	sadd.s32 $0x7620, s22;
	s25 =	sadd.s32 $0x280, s20  }
0x86: {  	[spmem:s2] =	stream.indirect.scatter.add.f32 [tilespmem:s24], [sflag:$0x2], $0x20, s25, s16, $0xb8;
	[tilespmem:$0x17020] =	vst v63  }
0x87: {  	s26 =	sadd.s32 $0x85C0, s22;
	s28 =	sadd.s32 $0x300, s20  }
0x88: {  	[spmem:s2] =	stream.indirect.scatter.add.f32 [tilespmem:s26], [sflag:$0x2], $0x20, s28, s16, $0xb8;
	[tilespmem:$0x17020] =	vst v63  }
0x89: {  	s22 =	sadd.s32 $0x9560, s22;
	s20 =	sadd.s32 $0x380, s20  }
0x8a: {  	[spmem:s2] =	stream.indirect.scatter.add.f32 [tilespmem:s22], [sflag:$0x2], $0x20, s20, s16, $0xb8;
	[tilespmem:$0x17020] =	vst v63  }
0x8b: {  	_ =	swait.ge [sflag:s17], $0xFA0  }
0x8c: {  	[sflag:s17] =	ssyncset.done $0x0  }
0x8d: {  	[sflag:s17] =	ssyncadd.s32 $0xFFFFF060  }
0x8e: {  	_ =	swait.ge [sflag:s17], $0xFA0  }
0x8f: {  	[sflag:s17] =	ssyncset.done $0x0  }
0x90: {  	[sflag:s17] =	ssyncadd.s32 $0xFFFFF060  }
0x91: {  	_ =	swait.ge [sflag:s17], $0xFA0  }
0x92: {  	[sflag:s17] =	ssyncset.done $0x0  }
0x93: {  	[sflag:s17] =	ssyncadd.s32 $0xFFFFF060  }
0x94: {  	_ =	swait.ge [sflag:s17], $0xFA0  }
0x95: {  	[sflag:s17] =	ssyncset.done $0x0  }
0x96: {  	[sflag:s17] =	ssyncadd.s32 $0xFFFFF060  }
0x97: {  	_ =	swait.ge [sflag:s17], $0xFA0  }
0x98: {  	[sflag:s17] =	ssyncset.done $0x0  }
0x99: {  	[sflag:s17] =	ssyncadd.s32 $0xFFFFF060  }
0x9a: {  	_ =	swait.ge [sflag:s17], $0xFA0  }
0x9b: {  	[sflag:s17] =	ssyncset.done $0x0  }
0x9c: {  	[sflag:s17] =	ssyncadd.s32 $0xFFFFF060  }
0x9d: {  	_ =	swait.ge [sflag:s17], $0xFA0  }
0x9e: {  	[sflag:s17] =	ssyncset.done $0x0  }
0x9f: {  	[sflag:s17] =	ssyncadd.s32 $0xFFFFF060  }
0xa0: {  	_ =	swait.ge [sflag:s17], $0xFA0  }
0xa1: {  	[sflag:s17] =	ssyncset.done $0x0  }
0xa2: {  	[sflag:s17] =	ssyncadd.s32 $0xFFFFF060  }
0xa3: {  	_ =	swait.ge [sflag:s15], $0x7D00  }
0xa4: {  	[sflag:s15] =	ssyncset.done $0x0  }
0xa5: {  	s24 =	simm.s32 $0x2400;
	s25 =	simm.s32 $0xA500;
	[sflag:s15] =	ssyncadd.s32 $0xFFFF8300  }
0xa6: {  	[spmem:s2] =	stream.indirect.scatter.add.f32 [tilespmem:s25], [sflag:$0x2], $0x20, s24, s16, $0xb8;
	[tilespmem:$0x17020] =	vst v63  }
0xa7: {  	s26 =	simm.s32 $0x2480;
	s28 =	simm.s32 $0xB4A0  }
0xa8: {  	[spmem:s2] =	stream.indirect.scatter.add.f32 [tilespmem:s28], [sflag:$0x2], $0x20, s26, s16, $0xb8;
	[tilespmem:$0x17020] =	vst v63  }
0xa9: {  	s21 =	simm.s32 $0x2500;
	s22 =	simm.s32 $0xC440  }
0xaa: {  	[spmem:s2] =	stream.indirect.scatter.add.f32 [tilespmem:s22], [sflag:$0x2], $0x20, s21, s16, $0xb8;
	[tilespmem:$0x17020] =	vst v63  }
0xab: {  	s24 =	simm.s32 $0x2580;
	s25 =	simm.s32 $0xD3E0  }
0xac: {  	[spmem:s2] =	stream.indirect.scatter.add.f32 [tilespmem:s25], [sflag:$0x2], $0x20, s24, s16, $0xb8;
	[tilespmem:$0x17020] =	vst v63  }
0xad: {  	s26 =	simm.s32 $0x2600;
	s28 =	simm.s32 $0xE380  }
0xae: {  	[spmem:s2] =	stream.indirect.scatter.add.f32 [tilespmem:s28], [sflag:$0x2], $0x20, s26, s16, $0xb8;
	[tilespmem:$0x17020] =	vst v63  }
0xaf: {  	_ = 	snop  }
0xb0: {  	[spmem:s2] =	stream.indirect.scatter.add.f32 [tilespmem:s30], [sflag:$0x2], $0x20, s29, s16, $0xb8;
	[tilespmem:$0x17020] =	vst v63  }
0xb1: {  	_ = 	snop  }
0xb2: {  	[spmem:s2] =	stream.indirect.scatter.add.f32 [tilespmem:s0], [sflag:$0x2], $0x20, s31, s16, $0xb8;
	[tilespmem:$0x17020] =	vst v63  }
0xb3: {  	_ = 	snop  }
0xb4: {  	[spmem:s2] =	stream.indirect.scatter.add.f32 [tilespmem:s18], [sflag:$0x2], $0x20, s1, s16, $0xb8;
	[tilespmem:$0x17020] =	vst v63  }
0xb5: {  	_ =	swait.ge [sflag:s17], $0xFA0  }
0xb6: {  	[sflag:s17] =	ssyncset.done $0x0  }
0xb7: {  	[sflag:s17] =	ssyncadd.s32 $0xFFFFF060  }
0xb8: {  	_ =	swait.ge [sflag:s17], $0xFA0  }
0xb9: {  	[sflag:s17] =	ssyncset.done $0x0  }
0xba: {  	[sflag:s17] =	ssyncadd.s32 $0xFFFFF060  }
0xbb: {  	_ =	swait.ge [sflag:s17], $0xFA0  }
0xbc: {  	[sflag:s17] =	ssyncset.done $0x0  }
0xbd: {  	[sflag:s17] =	ssyncadd.s32 $0xFFFFF060  }
0xbe: {  	_ =	swait.ge [sflag:s17], $0xFA0  }
0xbf: {  	[sflag:s17] =	ssyncset.done $0x0  }
0xc0: {  	[sflag:s17] =	ssyncadd.s32 $0xFFFFF060  }
0xc1: {  	_ =	swait.ge [sflag:s17], $0xFA0  }
0xc2: {  	[sflag:s17] =	ssyncset.done $0x0  }
0xc3: {  	[sflag:s17] =	ssyncadd.s32 $0xFFFFF060  }
0xc4: {  	_ =	swait.ge [sflag:s17], $0xFA0  }
0xc5: {  	[sflag:s17] =	ssyncset.done $0x0  }
0xc6: {  	[sflag:s17] =	ssyncadd.s32 $0xFFFFF060  }
0xc7: {  	_ =	swait.ge [sflag:s17], $0xFA0  }
0xc8: {  	[sflag:s17] =	ssyncset.done $0x0  }
0xc9: {  	[sflag:s17] =	ssyncadd.s32 $0xFFFFF060  }
0xca: {  	_ =	swait.ge [sflag:s17], $0xFA0  }
0xcb: {  	[sflag:s17] =	ssyncset.done $0x0  }
0xcc: {  	[sflag:s17] =	ssyncadd.s32 $0xFFFFF060  }
0xcd: {  	[bflag:$0x0] =	sbarrier.arrive $0xFFFF  }
0xce: {  	[tilespmem:s14], [sflag:$0x3] =	stream.linear.gather [spmem:s4], $0x4E20, $0x38;
	[tilespmem:$0x17020] =	vst v63  }
0xcf: {  	s19 =	sadd.s32 $0x1, s19;
	_ =	swait.ge [sflag:s13], $0x4E20  }
0xd0: {  	p0 =	sne.s32 s19, s10;
	[sflag:s13] =	ssyncset.done $0x0  }
.Ltmp1:
0xd1: {  	[sflag:s13] =	ssyncadd.s32 $0xFFFFB1E0;
	(pc) =	sbr.rel @p0 .LBB2_1-.Ltmp1, $4  }
0xd2: {  	[hbm4b:s9+s3] =	stream.linear.scatter [tilespmem:s14], [sflag:$0x3], $0x4E20, $0x38;
	[tilespmem:$0x17020] =	vst v63  }
0xd3: {  	_ =	swait.ge [sflag:s13], $0x4E20  }
0xd4: {  	[sflag:s13] =	ssyncset.done $0x0  }
0xd5: {  	[sflag:s13] =	ssyncadd.s32 $0xFFFFB1E0  }
0xd6: {  	_ =	sfence.sel $0x180000  }
0xd7: {  	[bflag:$0x0] =	sbarrier.arrive $0xFFFF  }
0xd8: {  	_ =	strace $0x9000004A  }
0xd9: {  	s0 =	stileid.u32;
	[bflag:$0x2] =	sbarrier.arrive $0xFFFF  }
0xda: {  	p0 =	sne.s32 s0, $0x0;
	s0 =	rddreg [dreg:$0x3]  }
0xdb: {  	s0 =	sadd.s32 @!p0 $0x100000, s0  }
0xdc: {  	[sflag:s0] =	ssyncadd.tile.s32 @!p0 $0x1;
	_ =	shalt  }
.Lfunc_end2:
_tile_overlayer_lowered:
.L_overlay_start_2:
0xdd: {  	(tag) =	ssettag $0x2  }
0xde: {  	s0 =	rddreg [dreg:$0x0];
	s2 =	stileid.u32  }
0xdf: {  	s1 =	rddreg [dreg:$0x1];
	p0 =	sne.s32 s2, $0x0  }
0xe0: {  	s3 =	rddreg [dreg:$0x2];
	[bflag:$0x3] =	sbarrier.arrive $0xFFFF;
	s2 =	simm.s32 @!p0 $0x1C03  }
0xe1: {  	[timem:s3], [sflag:s2] =	dma.local @!p0 [hbm:s0], s1  }
0xe2: {  	s0 =	simm.s32 @!p0 $0x3  }
0xe3: {  	_ =	swait.ge @!p0 [sflag:s0], s1  }
0xe4: {  	s1 =	ssub.s32 @!p0 $0x0, s1;
	[sflag:s0] =	ssyncset.done @!p0 $0x0  }
0xe5: {  	[sflag:s0] =	ssyncadd.s32 @!p0 s1  }
0xe6: {  	[bflag:$0x3] =	sbarrier.arrive $0xFFFF  }
0xe7: {  	_ =	shalt  }

</sc_bundles>
